<compile_context>
chip_gen: v7x
topology: tpu7x:2x2x1
jax: 0.10.2.dev20260603
libtpu: 0.0.44.dev20260713+nightly
codegen_flags: <defaults>
</compile_context>

<pallas_src>
import jax
import jax.numpy as jnp
from jax import lax
from jax.experimental import pallas as pl
from jax.experimental.pallas import tpu as pltpu
from jax.experimental.pallas import tpu_sc as plsc

_B, _L, _F = 16384, 50, 10
_DS, _DT = 32, 32
_NSYM, _NTIME = 100, 2000
_DO = _F - 2 + _DS + _DT
_CT = _DO // 8
_DSP, _DTP = _DS + 1, _DT + 1

_NC, _NS, _LANES = 2, 16, 16
_NW = _NC * _NS
_BT = _B // 128
_NUNIT = _L * _BT
_UPW = _NUNIT // _NW
_G = 128 // _LANES


def _body(xt_hbm, embs_hbm, embt_hbm, out_hbm,
          embs_v, embt_v, xv0, xv1, ov0, ov1, sin, sout, stab):
    wid = lax.axis_index("s") * _NC + lax.axis_index("c")
    base = wid * _UPW
    xvs = (xv0, xv1)
    ovs = (ov0, ov1)

    pltpu.async_copy(embs_hbm, embs_v.at[:, pl.ds(0, _DS)], stab).wait()
    pltpu.async_copy(embt_hbm, embt_v.at[:, pl.ds(0, _DT)], stab).wait()

    iota = lax.iota(jnp.int32, _LANES)

    def start_in(u, b):
        l, bt = u // _BT, u % _BT
        return pltpu.async_copy(xt_hbm.at[:, l, pl.ds(bt * 128, 128)],
                                xvs[b], sin[b])

    def wait_in(b):
        pltpu.make_async_copy(xt_hbm.at[:, 0, pl.ds(0, 128)], xvs[b],
                              sin[b]).wait()

    def start_out(u, b):
        l, bt = u // _BT, u % _BT
        return pltpu.async_copy(ovs[b], out_hbm.at[l, :, bt], sout[b])

    def wait_out(b):
        pltpu.make_async_copy(out_hbm.at[0, :, 0], ovs[b], sout[b]).wait()

    def compute(b):
        xv, ov = xvs[b], ovs[b]
        for g in range(_G):
            j0 = g * _LANES
            for c in range(_F - 2):
                ov[0, pl.ds(c * 128 + j0, _LANES)] = xv[c, pl.ds(j0, _LANES)]
        srows = [xv[_F - 2, pl.ds(g * _LANES, _LANES)].astype(jnp.int32)
                 for g in range(_G)]
        trows = [xv[_F - 1, pl.ds(g * _LANES, _LANES)].astype(jnp.int32)
                 for g in range(_G)]
        sr, tr = tuple(srows), tuple(trows)

        @plsc.parallel_loop(0, _LANES, step=1, unroll=2)
        def kstep(k):
            rot = (iota + k) & (_LANES - 1)
            rot16 = rot + _LANES
            for half, dvec in ((0, rot), (1, rot16)):
                cs = (_F - 2) + half * _LANES + rot
                cts, els = cs >> 3, (cs & 7) << 7
                cv = (_F - 2 + _DS) + half * _LANES + rot
                ctt, elt = cv >> 3, (cv & 7) << 7
                vals = []
                for g in range(_G):
                    vals.append(plsc.load_gather(embs_v, [sr[g], dvec]))
                    vals.append(plsc.load_gather(embt_v, [tr[g], dvec]))
                for g in range(_G):
                    col = iota + g * _LANES
                    plsc.store_scatter(ov, [cts, els + col], vals[2 * g])
                    plsc.store_scatter(ov, [ctt, elt + col], vals[2 * g + 1])

    start_in(base, 0)
    start_in(base + 1, 1)

    def pair(j, carry):
        u0 = base + j * 2
        for b in range(2):
            u = u0 + b
            @pl.when(j * 2 + b >= 2)
            def _():
                wait_out(b)
            wait_in(b)
            compute(b)
            start_out(u, b)

            @pl.when(j * 2 + b + 2 < _UPW)
            def _():
                start_in(u + 2, b)
        return carry

    lax.fori_loop(0, _UPW // 2, pair, 0)
    wait_out(0)
    wait_out(1)


@jax.jit
def _sc_embed(xt, embs, embt):
    mesh = plsc.VectorSubcoreMesh(core_axis_name="c", subcore_axis_name="s")
    return pl.kernel(
        _body,
        out_type=jax.ShapeDtypeStruct((_L, _CT, _BT, 1024), jnp.float32),
        mesh=mesh,
        compiler_params=pltpu.CompilerParams(needs_layout_passes=False,
                                             use_tc_tiling_on_sc=False),
        scratch_types=[
            pltpu.VMEM((_NSYM, _DSP), jnp.float32),
            pltpu.VMEM((_NTIME, _DTP), jnp.float32),
            pltpu.VMEM((_F, 128), jnp.float32),
            pltpu.VMEM((_F, 128), jnp.float32),
            pltpu.VMEM((_CT, 1024), jnp.float32),
            pltpu.VMEM((_CT, 1024), jnp.float32),
            [pltpu.SemaphoreType.DMA, pltpu.SemaphoreType.DMA],
            [pltpu.SemaphoreType.DMA, pltpu.SemaphoreType.DMA],
            pltpu.SemaphoreType.DMA,
        ],
    )(xt, embs, embt)


def kernel(x, emb_s, emb_t):
    xt = jnp.transpose(x, (2, 1, 0))
    out5 = _sc_embed(xt, emb_s, emb_t).reshape(_L, _CT, _BT, 8, 128)
    return jnp.transpose(out5, (2, 4, 0, 1, 3)).reshape(_B, _L, _DO)

# --- scband reference (transcript-rebuilt; emitter-appended) ---
"""Pipeline reference for scband-symbol-and-time-embedding-11708080849181 (READ-ONLY COPY).

The authoritative reference and input builder live on the scoring server;
editing this copy changes nothing except your own understanding.
"""

import jax, jax.numpy as jnp
import numpy as np

B, L, F = 16384, 50, 10
D_S, D_T = 32, 32
N_SYM, N_TIME = 100, 2000


def setup_inputs(seed: int = 0) -> dict:
    key = jax.random.key(seed)
    k1, k2, k3 = jax.random.split(key, 3)
    # fill=rand -> uniform [0,1); cast of last two columns to int32 yields 0, a valid index
    x = jax.random.uniform(k1, (B, L, F), dtype=jnp.float32)
    # learned parameters: nn.Embedding(100, D_S) and nn.Embedding(2000, D_T)
    emb_s = jax.random.normal(k2, (N_SYM, D_S), dtype=jnp.float32)
    emb_t = jax.random.normal(k3, (N_TIME, D_T), dtype=jnp.float32)
    return {"x": x, "emb_s": emb_s, "emb_t": emb_t}


def reference(x, emb_s, emb_t):
    symbol_id = x[:, :, -2].astype(jnp.int32)
    time_id = x[:, :, -1].astype(jnp.int32)
    e_s = jnp.take(emb_s, symbol_id, axis=0)   # [B, L, D_S]
    e_t = jnp.take(emb_t, time_id, axis=0)     # [B, L, D_T]
    out = jnp.concatenate((x[:, :, :-2], e_s, e_t), axis=2)
    return out

if __name__ == "__main__":
    import jax
    _d = setup_inputs()
    print(jax.jit(kernel)(*tuple(_d.values())))

</pallas_src>

<mosaic_0001>
#map = affine_map<(d0, d1) -> (0, 0, 0)>
#map1 = affine_map<(d0, d1) -> (0, 0)>
#map2 = affine_map<(d0, d1) -> (0, 0, 0, 0)>
module attributes {stable_mosaic.version = 14 : i64} {
  func.func @_body(%arg0: i32, %arg1: i32, %arg2: memref<10x50x16384xf32, #tpu.memory_space<hbm>>, %arg3: memref<100x32xf32, #tpu.memory_space<hbm>>, %arg4: memref<2000x32xf32, #tpu.memory_space<hbm>>, %arg5: memref<50x9x128x1024xf32, #tpu.memory_space<hbm>>, %arg6: memref<100x33xf32, #tpu.memory_space<vmem>>, %arg7: memref<2000x33xf32, #tpu.memory_space<vmem>>, %arg8: memref<10x128xf32, #tpu.memory_space<vmem>>, %arg9: memref<10x128xf32, #tpu.memory_space<vmem>>, %arg10: memref<9x1024xf32, #tpu.memory_space<vmem>>, %arg11: memref<9x1024xf32, #tpu.memory_space<vmem>>, %arg12: memref<!tpu.dma_semaphore, #tpu.memory_space<semaphore_mem>>, %arg13: memref<!tpu.dma_semaphore, #tpu.memory_space<semaphore_mem>>, %arg14: memref<!tpu.dma_semaphore, #tpu.memory_space<semaphore_mem>>, %arg15: memref<!tpu.dma_semaphore, #tpu.memory_space<semaphore_mem>>, %arg16: memref<!tpu.dma_semaphore, #tpu.memory_space<semaphore_mem>>) attributes {dimension_semantics = [#tpu.dimension_semantics<core_parallel>, #tpu.dimension_semantics<subcore_parallel>], iteration_bounds = array<i64: 2, 16>, scalar_prefetch = 0 : i64, scratch_operands = 11 : i64, tpu.core_type = #tpu.core_type<sc_vector_subcore>, window_params = [{transform_indices = #map}, {transform_indices = #map1}, {transform_indices = #map1}, {transform_indices = #map2}]} {
    %mul3A = arith.constant 2 : i32
    %mul3A_0 = arith.muli %arg1, %mul3A : i32
    %add3A = arith.addi %mul3A_0, %arg0 : i32
    %mul3A_1 = arith.constant 200 : i32
    %mul3A_2 = arith.muli %add3A, %mul3A_1 : i32
    %dma_start3A = arith.constant 0 : i32
    %dma_start3A_3 = arith.constant 0 : i32
    %dma_start3A_4 = tpu.memref_slice %arg6[%dma_start3A, %dma_start3A_3] : memref<100x33xf32, #tpu.memory_space<vmem>> -> memref<100x32xf32, #tpu.memory_space<vmem>>
    %dma_start3A_5 = arith.constant 0 : i32
    %dma_start3A_6 = arith.constant 0 : i32
    %dma_start3A_7 = tpu.memref_slice %arg6[%dma_start3A_5, %dma_start3A_6] : memref<100x33xf32, #tpu.memory_space<vmem>> -> memref<100x32xf32, #tpu.memory_space<vmem>>
    tpu.enqueue_dma source(%arg3 : memref<100x32xf32, #tpu.memory_space<hbm>>) target(%dma_start3A_7 : memref<100x32xf32, #tpu.memory_space<vmem>>) target_semaphore(%arg16 : memref<!tpu.dma_semaphore, #tpu.memory_space<semaphore_mem>>)
    %dma_wait3A = arith.constant 0 : i32
    %dma_wait3A_8 = arith.constant 0 : i32
    %dma_wait3A_9 = tpu.memref_slice %arg6[%dma_wait3A, %dma_wait3A_8] : memref<100x33xf32, #tpu.memory_space<vmem>> -> memref<100x32xf32, #tpu.memory_space<vmem>>
    %dma_wait3A_10 = arith.constant 0 : i32
    %dma_wait3A_11 = arith.constant 0 : i32
    %dma_wait3A_12 = tpu.memref_slice %arg6[%dma_wait3A_10, %dma_wait3A_11] : memref<100x33xf32, #tpu.memory_space<vmem>> -> memref<100x32xf32, #tpu.memory_space<vmem>>
    tpu.wait_dma2 semaphore(%arg16 : memref<!tpu.dma_semaphore, #tpu.memory_space<semaphore_mem>>) src(%arg3 : memref<100x32xf32, #tpu.memory_space<hbm>>) dst(%dma_wait3A_12 : memref<100x32xf32, #tpu.memory_space<vmem>>)
    %dma_start3A_13 = arith.constant 0 : i32
    %dma_start3A_14 = arith.constant 0 : i32
    %dma_start3A_15 = tpu.memref_slice %arg7[%dma_start3A_13, %dma_start3A_14] : memref<2000x33xf32, #tpu.memory_space<vmem>> -> memref<2000x32xf32, #tpu.memory_space<vmem>>
    %dma_start3A_16 = arith.constant 0 : i32
    %dma_start3A_17 = arith.constant 0 : i32
    %dma_start3A_18 = tpu.memref_slice %arg7[%dma_start3A_16, %dma_start3A_17] : memref<2000x33xf32, #tpu.memory_space<vmem>> -> memref<2000x32xf32, #tpu.memory_space<vmem>>
    tpu.enqueue_dma source(%arg4 : memref<2000x32xf32, #tpu.memory_space<hbm>>) target(%dma_start3A_18 : memref<2000x32xf32, #tpu.memory_space<vmem>>) target_semaphore(%arg16 : memref<!tpu.dma_semaphore, #tpu.memory_space<semaphore_mem>>)
    %dma_wait3A_19 = arith.constant 0 : i32
    %dma_wait3A_20 = arith.constant 0 : i32
    %dma_wait3A_21 = tpu.memref_slice %arg7[%dma_wait3A_19, %dma_wait3A_20] : memref<2000x33xf32, #tpu.memory_space<vmem>> -> memref<2000x32xf32, #tpu.memory_space<vmem>>
    %dma_wait3A_22 = arith.constant 0 : i32
    %dma_wait3A_23 = arith.constant 0 : i32
    %dma_wait3A_24 = tpu.memref_slice %arg7[%dma_wait3A_22, %dma_wait3A_23] : memref<2000x33xf32, #tpu.memory_space<vmem>> -> memref<2000x32xf32, #tpu.memory_space<vmem>>
    tpu.wait_dma2 semaphore(%arg16 : memref<!tpu.dma_semaphore, #tpu.memory_space<semaphore_mem>>) src(%arg4 : memref<2000x32xf32, #tpu.memory_space<hbm>>) dst(%dma_wait3A_24 : memref<2000x32xf32, #tpu.memory_space<vmem>>)
    %iota3A = tpu.iota {dimensions = array<i32: 0>} : vector<16xi32>
    %jit3A = arith.constant 128 : i32
    %div3A = arith.divsi %mul3A_2, %jit3A : i32
    %sign3A = arith.constant 0 : i32
    %sign3A_25 = arith.cmpi sgt, %mul3A_2, %sign3A : i32
    %sign3A_26 = arith.extui %sign3A_25 : i1 to i32
    %sign3A_27 = arith.constant 0 : i32
    %sign3A_28 = arith.cmpi slt, %mul3A_2, %sign3A_27 : i32
    %sign3A_29 = arith.extui %sign3A_28 : i1 to i32
    %sign3A_30 = arith.subi %sign3A_26, %sign3A_29 : i32
    %sign3A_31 = arith.constant 0 : i32
    %sign3A_32 = arith.cmpi sgt, %jit3A, %sign3A_31 : i32
    %sign3A_33 = arith.extui %sign3A_32 : i1 to i32
    %sign3A_34 = arith.constant 0 : i32
    %sign3A_35 = arith.cmpi slt, %jit3A, %sign3A_34 : i32
    %sign3A_36 = arith.extui %sign3A_35 : i1 to i32
    %sign3A_37 = arith.subi %sign3A_33, %sign3A_36 : i32
    %ne3A = arith.cmpi ne, %sign3A_30, %sign3A_37 : i32
    %rem3A = arith.remsi %mul3A_2, %jit3A : i32
    %ne3A_38 = arith.constant 0 : i32
    %ne3A_39 = arith.cmpi ne, %rem3A, %ne3A_38 : i32
    %and3A = arith.andi %ne3A, %ne3A_39 : i1
    %sub3A = arith.constant 1 : i32
    %sub3A_40 = arith.subi %div3A, %sub3A : i32
    %select_n3A = arith.select %and3A, %sub3A_40, %div3A : i32
    %jit3A_41 = arith.constant 128 : i32
    %eq3A = arith.constant 0 : i32
    %eq3A_42 = arith.cmpi eq, %jit3A_41, %eq3A : i32
    %jit3A_43 = arith.constant 1 : i32
    %select_n3A_44 = arith.select %eq3A_42, %jit3A_43, %jit3A_41 : i32
    %rem3A_45 = arith.remsi %mul3A_2, %select_n3A_44 : i32
    %ne3A_46 = arith.constant 0 : i32
    %ne3A_47 = arith.cmpi ne, %rem3A_45, %ne3A_46 : i32
    %lt3A = arith.constant 0 : i32
    %lt3A_48 = arith.cmpi slt, %rem3A_45, %lt3A : i32
    %lt3A_49 = arith.constant 0 : i32
    %lt3A_50 = arith.cmpi slt, %select_n3A_44, %lt3A_49 : i32
    %ne3A_51 = arith.xori %lt3A_48, %lt3A_50 : i1
    %and3A_52 = arith.andi %ne3A_51, %ne3A_47 : i1
    %add3A_53 = arith.addi %rem3A_45, %select_n3A_44 : i32
    %select_n3A_54 = arith.select %and3A_52, %add3A_53, %rem3A_45 : i32
    %mul3A_55 = arith.constant 128 : i32
    %mul3A_56 = arith.muli %select_n3A_54, %mul3A_55 : i32
    %dma_start3A_57 = arith.constant 0 : i32
    %dma_start3A_58 = tpu.memref_slice %arg2[%dma_start3A_57, %select_n3A, %mul3A_56] : memref<10x50x16384xf32, #tpu.memory_space<hbm>> -> memref<10x1x128xf32, #tpu.memory_space<hbm>>
    %dma_start3A_59 = tpu.memref_squeeze %dma_start3A_58 : memref<10x1x128xf32, #tpu.memory_space<hbm>> -> memref<10x128xf32, #tpu.memory_space<hbm>>
    %dma_start3A_60 = arith.constant 0 : i32
    %dma_start3A_61 = tpu.memref_slice %arg2[%dma_start3A_60, %select_n3A, %mul3A_56] : memref<10x50x16384xf32, #tpu.memory_space<hbm>> -> memref<10x1x128xf32, #tpu.memory_space<hbm>>
    %dma_start3A_62 = tpu.memref_squeeze %dma_start3A_61 : memref<10x1x128xf32, #tpu.memory_space<hbm>> -> memref<10x128xf32, #tpu.memory_space<hbm>>
    tpu.enqueue_dma source(%dma_start3A_62 : memref<10x128xf32, #tpu.memory_space<hbm>>) target(%arg8 : memref<10x128xf32, #tpu.memory_space<vmem>>) target_semaphore(%arg12 : memref<!tpu.dma_semaphore, #tpu.memory_space<semaphore_mem>>)
    %add3A_63 = arith.constant 1 : i32
    %add3A_64 = arith.addi %mul3A_2, %add3A_63 : i32
    %jit3A_65 = arith.constant 128 : i32
    %div3A_66 = arith.divsi %add3A_64, %jit3A_65 : i32
    %sign3A_67 = arith.constant 0 : i32
    %sign3A_68 = arith.cmpi sgt, %add3A_64, %sign3A_67 : i32
    %sign3A_69 = arith.extui %sign3A_68 : i1 to i32
    %sign3A_70 = arith.constant 0 : i32
    %sign3A_71 = arith.cmpi slt, %add3A_64, %sign3A_70 : i32
    %sign3A_72 = arith.extui %sign3A_71 : i1 to i32
    %sign3A_73 = arith.subi %sign3A_69, %sign3A_72 : i32
    %sign3A_74 = arith.constant 0 : i32
    %sign3A_75 = arith.cmpi sgt, %jit3A_65, %sign3A_74 : i32
    %sign3A_76 = arith.extui %sign3A_75 : i1 to i32
    %sign3A_77 = arith.constant 0 : i32
    %sign3A_78 = arith.cmpi slt, %jit3A_65, %sign3A_77 : i32
    %sign3A_79 = arith.extui %sign3A_78 : i1 to i32
    %sign3A_80 = arith.subi %sign3A_76, %sign3A_79 : i32
    %ne3A_81 = arith.cmpi ne, %sign3A_73, %sign3A_80 : i32
    %rem3A_82 = arith.remsi %add3A_64, %jit3A_65 : i32
    %ne3A_83 = arith.constant 0 : i32
    %ne3A_84 = arith.cmpi ne, %rem3A_82, %ne3A_83 : i32
    %and3A_85 = arith.andi %ne3A_81, %ne3A_84 : i1
    %sub3A_86 = arith.constant 1 : i32
    %sub3A_87 = arith.subi %div3A_66, %sub3A_86 : i32
    %select_n3A_88 = arith.select %and3A_85, %sub3A_87, %div3A_66 : i32
    %jit3A_89 = arith.constant 128 : i32
    %eq3A_90 = arith.constant 0 : i32
    %eq3A_91 = arith.cmpi eq, %jit3A_89, %eq3A_90 : i32
    %jit3A_92 = arith.constant 1 : i32
    %select_n3A_93 = arith.select %eq3A_91, %jit3A_92, %jit3A_89 : i32
    %rem3A_94 = arith.remsi %add3A_64, %select_n3A_93 : i32
    %ne3A_95 = arith.constant 0 : i32
    %ne3A_96 = arith.cmpi ne, %rem3A_94, %ne3A_95 : i32
    %lt3A_97 = arith.constant 0 : i32
    %lt3A_98 = arith.cmpi slt, %rem3A_94, %lt3A_97 : i32
    %lt3A_99 = arith.constant 0 : i32
    %lt3A_100 = arith.cmpi slt, %select_n3A_93, %lt3A_99 : i32
    %ne3A_101 = arith.xori %lt3A_98, %lt3A_100 : i1
    %and3A_102 = arith.andi %ne3A_101, %ne3A_96 : i1
    %add3A_103 = arith.addi %rem3A_94, %select_n3A_93 : i32
    %select_n3A_104 = arith.select %and3A_102, %add3A_103, %rem3A_94 : i32
    %mul3A_105 = arith.constant 128 : i32
    %mul3A_106 = arith.muli %select_n3A_104, %mul3A_105 : i32
    %dma_start3A_107 = arith.constant 0 : i32
    %dma_start3A_108 = tpu.memref_slice %arg2[%dma_start3A_107, %select_n3A_88, %mul3A_106] : memref<10x50x16384xf32, #tpu.memory_space<hbm>> -> memref<10x1x128xf32, #tpu.memory_space<hbm>>
    %dma_start3A_109 = tpu.memref_squeeze %dma_start3A_108 : memref<10x1x128xf32, #tpu.memory_space<hbm>> -> memref<10x128xf32, #tpu.memory_space<hbm>>
    %dma_start3A_110 = arith.constant 0 : i32
    %dma_start3A_111 = tpu.memref_slice %arg2[%dma_start3A_110, %select_n3A_88, %mul3A_106] : memref<10x50x16384xf32, #tpu.memory_space<hbm>> -> memref<10x1x128xf32, #tpu.memory_space<hbm>>
    %dma_start3A_112 = tpu.memref_squeeze %dma_start3A_111 : memref<10x1x128xf32, #tpu.memory_space<hbm>> -> memref<10x128xf32, #tpu.memory_space<hbm>>
    tpu.enqueue_dma source(%dma_start3A_112 : memref<10x128xf32, #tpu.memory_space<hbm>>) target(%arg9 : memref<10x128xf32, #tpu.memory_space<vmem>>) target_semaphore(%arg13 : memref<!tpu.dma_semaphore, #tpu.memory_space<semaphore_mem>>)
    %scan3A = arith.constant 0 : i32
    %scan3A_113 = arith.constant 0 : i32
    %scan3A_114 = arith.constant 100 : i32
    %scan3A_115 = arith.addi %scan3A_113, %scan3A_114 : i32
    %scan3A_116 = arith.constant 1 : i32
    scf.for %scan3A_138 = %scan3A_113 to %scan3A_115 step %scan3A_116  : i32 {
      %mul3A_139 = arith.constant 2 : i32
      %mul3A_140 = arith.muli %scan3A_138, %mul3A_139 : i32
      %add3A_141 = arith.addi %mul3A_2, %mul3A_140 : i32
      %add3A_142 = arith.constant 0 : i32
      %add3A_143 = arith.addi %add3A_141, %add3A_142 : i32
      %mul3A_144 = arith.constant 2 : i32
      %mul3A_145 = arith.muli %scan3A_138, %mul3A_144 : i32
      %add3A_146 = arith.constant 0 : i32
      %add3A_147 = arith.addi %mul3A_145, %add3A_146 : i32
      %ge3A = arith.constant 2 : i32
      %ge3A_148 = arith.cmpi sge, %add3A_147, %ge3A : i32
      %convert_element_type3A = arith.extui %ge3A_148 : i1 to i32
      %cond3A = arith.constant 0 : i32
      %cond3A_149 = arith.cmpi ne, %convert_element_type3A, %cond3A : i32
      scf.if %cond3A_149 {
        %dma_wait3A_1484 = arith.constant 0 : i32
        %dma_wait3A_1485 = arith.constant 0 : i32
        %dma_wait3A_1486 = arith.constant 0 : i32
        %dma_wait3A_1487 = arith.constant 0 : i32
        %dma_wait3A_1488 = tpu.memref_slice %arg5[%dma_wait3A_1484, %dma_wait3A_1486, %dma_wait3A_1485, %dma_wait3A_1487] : memref<50x9x128x1024xf32, #tpu.memory_space<hbm>> -> memref<1x9x1x1024xf32, #tpu.memory_space<hbm>>
        %dma_wait3A_1489 = tpu.memref_squeeze %dma_wait3A_1488 : memref<1x9x1x1024xf32, #tpu.memory_space<hbm>> -> memref<9x1024xf32, #tpu.memory_space<hbm>>
        %dma_wait3A_1490 = arith.constant 0 : i32
        %dma_wait3A_1491 = arith.constant 0 : i32
        %dma_wait3A_1492 = tpu.memref_slice %arg5[%dma_wait3A_1484, %dma_wait3A_1490, %dma_wait3A_1485, %dma_wait3A_1491] : memref<50x9x128x1024xf32, #tpu.memory_space<hbm>> -> memref<1x9x1x1024xf32, #tpu.memory_space<hbm>>
        %dma_wait3A_1493 = tpu.memref_squeeze %dma_wait3A_1492 : memref<1x9x1x1024xf32, #tpu.memory_space<hbm>> -> memref<9x1024xf32, #tpu.memory_space<hbm>>
        tpu.wait_dma2 semaphore(%arg14 : memref<!tpu.dma_semaphore, #tpu.memory_space<semaphore_mem>>) src(%dma_wait3A_1493 : memref<9x1024xf32, #tpu.memory_space<hbm>>) dst(%arg10 : memref<9x1024xf32, #tpu.memory_space<vmem>>)
      } else {
      }
      %dma_wait3A_150 = arith.constant 0 : i32
      %dma_wait3A_151 = arith.constant 0 : i32
      %dma_wait3A_152 = arith.constant 0 : i32
      %dma_wait3A_153 = tpu.memref_slice %arg2[%dma_wait3A_151, %dma_wait3A_150, %dma_wait3A_152] : memref<10x50x16384xf32, #tpu.memory_space<hbm>> -> memref<10x1x128xf32, #tpu.memory_space<hbm>>
      %dma_wait3A_154 = tpu.memref_squeeze %dma_wait3A_153 : memref<10x1x128xf32, #tpu.memory_space<hbm>> -> memref<10x128xf32, #tpu.memory_space<hbm>>
      %dma_wait3A_155 = arith.constant 0 : i32
      %dma_wait3A_156 = arith.constant 0 : i32
      %dma_wait3A_157 = tpu.memref_slice %arg2[%dma_wait3A_155, %dma_wait3A_150, %dma_wait3A_156] : memref<10x50x16384xf32, #tpu.memory_space<hbm>> -> memref<10x1x128xf32, #tpu.memory_space<hbm>>
      %dma_wait3A_158 = tpu.memref_squeeze %dma_wait3A_157 : memref<10x1x128xf32, #tpu.memory_space<hbm>> -> memref<10x128xf32, #tpu.memory_space<hbm>>
      tpu.wait_dma2 semaphore(%arg12 : memref<!tpu.dma_semaphore, #tpu.memory_space<semaphore_mem>>) src(%dma_wait3A_158 : memref<10x128xf32, #tpu.memory_space<hbm>>) dst(%arg8 : memref<10x128xf32, #tpu.memory_space<vmem>>)
      %get3A = arith.constant 0 : i32
      %get3A_159 = arith.index_cast %get3A : i32 to index
      %get3A_160 = arith.constant 0 : index
      %get3A_161 = tpu.vector_load %arg8[%get3A_159, %get3A_160] {strides = array<i32>} : memref<10x128xf32, #tpu.memory_space<vmem>>, vector<16xf32>,
      %swap3A = arith.constant 0 : i32
      %swap3A_162 = arith.index_cast %swap3A : i32 to index
      %swap3A_163 = arith.constant 0 : index
      %swap3A_164 = tpu.vector_load %arg10[%swap3A_162, %swap3A_163] {strides = array<i32>} : memref<9x1024xf32, #tpu.memory_space<vmem>>, vector<16xf32>,
      tpu.vector_store %arg10[%swap3A_162, %swap3A_163], %get3A_161 {strides = array<i32>} : memref<9x1024xf32, #tpu.memory_space<vmem>>, vector<16xf32>,
      %get3A_165 = arith.constant 1 : i32
      %get3A_166 = arith.index_cast %get3A_165 : i32 to index
      %get3A_167 = arith.constant 0 : index
      %get3A_168 = tpu.vector_load %arg8[%get3A_166, %get3A_167] {strides = array<i32>} : memref<10x128xf32, #tpu.memory_space<vmem>>, vector<16xf32>,
      %swap3A_169 = arith.constant 0 : i32
      %swap3A_170 = arith.index_cast %swap3A_169 : i32 to index
      %swap3A_171 = arith.constant 128 : index
      %swap3A_172 = tpu.vector_load %arg10[%swap3A_170, %swap3A_171] {strides = array<i32>} : memref<9x1024xf32, #tpu.memory_space<vmem>>, vector<16xf32>,
      tpu.vector_store %arg10[%swap3A_170, %swap3A_171], %get3A_168 {strides = array<i32>} : memref<9x1024xf32, #tpu.memory_space<vmem>>, vector<16xf32>,
      %get3A_173 = arith.constant 2 : i32
      %get3A_174 = arith.index_cast %get3A_173 : i32 to index
      %get3A_175 = arith.constant 0 : index
      %get3A_176 = tpu.vector_load %arg8[%get3A_174, %get3A_175] {strides = array<i32>} : memref<10x128xf32, #tpu.memory_space<vmem>>, vector<16xf32>,
      %swap3A_177 = arith.constant 0 : i32
      %swap3A_178 = arith.index_cast %swap3A_177 : i32 to index
      %swap3A_179 = arith.constant 256 : index
      %swap3A_180 = tpu.vector_load %arg10[%swap3A_178, %swap3A_179] {strides = array<i32>} : memref<9x1024xf32, #tpu.memory_space<vmem>>, vector<16xf32>,
      tpu.vector_store %arg10[%swap3A_178, %swap3A_179], %get3A_176 {strides = array<i32>} : memref<9x1024xf32, #tpu.memory_space<vmem>>, vector<16xf32>,
      %get3A_181 = arith.constant 3 : i32
      %get3A_182 = arith.index_cast %get3A_181 : i32 to index
      %get3A_183 = arith.constant 0 : index
      %get3A_184 = tpu.vector_load %arg8[%get3A_182, %get3A_183] {strides = array<i32>} : memref<10x128xf32, #tpu.memory_space<vmem>>, vector<16xf32>,
      %swap3A_185 = arith.constant 0 : i32
      %swap3A_186 = arith.index_cast %swap3A_185 : i32 to index
      %swap3A_187 = arith.constant 384 : index
      %swap3A_188 = tpu.vector_load %arg10[%swap3A_186, %swap3A_187] {strides = array<i32>} : memref<9x1024xf32, #tpu.memory_space<vmem>>, vector<16xf32>,
      tpu.vector_store %arg10[%swap3A_186, %swap3A_187], %get3A_184 {strides = array<i32>} : memref<9x1024xf32, #tpu.memory_space<vmem>>, vector<16xf32>,
      %get3A_189 = arith.constant 4 : i32
      %get3A_190 = arith.index_cast %get3A_189 : i32 to index
      %get3A_191 = arith.constant 0 : index
      %get3A_192 = tpu.vector_load %arg8[%get3A_190, %get3A_191] {strides = array<i32>} : memref<10x128xf32, #tpu.memory_space<vmem>>, vector<16xf32>,
      %swap3A_193 = arith.constant 0 : i32
      %swap3A_194 = arith.index_cast %swap3A_193 : i32 to index
      %swap3A_195 = arith.constant 512 : index
      %swap3A_196 = tpu.vector_load %arg10[%swap3A_194, %swap3A_195] {strides = array<i32>} : memref<9x1024xf32, #tpu.memory_space<vmem>>, vector<16xf32>,
      tpu.vector_store %arg10[%swap3A_194, %swap3A_195], %get3A_192 {strides = array<i32>} : memref<9x1024xf32, #tpu.memory_space<vmem>>, vector<16xf32>,
      %get3A_197 = arith.constant 5 : i32
      %get3A_198 = arith.index_cast %get3A_197 : i32 to index
      %get3A_199 = arith.constant 0 : index
      %get3A_200 = tpu.vector_load %arg8[%get3A_198, %get3A_199] {strides = array<i32>} : memref<10x128xf32, #tpu.memory_space<vmem>>, vector<16xf32>,
      %swap3A_201 = arith.constant 0 : i32
      %swap3A_202 = arith.index_cast %swap3A_201 : i32 to index
      %swap3A_203 = arith.constant 640 : index
      %swap3A_204 = tpu.vector_load %arg10[%swap3A_202, %swap3A_203] {strides = array<i32>} : memref<9x1024xf32, #tpu.memory_space<vmem>>, vector<16xf32>,
      tpu.vector_store %arg10[%swap3A_202, %swap3A_203], %get3A_200 {strides = array<i32>} : memref<9x1024xf32, #tpu.memory_space<vmem>>, vector<16xf32>,
      %get3A_205 = arith.constant 6 : i32
      %get3A_206 = arith.index_cast %get3A_205 : i32 to index
      %get3A_207 = arith.constant 0 : index
      %get3A_208 = tpu.vector_load %arg8[%get3A_206, %get3A_207] {strides = array<i32>} : memref<10x128xf32, #tpu.memory_space<vmem>>, vector<16xf32>,
      %swap3A_209 = arith.constant 0 : i32
      %swap3A_210 = arith.index_cast %swap3A_209 : i32 to index
      %swap3A_211 = arith.constant 768 : index
      %swap3A_212 = tpu.vector_load %arg10[%swap3A_210, %swap3A_211] {strides = array<i32>} : memref<9x1024xf32, #tpu.memory_space<vmem>>, vector<16xf32>,
      tpu.vector_store %arg10[%swap3A_210, %swap3A_211], %get3A_208 {strides = array<i32>} : memref<9x1024xf32, #tpu.memory_space<vmem>>, vector<16xf32>,
      %get3A_213 = arith.constant 7 : i32
      %get3A_214 = arith.index_cast %get3A_213 : i32 to index
      %get3A_215 = arith.constant 0 : index
      %get3A_216 = tpu.vector_load %arg8[%get3A_214, %get3A_215] {strides = array<i32>} : memref<10x128xf32, #tpu.memory_space<vmem>>, vector<16xf32>,
      %swap3A_217 = arith.constant 0 : i32
      %swap3A_218 = arith.index_cast %swap3A_217 : i32 to index
      %swap3A_219 = arith.constant 896 : index
      %swap3A_220 = tpu.vector_load %arg10[%swap3A_218, %swap3A_219] {strides = array<i32>} : memref<9x1024xf32, #tpu.memory_space<vmem>>, vector<16xf32>,
      tpu.vector_store %arg10[%swap3A_218, %swap3A_219], %get3A_216 {strides = array<i32>} : memref<9x1024xf32, #tpu.memory_space<vmem>>, vector<16xf32>,
      %get3A_221 = arith.constant 0 : i32
      %get3A_222 = arith.index_cast %get3A_221 : i32 to index
      %get3A_223 = arith.constant 16 : index
      %get3A_224 = tpu.vector_load %arg8[%get3A_222, %get3A_223] {strides = array<i32>} : memref<10x128xf32, #tpu.memory_space<vmem>>, vector<16xf32>,
      %swap3A_225 = arith.constant 0 : i32
      %swap3A_226 = arith.index_cast %swap3A_225 : i32 to index
      %swap3A_227 = arith.constant 16 : index
      %swap3A_228 = tpu.vector_load %arg10[%swap3A_226, %swap3A_227] {strides = array<i32>} : memref<9x1024xf32, #tpu.memory_space<vmem>>, vector<16xf32>,
      tpu.vector_store %arg10[%swap3A_226, %swap3A_227], %get3A_224 {strides = array<i32>} : memref<9x1024xf32, #tpu.memory_space<vmem>>, vector<16xf32>,
      %get3A_229 = arith.constant 1 : i32
      %get3A_230 = arith.index_cast %get3A_229 : i32 to index
      %get3A_231 = arith.constant 16 : index
      %get3A_232 = tpu.vector_load %arg8[%get3A_230, %get3A_231] {strides = array<i32>} : memref<10x128xf32, #tpu.memory_space<vmem>>, vector<16xf32>,
      %swap3A_233 = arith.constant 0 : i32
      %swap3A_234 = arith.index_cast %swap3A_233 : i32 to index
      %swap3A_235 = arith.constant 144 : index
      %swap3A_236 = tpu.vector_load %arg10[%swap3A_234, %swap3A_235] {strides = array<i32>} : memref<9x1024xf32, #tpu.memory_space<vmem>>, vector<16xf32>,
      tpu.vector_store %arg10[%swap3A_234, %swap3A_235], %get3A_232 {strides = array<i32>} : memref<9x1024xf32, #tpu.memory_space<vmem>>, vector<16xf32>,
      %get3A_237 = arith.constant 2 : i32
      %get3A_238 = arith.index_cast %get3A_237 : i32 to index
      %get3A_239 = arith.constant 16 : index
      %get3A_240 = tpu.vector_load %arg8[%get3A_238, %get3A_239] {strides = array<i32>} : memref<10x128xf32, #tpu.memory_space<vmem>>, vector<16xf32>,
      %swap3A_241 = arith.constant 0 : i32
      %swap3A_242 = arith.index_cast %swap3A_241 : i32 to index
      %swap3A_243 = arith.constant 272 : index
      %swap3A_244 = tpu.vector_load %arg10[%swap3A_242, %swap3A_243] {strides = array<i32>} : memref<9x1024xf32, #tpu.memory_space<vmem>>, vector<16xf32>,
      tpu.vector_store %arg10[%swap3A_242, %swap3A_243], %get3A_240 {strides = array<i32>} : memref<9x1024xf32, #tpu.memory_space<vmem>>, vector<16xf32>,
      %get3A_245 = arith.constant 3 : i32
      %get3A_246 = arith.index_cast %get3A_245 : i32 to index
      %get3A_247 = arith.constant 16 : index
      %get3A_248 = tpu.vector_load %arg8[%get3A_246, %get3A_247] {strides = array<i32>} : memref<10x128xf32, #tpu.memory_space<vmem>>, vector<16xf32>,
      %swap3A_249 = arith.constant 0 : i32
      %swap3A_250 = arith.index_cast %swap3A_249 : i32 to index
      %swap3A_251 = arith.constant 400 : index
      %swap3A_252 = tpu.vector_load %arg10[%swap3A_250, %swap3A_251] {strides = array<i32>} : memref<9x1024xf32, #tpu.memory_space<vmem>>, vector<16xf32>,
      tpu.vector_store %arg10[%swap3A_250, %swap3A_251], %get3A_248 {strides = array<i32>} : memref<9x1024xf32, #tpu.memory_space<vmem>>, vector<16xf32>,
      %get3A_253 = arith.constant 4 : i32
      %get3A_254 = arith.index_cast %get3A_253 : i32 to index
      %get3A_255 = arith.constant 16 : index
      %get3A_256 = tpu.vector_load %arg8[%get3A_254, %get3A_255] {strides = array<i32>} : memref<10x128xf32, #tpu.memory_space<vmem>>, vector<16xf32>,
      %swap3A_257 = arith.constant 0 : i32
      %swap3A_258 = arith.index_cast %swap3A_257 : i32 to index
      %swap3A_259 = arith.constant 528 : index
      %swap3A_260 = tpu.vector_load %arg10[%swap3A_258, %swap3A_259] {strides = array<i32>} : memref<9x1024xf32, #tpu.memory_space<vmem>>, vector<16xf32>,
      tpu.vector_store %arg10[%swap3A_258, %swap3A_259], %get3A_256 {strides = array<i32>} : memref<9x1024xf32, #tpu.memory_space<vmem>>, vector<16xf32>,
      %get3A_261 = arith.constant 5 : i32
      %get3A_262 = arith.index_cast %get3A_261 : i32 to index
      %get3A_263 = arith.constant 16 : index
      %get3A_264 = tpu.vector_load %arg8[%get3A_262, %get3A_263] {strides = array<i32>} : memref<10x128xf32, #tpu.memory_space<vmem>>, vector<16xf32>,
      %swap3A_265 = arith.constant 0 : i32
      %swap3A_266 = arith.index_cast %swap3A_265 : i32 to index
      %swap3A_267 = arith.constant 656 : index
      %swap3A_268 = tpu.vector_load %arg10[%swap3A_266, %swap3A_267] {strides = array<i32>} : memref<9x1024xf32, #tpu.memory_space<vmem>>, vector<16xf32>,
      tpu.vector_store %arg10[%swap3A_266, %swap3A_267], %get3A_264 {strides = array<i32>} : memref<9x1024xf32, #tpu.memory_space<vmem>>, vector<16xf32>,
      %get3A_269 = arith.constant 6 : i32
      %get3A_270 = arith.index_cast %get3A_269 : i32 to index
      %get3A_271 = arith.constant 16 : index
      %get3A_272 = tpu.vector_load %arg8[%get3A_270, %get3A_271] {strides = array<i32>} : memref<10x128xf32, #tpu.memory_space<vmem>>, vector<16xf32>,
      %swap3A_273 = arith.constant 0 : i32
      %swap3A_274 = arith.index_cast %swap3A_273 : i32 to index
      %swap3A_275 = arith.constant 784 : index
      %swap3A_276 = tpu.vector_load %arg10[%swap3A_274, %swap3A_275] {strides = array<i32>} : memref<9x1024xf32, #tpu.memory_space<vmem>>, vector<16xf32>,
      tpu.vector_store %arg10[%swap3A_274, %swap3A_275], %get3A_272 {strides = array<i32>} : memref<9x1024xf32, #tpu.memory_space<vmem>>, vector<16xf32>,
      %get3A_277 = arith.constant 7 : i32
      %get3A_278 = arith.index_cast %get3A_277 : i32 to index
      %get3A_279 = arith.constant 16 : index
      %get3A_280 = tpu.vector_load %arg8[%get3A_278, %get3A_279] {strides = array<i32>} : memref<10x128xf32, #tpu.memory_space<vmem>>, vector<16xf32>,
      %swap3A_281 = arith.constant 0 : i32
      %swap3A_282 = arith.index_cast %swap3A_281 : i32 to index
      %swap3A_283 = arith.constant 912 : index
      %swap3A_284 = tpu.vector_load %arg10[%swap3A_282, %swap3A_283] {strides = array<i32>} : memref<9x1024xf32, #tpu.memory_space<vmem>>, vector<16xf32>,
      tpu.vector_store %arg10[%swap3A_282, %swap3A_283], %get3A_280 {strides = array<i32>} : memref<9x1024xf32, #tpu.memory_space<vmem>>, vector<16xf32>,
      %get3A_285 = arith.constant 0 : i32
      %get3A_286 = arith.index_cast %get3A_285 : i32 to index
      %get3A_287 = arith.constant 32 : index
      %get3A_288 = tpu.vector_load %arg8[%get3A_286, %get3A_287] {strides = array<i32>} : memref<10x128xf32, #tpu.memory_space<vmem>>, vector<16xf32>,
      %swap3A_289 = arith.constant 0 : i32
      %swap3A_290 = arith.index_cast %swap3A_289 : i32 to index
      %swap3A_291 = arith.constant 32 : index
      %swap3A_292 = tpu.vector_load %arg10[%swap3A_290, %swap3A_291] {strides = array<i32>} : memref<9x1024xf32, #tpu.memory_space<vmem>>, vector<16xf32>,
      tpu.vector_store %arg10[%swap3A_290, %swap3A_291], %get3A_288 {strides = array<i32>} : memref<9x1024xf32, #tpu.memory_space<vmem>>, vector<16xf32>,
      %get3A_293 = arith.constant 1 : i32
      %get3A_294 = arith.index_cast %get3A_293 : i32 to index
      %get3A_295 = arith.constant 32 : index
      %get3A_296 = tpu.vector_load %arg8[%get3A_294, %get3A_295] {strides = array<i32>} : memref<10x128xf32, #tpu.memory_space<vmem>>, vector<16xf32>,
      %swap3A_297 = arith.constant 0 : i32
      %swap3A_298 = arith.index_cast %swap3A_297 : i32 to index
      %swap3A_299 = arith.constant 160 : index
      %swap3A_300 = tpu.vector_load %arg10[%swap3A_298, %swap3A_299] {strides = array<i32>} : memref<9x1024xf32, #tpu.memory_space<vmem>>, vector<16xf32>,
      tpu.vector_store %arg10[%swap3A_298, %swap3A_299], %get3A_296 {strides = array<i32>} : memref<9x1024xf32, #tpu.memory_space<vmem>>, vector<16xf32>,
      %get3A_301 = arith.constant 2 : i32
      %get3A_302 = arith.index_cast %get3A_301 : i32 to index
      %get3A_303 = arith.constant 32 : index
      %get3A_304 = tpu.vector_load %arg8[%get3A_302, %get3A_303] {strides = array<i32>} : memref<10x128xf32, #tpu.memory_space<vmem>>, vector<16xf32>,
      %swap3A_305 = arith.constant 0 : i32
      %swap3A_306 = arith.index_cast %swap3A_305 : i32 to index
      %swap3A_307 = arith.constant 288 : index
      %swap3A_308 = tpu.vector_load %arg10[%swap3A_306, %swap3A_307] {strides = array<i32>} : memref<9x1024xf32, #tpu.memory_space<vmem>>, vector<16xf32>,
      tpu.vector_store %arg10[%swap3A_306, %swap3A_307], %get3A_304 {strides = array<i32>} : memref<9x1024xf32, #tpu.memory_space<vmem>>, vector<16xf32>,
      %get3A_309 = arith.constant 3 : i32
      %get3A_310 = arith.index_cast %get3A_309 : i32 to index
      %get3A_311 = arith.constant 32 : index
      %get3A_312 = tpu.vector_load %arg8[%get3A_310, %get3A_311] {strides = array<i32>} : memref<10x128xf32, #tpu.memory_space<vmem>>, vector<16xf32>,
      %swap3A_313 = arith.constant 0 : i32
      %swap3A_314 = arith.index_cast %swap3A_313 : i32 to index
      %swap3A_315 = arith.constant 416 : index
      %swap3A_316 = tpu.vector_load %arg10[%swap3A_314, %swap3A_315] {strides = array<i32>} : memref<9x1024xf32, #tpu.memory_space<vmem>>, vector<16xf32>,
      tpu.vector_store %arg10[%swap3A_314, %swap3A_315], %get3A_312 {strides = array<i32>} : memref<9x1024xf32, #tpu.memory_space<vmem>>, vector<16xf32>,
      %get3A_317 = arith.constant 4 : i32
      %get3A_318 = arith.index_cast %get3A_317 : i32 to index
      %get3A_319 = arith.constant 32 : index
      %get3A_320 = tpu.vector_load %arg8[%get3A_318, %get3A_319] {strides = array<i32>} : memref<10x128xf32, #tpu.memory_space<vmem>>, vector<16xf32>,
      %swap3A_321 = arith.constant 0 : i32
      %swap3A_322 = arith.index_cast %swap3A_321 : i32 to index
      %swap3A_323 = arith.constant 544 : index
      %swap3A_324 = tpu.vector_load %arg10[%swap3A_322, %swap3A_323] {strides = array<i32>} : memref<9x1024xf32, #tpu.memory_space<vmem>>, vector<16xf32>,
      tpu.vector_store %arg10[%swap3A_322, %swap3A_323], %get3A_320 {strides = array<i32>} : memref<9x1024xf32, #tpu.memory_space<vmem>>, vector<16xf32>,
      %get3A_325 = arith.constant 5 : i32
      %get3A_326 = arith.index_cast %get3A_325 : i32 to index
      %get3A_327 = arith.constant 32 : index
      %get3A_328 = tpu.vector_load %arg8[%get3A_326, %get3A_327] {strides = array<i32>} : memref<10x128xf32, #tpu.memory_space<vmem>>, vector<16xf32>,
      %swap3A_329 = arith.constant 0 : i32
      %swap3A_330 = arith.index_cast %swap3A_329 : i32 to index
      %swap3A_331 = arith.constant 672 : index
      %swap3A_332 = tpu.vector_load %arg10[%swap3A_330, %swap3A_331] {strides = array<i32>} : memref<9x1024xf32, #tpu.memory_space<vmem>>, vector<16xf32>,
      tpu.vector_store %arg10[%swap3A_330, %swap3A_331], %get3A_328 {strides = array<i32>} : memref<9x1024xf32, #tpu.memory_space<vmem>>, vector<16xf32>,
      %get3A_333 = arith.constant 6 : i32
      %get3A_334 = arith.index_cast %get3A_333 : i32 to index
      %get3A_335 = arith.constant 32 : index
      %get3A_336 = tpu.vector_load %arg8[%get3A_334, %get3A_335] {strides = array<i32>} : memref<10x128xf32, #tpu.memory_space<vmem>>, vector<16xf32>,
      %swap3A_337 = arith.constant 0 : i32
      %swap3A_338 = arith.index_cast %swap3A_337 : i32 to index
      %swap3A_339 = arith.constant 800 : index
      %swap3A_340 = tpu.vector_load %arg10[%swap3A_338, %swap3A_339] {strides = array<i32>} : memref<9x1024xf32, #tpu.memory_space<vmem>>, vector<16xf32>,
      tpu.vector_store %arg10[%swap3A_338, %swap3A_339], %get3A_336 {strides = array<i32>} : memref<9x1024xf32, #tpu.memory_space<vmem>>, vector<16xf32>,
      %get3A_341 = arith.constant 7 : i32
      %get3A_342 = arith.index_cast %get3A_341 : i32 to index
      %get3A_343 = arith.constant 32 : index
      %get3A_344 = tpu.vector_load %arg8[%get3A_342, %get3A_343] {strides = array<i32>} : memref<10x128xf32, #tpu.memory_space<vmem>>, vector<16xf32>,
      %swap3A_345 = arith.constant 0 : i32
      %swap3A_346 = arith.index_cast %swap3A_345 : i32 to index
      %swap3A_347 = arith.constant 928 : index
      %swap3A_348 = tpu.vector_load %arg10[%swap3A_346, %swap3A_347] {strides = array<i32>} : memref<9x1024xf32, #tpu.memory_space<vmem>>, vector<16xf32>,
      tpu.vector_store %arg10[%swap3A_346, %swap3A_347], %get3A_344 {strides = array<i32>} : memref<9x1024xf32, #tpu.memory_space<vmem>>, vector<16xf32>,
      %get3A_349 = arith.constant 0 : i32
      %get3A_350 = arith.index_cast %get3A_349 : i32 to index
      %get3A_351 = arith.constant 48 : index
      %get3A_352 = tpu.vector_load %arg8[%get3A_350, %get3A_351] {strides = array<i32>} : memref<10x128xf32, #tpu.memory_space<vmem>>, vector<16xf32>,
      %swap3A_353 = arith.constant 0 : i32
      %swap3A_354 = arith.index_cast %swap3A_353 : i32 to index
      %swap3A_355 = arith.constant 48 : index
      %swap3A_356 = tpu.vector_load %arg10[%swap3A_354, %swap3A_355] {strides = array<i32>} : memref<9x1024xf32, #tpu.memory_space<vmem>>, vector<16xf32>,
      tpu.vector_store %arg10[%swap3A_354, %swap3A_355], %get3A_352 {strides = array<i32>} : memref<9x1024xf32, #tpu.memory_space<vmem>>, vector<16xf32>,
      %get3A_357 = arith.constant 1 : i32
      %get3A_358 = arith.index_cast %get3A_357 : i32 to index
      %get3A_359 = arith.constant 48 : index
      %get3A_360 = tpu.vector_load %arg8[%get3A_358, %get3A_359] {strides = array<i32>} : memref<10x128xf32, #tpu.memory_space<vmem>>, vector<16xf32>,
      %swap3A_361 = arith.constant 0 : i32
      %swap3A_362 = arith.index_cast %swap3A_361 : i32 to index
      %swap3A_363 = arith.constant 176 : index
      %swap3A_364 = tpu.vector_load %arg10[%swap3A_362, %swap3A_363] {strides = array<i32>} : memref<9x1024xf32, #tpu.memory_space<vmem>>, vector<16xf32>,
      tpu.vector_store %arg10[%swap3A_362, %swap3A_363], %get3A_360 {strides = array<i32>} : memref<9x1024xf32, #tpu.memory_space<vmem>>, vector<16xf32>,
      %get3A_365 = arith.constant 2 : i32
      %get3A_366 = arith.index_cast %get3A_365 : i32 to index
      %get3A_367 = arith.constant 48 : index
      %get3A_368 = tpu.vector_load %arg8[%get3A_366, %get3A_367] {strides = array<i32>} : memref<10x128xf32, #tpu.memory_space<vmem>>, vector<16xf32>,
      %swap3A_369 = arith.constant 0 : i32
      %swap3A_370 = arith.index_cast %swap3A_369 : i32 to index
      %swap3A_371 = arith.constant 304 : index
      %swap3A_372 = tpu.vector_load %arg10[%swap3A_370, %swap3A_371] {strides = array<i32>} : memref<9x1024xf32, #tpu.memory_space<vmem>>, vector<16xf32>,
      tpu.vector_store %arg10[%swap3A_370, %swap3A_371], %get3A_368 {strides = array<i32>} : memref<9x1024xf32, #tpu.memory_space<vmem>>, vector<16xf32>,
      %get3A_373 = arith.constant 3 : i32
      %get3A_374 = arith.index_cast %get3A_373 : i32 to index
      %get3A_375 = arith.constant 48 : index
      %get3A_376 = tpu.vector_load %arg8[%get3A_374, %get3A_375] {strides = array<i32>} : memref<10x128xf32, #tpu.memory_space<vmem>>, vector<16xf32>,
      %swap3A_377 = arith.constant 0 : i32
      %swap3A_378 = arith.index_cast %swap3A_377 : i32 to index
      %swap3A_379 = arith.constant 432 : index
      %swap3A_380 = tpu.vector_load %arg10[%swap3A_378, %swap3A_379] {strides = array<i32>} : memref<9x1024xf32, #tpu.memory_space<vmem>>, vector<16xf32>,
      tpu.vector_store %arg10[%swap3A_378, %swap3A_379], %get3A_376 {strides = array<i32>} : memref<9x1024xf32, #tpu.memory_space<vmem>>, vector<16xf32>,
      %get3A_381 = arith.constant 4 : i32
      %get3A_382 = arith.index_cast %get3A_381 : i32 to index
      %get3A_383 = arith.constant 48 : index
      %get3A_384 = tpu.vector_load %arg8[%get3A_382, %get3A_383] {strides = array<i32>} : memref<10x128xf32, #tpu.memory_space<vmem>>, vector<16xf32>,
      %swap3A_385 = arith.constant 0 : i32
      %swap3A_386 = arith.index_cast %swap3A_385 : i32 to index
      %swap3A_387 = arith.constant 560 : index
      %swap3A_388 = tpu.vector_load %arg10[%swap3A_386, %swap3A_387] {strides = array<i32>} : memref<9x1024xf32, #tpu.memory_space<vmem>>, vector<16xf32>,
      tpu.vector_store %arg10[%swap3A_386, %swap3A_387], %get3A_384 {strides = array<i32>} : memref<9x1024xf32, #tpu.memory_space<vmem>>, vector<16xf32>,
      %get3A_389 = arith.constant 5 : i32
      %get3A_390 = arith.index_cast %get3A_389 : i32 to index
      %get3A_391 = arith.constant 48 : index
      %get3A_392 = tpu.vector_load %arg8[%get3A_390, %get3A_391] {strides = array<i32>} : memref<10x128xf32, #tpu.memory_space<vmem>>, vector<16xf32>,
      %swap3A_393 = arith.constant 0 : i32
      %swap3A_394 = arith.index_cast %swap3A_393 : i32 to index
      %swap3A_395 = arith.constant 688 : index
      %swap3A_396 = tpu.vector_load %arg10[%swap3A_394, %swap3A_395] {strides = array<i32>} : memref<9x1024xf32, #tpu.memory_space<vmem>>, vector<16xf32>,
      tpu.vector_store %arg10[%swap3A_394, %swap3A_395], %get3A_392 {strides = array<i32>} : memref<9x1024xf32, #tpu.memory_space<vmem>>, vector<16xf32>,
      %get3A_397 = arith.constant 6 : i32
      %get3A_398 = arith.index_cast %get3A_397 : i32 to index
      %get3A_399 = arith.constant 48 : index
      %get3A_400 = tpu.vector_load %arg8[%get3A_398, %get3A_399] {strides = array<i32>} : memref<10x128xf32, #tpu.memory_space<vmem>>, vector<16xf32>,
      %swap3A_401 = arith.constant 0 : i32
      %swap3A_402 = arith.index_cast %swap3A_401 : i32 to index
      %swap3A_403 = arith.constant 816 : index
      %swap3A_404 = tpu.vector_load %arg10[%swap3A_402, %swap3A_403] {strides = array<i32>} : memref<9x1024xf32, #tpu.memory_space<vmem>>, vector<16xf32>,
      tpu.vector_store %arg10[%swap3A_402, %swap3A_403], %get3A_400 {strides = array<i32>} : memref<9x1024xf32, #tpu.memory_space<vmem>>, vector<16xf32>,
      %get3A_405 = arith.constant 7 : i32
      %get3A_406 = arith.index_cast %get3A_405 : i32 to index
      %get3A_407 = arith.constant 48 : index
      %get3A_408 = tpu.vector_load %arg8[%get3A_406, %get3A_407] {strides = array<i32>} : memref<10x128xf32, #tpu.memory_space<vmem>>, vector<16xf32>,
      %swap3A_409 = arith.constant 0 : i32
      %swap3A_410 = arith.index_cast %swap3A_409 : i32 to index
      %swap3A_411 = arith.constant 944 : index
      %swap3A_412 = tpu.vector_load %arg10[%swap3A_410, %swap3A_411] {strides = array<i32>} : memref<9x1024xf32, #tpu.memory_space<vmem>>, vector<16xf32>,
      tpu.vector_store %arg10[%swap3A_410, %swap3A_411], %get3A_408 {strides = array<i32>} : memref<9x1024xf32, #tpu.memory_space<vmem>>, vector<16xf32>,
      %get3A_413 = arith.constant 0 : i32
      %get3A_414 = arith.index_cast %get3A_413 : i32 to index
      %get3A_415 = arith.constant 64 : index
      %get3A_416 = tpu.vector_load %arg8[%get3A_414, %get3A_415] {strides = array<i32>} : memref<10x128xf32, #tpu.memory_space<vmem>>, vector<16xf32>,
      %swap3A_417 = arith.constant 0 : i32
      %swap3A_418 = arith.index_cast %swap3A_417 : i32 to index
      %swap3A_419 = arith.constant 64 : index
      %swap3A_420 = tpu.vector_load %arg10[%swap3A_418, %swap3A_419] {strides = array<i32>} : memref<9x1024xf32, #tpu.memory_space<vmem>>, vector<16xf32>,
      tpu.vector_store %arg10[%swap3A_418, %swap3A_419], %get3A_416 {strides = array<i32>} : memref<9x1024xf32, #tpu.memory_space<vmem>>, vector<16xf32>,
      %get3A_421 = arith.constant 1 : i32
      %get3A_422 = arith.index_cast %get3A_421 : i32 to index
      %get3A_423 = arith.constant 64 : index
      %get3A_424 = tpu.vector_load %arg8[%get3A_422, %get3A_423] {strides = array<i32>} : memref<10x128xf32, #tpu.memory_space<vmem>>, vector<16xf32>,
      %swap3A_425 = arith.constant 0 : i32
      %swap3A_426 = arith.index_cast %swap3A_425 : i32 to index
      %swap3A_427 = arith.constant 192 : index
      %swap3A_428 = tpu.vector_load %arg10[%swap3A_426, %swap3A_427] {strides = array<i32>} : memref<9x1024xf32, #tpu.memory_space<vmem>>, vector<16xf32>,
      tpu.vector_store %arg10[%swap3A_426, %swap3A_427], %get3A_424 {strides = array<i32>} : memref<9x1024xf32, #tpu.memory_space<vmem>>, vector<16xf32>,
      %get3A_429 = arith.constant 2 : i32
      %get3A_430 = arith.index_cast %get3A_429 : i32 to index
      %get3A_431 = arith.constant 64 : index
      %get3A_432 = tpu.vector_load %arg8[%get3A_430, %get3A_431] {strides = array<i32>} : memref<10x128xf32, #tpu.memory_space<vmem>>, vector<16xf32>,
      %swap3A_433 = arith.constant 0 : i32
      %swap3A_434 = arith.index_cast %swap3A_433 : i32 to index
      %swap3A_435 = arith.constant 320 : index
      %swap3A_436 = tpu.vector_load %arg10[%swap3A_434, %swap3A_435] {strides = array<i32>} : memref<9x1024xf32, #tpu.memory_space<vmem>>, vector<16xf32>,
      tpu.vector_store %arg10[%swap3A_434, %swap3A_435], %get3A_432 {strides = array<i32>} : memref<9x1024xf32, #tpu.memory_space<vmem>>, vector<16xf32>,
      %get3A_437 = arith.constant 3 : i32
      %get3A_438 = arith.index_cast %get3A_437 : i32 to index
      %get3A_439 = arith.constant 64 : index
      %get3A_440 = tpu.vector_load %arg8[%get3A_438, %get3A_439] {strides = array<i32>} : memref<10x128xf32, #tpu.memory_space<vmem>>, vector<16xf32>,
      %swap3A_441 = arith.constant 0 : i32
      %swap3A_442 = arith.index_cast %swap3A_441 : i32 to index
      %swap3A_443 = arith.constant 448 : index
      %swap3A_444 = tpu.vector_load %arg10[%swap3A_442, %swap3A_443] {strides = array<i32>} : memref<9x1024xf32, #tpu.memory_space<vmem>>, vector<16xf32>,
      tpu.vector_store %arg10[%swap3A_442, %swap3A_443], %get3A_440 {strides = array<i32>} : memref<9x1024xf32, #tpu.memory_space<vmem>>, vector<16xf32>,
      %get3A_445 = arith.constant 4 : i32
      %get3A_446 = arith.index_cast %get3A_445 : i32 to index
      %get3A_447 = arith.constant 64 : index
      %get3A_448 = tpu.vector_load %arg8[%get3A_446, %get3A_447] {strides = array<i32>} : memref<10x128xf32, #tpu.memory_space<vmem>>, vector<16xf32>,
      %swap3A_449 = arith.constant 0 : i32
      %swap3A_450 = arith.index_cast %swap3A_449 : i32 to index
      %swap3A_451 = arith.constant 576 : index
      %swap3A_452 = tpu.vector_load %arg10[%swap3A_450, %swap3A_451] {strides = array<i32>} : memref<9x1024xf32, #tpu.memory_space<vmem>>, vector<16xf32>,
      tpu.vector_store %arg10[%swap3A_450, %swap3A_451], %get3A_448 {strides = array<i32>} : memref<9x1024xf32, #tpu.memory_space<vmem>>, vector<16xf32>,
      %get3A_453 = arith.constant 5 : i32
      %get3A_454 = arith.index_cast %get3A_453 : i32 to index
      %get3A_455 = arith.constant 64 : index
      %get3A_456 = tpu.vector_load %arg8[%get3A_454, %get3A_455] {strides = array<i32>} : memref<10x128xf32, #tpu.memory_space<vmem>>, vector<16xf32>,
      %swap3A_457 = arith.constant 0 : i32
      %swap3A_458 = arith.index_cast %swap3A_457 : i32 to index
      %swap3A_459 = arith.constant 704 : index
      %swap3A_460 = tpu.vector_load %arg10[%swap3A_458, %swap3A_459] {strides = array<i32>} : memref<9x1024xf32, #tpu.memory_space<vmem>>, vector<16xf32>,
      tpu.vector_store %arg10[%swap3A_458, %swap3A_459], %get3A_456 {strides = array<i32>} : memref<9x1024xf32, #tpu.memory_space<vmem>>, vector<16xf32>,
      %get3A_461 = arith.constant 6 : i32
      %get3A_462 = arith.index_cast %get3A_461 : i32 to index
      %get3A_463 = arith.constant 64 : index
      %get3A_464 = tpu.vector_load %arg8[%get3A_462, %get3A_463] {strides = array<i32>} : memref<10x128xf32, #tpu.memory_space<vmem>>, vector<16xf32>,
      %swap3A_465 = arith.constant 0 : i32
      %swap3A_466 = arith.index_cast %swap3A_465 : i32 to index
      %swap3A_467 = arith.constant 832 : index
      %swap3A_468 = tpu.vector_load %arg10[%swap3A_466, %swap3A_467] {strides = array<i32>} : memref<9x1024xf32, #tpu.memory_space<vmem>>, vector<16xf32>,
      tpu.vector_store %arg10[%swap3A_466, %swap3A_467], %get3A_464 {strides = array<i32>} : memref<9x1024xf32, #tpu.memory_space<vmem>>, vector<16xf32>,
      %get3A_469 = arith.constant 7 : i32
      %get3A_470 = arith.index_cast %get3A_469 : i32 to index
      %get3A_471 = arith.constant 64 : index
      %get3A_472 = tpu.vector_load %arg8[%get3A_470, %get3A_471] {strides = array<i32>} : memref<10x128xf32, #tpu.memory_space<vmem>>, vector<16xf32>,
      %swap3A_473 = arith.constant 0 : i32
      %swap3A_474 = arith.index_cast %swap3A_473 : i32 to index
      %swap3A_475 = arith.constant 960 : index
      %swap3A_476 = tpu.vector_load %arg10[%swap3A_474, %swap3A_475] {strides = array<i32>} : memref<9x1024xf32, #tpu.memory_space<vmem>>, vector<16xf32>,
      tpu.vector_store %arg10[%swap3A_474, %swap3A_475], %get3A_472 {strides = array<i32>} : memref<9x1024xf32, #tpu.memory_space<vmem>>, vector<16xf32>,
      %get3A_477 = arith.constant 0 : i32
      %get3A_478 = arith.index_cast %get3A_477 : i32 to index
      %get3A_479 = arith.constant 80 : index
      %get3A_480 = tpu.vector_load %arg8[%get3A_478, %get3A_479] {strides = array<i32>} : memref<10x128xf32, #tpu.memory_space<vmem>>, vector<16xf32>,
      %swap3A_481 = arith.constant 0 : i32
      %swap3A_482 = arith.index_cast %swap3A_481 : i32 to index
      %swap3A_483 = arith.constant 80 : index
      %swap3A_484 = tpu.vector_load %arg10[%swap3A_482, %swap3A_483] {strides = array<i32>} : memref<9x1024xf32, #tpu.memory_space<vmem>>, vector<16xf32>,
      tpu.vector_store %arg10[%swap3A_482, %swap3A_483], %get3A_480 {strides = array<i32>} : memref<9x1024xf32, #tpu.memory_space<vmem>>, vector<16xf32>,
      %get3A_485 = arith.constant 1 : i32
      %get3A_486 = arith.index_cast %get3A_485 : i32 to index
      %get3A_487 = arith.constant 80 : index
      %get3A_488 = tpu.vector_load %arg8[%get3A_486, %get3A_487] {strides = array<i32>} : memref<10x128xf32, #tpu.memory_space<vmem>>, vector<16xf32>,
      %swap3A_489 = arith.constant 0 : i32
      %swap3A_490 = arith.index_cast %swap3A_489 : i32 to index
      %swap3A_491 = arith.constant 208 : index
      %swap3A_492 = tpu.vector_load %arg10[%swap3A_490, %swap3A_491] {strides = array<i32>} : memref<9x1024xf32, #tpu.memory_space<vmem>>, vector<16xf32>,
      tpu.vector_store %arg10[%swap3A_490, %swap3A_491], %get3A_488 {strides = array<i32>} : memref<9x1024xf32, #tpu.memory_space<vmem>>, vector<16xf32>,
      %get3A_493 = arith.constant 2 : i32
      %get3A_494 = arith.index_cast %get3A_493 : i32 to index
      %get3A_495 = arith.constant 80 : index
      %get3A_496 = tpu.vector_load %arg8[%get3A_494, %get3A_495] {strides = array<i32>} : memref<10x128xf32, #tpu.memory_space<vmem>>, vector<16xf32>,
      %swap3A_497 = arith.constant 0 : i32
      %swap3A_498 = arith.index_cast %swap3A_497 : i32 to index
      %swap3A_499 = arith.constant 336 : index
      %swap3A_500 = tpu.vector_load %arg10[%swap3A_498, %swap3A_499] {strides = array<i32>} : memref<9x1024xf32, #tpu.memory_space<vmem>>, vector<16xf32>,
      tpu.vector_store %arg10[%swap3A_498, %swap3A_499], %get3A_496 {strides = array<i32>} : memref<9x1024xf32, #tpu.memory_space<vmem>>, vector<16xf32>,
      %get3A_501 = arith.constant 3 : i32
      %get3A_502 = arith.index_cast %get3A_501 : i32 to index
      %get3A_503 = arith.constant 80 : index
      %get3A_504 = tpu.vector_load %arg8[%get3A_502, %get3A_503] {strides = array<i32>} : memref<10x128xf32, #tpu.memory_space<vmem>>, vector<16xf32>,
      %swap3A_505 = arith.constant 0 : i32
      %swap3A_506 = arith.index_cast %swap3A_505 : i32 to index
      %swap3A_507 = arith.constant 464 : index
      %swap3A_508 = tpu.vector_load %arg10[%swap3A_506, %swap3A_507] {strides = array<i32>} : memref<9x1024xf32, #tpu.memory_space<vmem>>, vector<16xf32>,
      tpu.vector_store %arg10[%swap3A_506, %swap3A_507], %get3A_504 {strides = array<i32>} : memref<9x1024xf32, #tpu.memory_space<vmem>>, vector<16xf32>,
      %get3A_509 = arith.constant 4 : i32
      %get3A_510 = arith.index_cast %get3A_509 : i32 to index
      %get3A_511 = arith.constant 80 : index
      %get3A_512 = tpu.vector_load %arg8[%get3A_510, %get3A_511] {strides = array<i32>} : memref<10x128xf32, #tpu.memory_space<vmem>>, vector<16xf32>,
      %swap3A_513 = arith.constant 0 : i32
      %swap3A_514 = arith.index_cast %swap3A_513 : i32 to index
      %swap3A_515 = arith.constant 592 : index
      %swap3A_516 = tpu.vector_load %arg10[%swap3A_514, %swap3A_515] {strides = array<i32>} : memref<9x1024xf32, #tpu.memory_space<vmem>>, vector<16xf32>,
      tpu.vector_store %arg10[%swap3A_514, %swap3A_515], %get3A_512 {strides = array<i32>} : memref<9x1024xf32, #tpu.memory_space<vmem>>, vector<16xf32>,
      %get3A_517 = arith.constant 5 : i32
      %get3A_518 = arith.index_cast %get3A_517 : i32 to index
      %get3A_519 = arith.constant 80 : index
      %get3A_520 = tpu.vector_load %arg8[%get3A_518, %get3A_519] {strides = array<i32>} : memref<10x128xf32, #tpu.memory_space<vmem>>, vector<16xf32>,
      %swap3A_521 = arith.constant 0 : i32
      %swap3A_522 = arith.index_cast %swap3A_521 : i32 to index
      %swap3A_523 = arith.constant 720 : index
      %swap3A_524 = tpu.vector_load %arg10[%swap3A_522, %swap3A_523] {strides = array<i32>} : memref<9x1024xf32, #tpu.memory_space<vmem>>, vector<16xf32>,
      tpu.vector_store %arg10[%swap3A_522, %swap3A_523], %get3A_520 {strides = array<i32>} : memref<9x1024xf32, #tpu.memory_space<vmem>>, vector<16xf32>,
      %get3A_525 = arith.constant 6 : i32
      %get3A_526 = arith.index_cast %get3A_525 : i32 to index
      %get3A_527 = arith.constant 80 : index
      %get3A_528 = tpu.vector_load %arg8[%get3A_526, %get3A_527] {strides = array<i32>} : memref<10x128xf32, #tpu.memory_space<vmem>>, vector<16xf32>,
      %swap3A_529 = arith.constant 0 : i32
      %swap3A_530 = arith.index_cast %swap3A_529 : i32 to index
      %swap3A_531 = arith.constant 848 : index
      %swap3A_532 = tpu.vector_load %arg10[%swap3A_530, %swap3A_531] {strides = array<i32>} : memref<9x1024xf32, #tpu.memory_space<vmem>>, vector<16xf32>,
      tpu.vector_store %arg10[%swap3A_530, %swap3A_531], %get3A_528 {strides = array<i32>} : memref<9x1024xf32, #tpu.memory_space<vmem>>, vector<16xf32>,
      %get3A_533 = arith.constant 7 : i32
      %get3A_534 = arith.index_cast %get3A_533 : i32 to index
      %get3A_535 = arith.constant 80 : index
      %get3A_536 = tpu.vector_load %arg8[%get3A_534, %get3A_535] {strides = array<i32>} : memref<10x128xf32, #tpu.memory_space<vmem>>, vector<16xf32>,
      %swap3A_537 = arith.constant 0 : i32
      %swap3A_538 = arith.index_cast %swap3A_537 : i32 to index
      %swap3A_539 = arith.constant 976 : index
      %swap3A_540 = tpu.vector_load %arg10[%swap3A_538, %swap3A_539] {strides = array<i32>} : memref<9x1024xf32, #tpu.memory_space<vmem>>, vector<16xf32>,
      tpu.vector_store %arg10[%swap3A_538, %swap3A_539], %get3A_536 {strides = array<i32>} : memref<9x1024xf32, #tpu.memory_space<vmem>>, vector<16xf32>,
      %get3A_541 = arith.constant 0 : i32
      %get3A_542 = arith.index_cast %get3A_541 : i32 to index
      %get3A_543 = arith.constant 96 : index
      %get3A_544 = tpu.vector_load %arg8[%get3A_542, %get3A_543] {strides = array<i32>} : memref<10x128xf32, #tpu.memory_space<vmem>>, vector<16xf32>,
      %swap3A_545 = arith.constant 0 : i32
      %swap3A_546 = arith.index_cast %swap3A_545 : i32 to index
      %swap3A_547 = arith.constant 96 : index
      %swap3A_548 = tpu.vector_load %arg10[%swap3A_546, %swap3A_547] {strides = array<i32>} : memref<9x1024xf32, #tpu.memory_space<vmem>>, vector<16xf32>,
      tpu.vector_store %arg10[%swap3A_546, %swap3A_547], %get3A_544 {strides = array<i32>} : memref<9x1024xf32, #tpu.memory_space<vmem>>, vector<16xf32>,
      %get3A_549 = arith.constant 1 : i32
      %get3A_550 = arith.index_cast %get3A_549 : i32 to index
      %get3A_551 = arith.constant 96 : index
      %get3A_552 = tpu.vector_load %arg8[%get3A_550, %get3A_551] {strides = array<i32>} : memref<10x128xf32, #tpu.memory_space<vmem>>, vector<16xf32>,
      %swap3A_553 = arith.constant 0 : i32
      %swap3A_554 = arith.index_cast %swap3A_553 : i32 to index
      %swap3A_555 = arith.constant 224 : index
      %swap3A_556 = tpu.vector_load %arg10[%swap3A_554, %swap3A_555] {strides = array<i32>} : memref<9x1024xf32, #tpu.memory_space<vmem>>, vector<16xf32>,
      tpu.vector_store %arg10[%swap3A_554, %swap3A_555], %get3A_552 {strides = array<i32>} : memref<9x1024xf32, #tpu.memory_space<vmem>>, vector<16xf32>,
      %get3A_557 = arith.constant 2 : i32
      %get3A_558 = arith.index_cast %get3A_557 : i32 to index
      %get3A_559 = arith.constant 96 : index
      %get3A_560 = tpu.vector_load %arg8[%get3A_558, %get3A_559] {strides = array<i32>} : memref<10x128xf32, #tpu.memory_space<vmem>>, vector<16xf32>,
      %swap3A_561 = arith.constant 0 : i32
      %swap3A_562 = arith.index_cast %swap3A_561 : i32 to index
      %swap3A_563 = arith.constant 352 : index
      %swap3A_564 = tpu.vector_load %arg10[%swap3A_562, %swap3A_563] {strides = array<i32>} : memref<9x1024xf32, #tpu.memory_space<vmem>>, vector<16xf32>,
      tpu.vector_store %arg10[%swap3A_562, %swap3A_563], %get3A_560 {strides = array<i32>} : memref<9x1024xf32, #tpu.memory_space<vmem>>, vector<16xf32>,
      %get3A_565 = arith.constant 3 : i32
      %get3A_566 = arith.index_cast %get3A_565 : i32 to index
      %get3A_567 = arith.constant 96 : index
      %get3A_568 = tpu.vector_load %arg8[%get3A_566, %get3A_567] {strides = array<i32>} : memref<10x128xf32, #tpu.memory_space<vmem>>, vector<16xf32>,
      %swap3A_569 = arith.constant 0 : i32
      %swap3A_570 = arith.index_cast %swap3A_569 : i32 to index
      %swap3A_571 = arith.constant 480 : index
      %swap3A_572 = tpu.vector_load %arg10[%swap3A_570, %swap3A_571] {strides = array<i32>} : memref<9x1024xf32, #tpu.memory_space<vmem>>, vector<16xf32>,
      tpu.vector_store %arg10[%swap3A_570, %swap3A_571], %get3A_568 {strides = array<i32>} : memref<9x1024xf32, #tpu.memory_space<vmem>>, vector<16xf32>,
      %get3A_573 = arith.constant 4 : i32
      %get3A_574 = arith.index_cast %get3A_573 : i32 to index
      %get3A_575 = arith.constant 96 : index
      %get3A_576 = tpu.vector_load %arg8[%get3A_574, %get3A_575] {strides = array<i32>} : memref<10x128xf32, #tpu.memory_space<vmem>>, vector<16xf32>,
      %swap3A_577 = arith.constant 0 : i32
      %swap3A_578 = arith.index_cast %swap3A_577 : i32 to index
      %swap3A_579 = arith.constant 608 : index
      %swap3A_580 = tpu.vector_load %arg10[%swap3A_578, %swap3A_579] {strides = array<i32>} : memref<9x1024xf32, #tpu.memory_space<vmem>>, vector<16xf32>,
      tpu.vector_store %arg10[%swap3A_578, %swap3A_579], %get3A_576 {strides = array<i32>} : memref<9x1024xf32, #tpu.memory_space<vmem>>, vector<16xf32>,
      %get3A_581 = arith.constant 5 : i32
      %get3A_582 = arith.index_cast %get3A_581 : i32 to index
      %get3A_583 = arith.constant 96 : index
      %get3A_584 = tpu.vector_load %arg8[%get3A_582, %get3A_583] {strides = array<i32>} : memref<10x128xf32, #tpu.memory_space<vmem>>, vector<16xf32>,
      %swap3A_585 = arith.constant 0 : i32
      %swap3A_586 = arith.index_cast %swap3A_585 : i32 to index
      %swap3A_587 = arith.constant 736 : index
      %swap3A_588 = tpu.vector_load %arg10[%swap3A_586, %swap3A_587] {strides = array<i32>} : memref<9x1024xf32, #tpu.memory_space<vmem>>, vector<16xf32>,
      tpu.vector_store %arg10[%swap3A_586, %swap3A_587], %get3A_584 {strides = array<i32>} : memref<9x1024xf32, #tpu.memory_space<vmem>>, vector<16xf32>,
      %get3A_589 = arith.constant 6 : i32
      %get3A_590 = arith.index_cast %get3A_589 : i32 to index
      %get3A_591 = arith.constant 96 : index
      %get3A_592 = tpu.vector_load %arg8[%get3A_590, %get3A_591] {strides = array<i32>} : memref<10x128xf32, #tpu.memory_space<vmem>>, vector<16xf32>,
      %swap3A_593 = arith.constant 0 : i32
      %swap3A_594 = arith.index_cast %swap3A_593 : i32 to index
      %swap3A_595 = arith.constant 864 : index
      %swap3A_596 = tpu.vector_load %arg10[%swap3A_594, %swap3A_595] {strides = array<i32>} : memref<9x1024xf32, #tpu.memory_space<vmem>>, vector<16xf32>,
      tpu.vector_store %arg10[%swap3A_594, %swap3A_595], %get3A_592 {strides = array<i32>} : memref<9x1024xf32, #tpu.memory_space<vmem>>, vector<16xf32>,
      %get3A_597 = arith.constant 7 : i32
      %get3A_598 = arith.index_cast %get3A_597 : i32 to index
      %get3A_599 = arith.constant 96 : index
      %get3A_600 = tpu.vector_load %arg8[%get3A_598, %get3A_599] {strides = array<i32>} : memref<10x128xf32, #tpu.memory_space<vmem>>, vector<16xf32>,
      %swap3A_601 = arith.constant 0 : i32
      %swap3A_602 = arith.index_cast %swap3A_601 : i32 to index
      %swap3A_603 = arith.constant 992 : index
      %swap3A_604 = tpu.vector_load %arg10[%swap3A_602, %swap3A_603] {strides = array<i32>} : memref<9x1024xf32, #tpu.memory_space<vmem>>, vector<16xf32>,
      tpu.vector_store %arg10[%swap3A_602, %swap3A_603], %get3A_600 {strides = array<i32>} : memref<9x1024xf32, #tpu.memory_space<vmem>>, vector<16xf32>,
      %get3A_605 = arith.constant 0 : i32
      %get3A_606 = arith.index_cast %get3A_605 : i32 to index
      %get3A_607 = arith.constant 112 : index
      %get3A_608 = tpu.vector_load %arg8[%get3A_606, %get3A_607] {strides = array<i32>} : memref<10x128xf32, #tpu.memory_space<vmem>>, vector<16xf32>,
      %swap3A_609 = arith.constant 0 : i32
      %swap3A_610 = arith.index_cast %swap3A_609 : i32 to index
      %swap3A_611 = arith.constant 112 : index
      %swap3A_612 = tpu.vector_load %arg10[%swap3A_610, %swap3A_611] {strides = array<i32>} : memref<9x1024xf32, #tpu.memory_space<vmem>>, vector<16xf32>,
      tpu.vector_store %arg10[%swap3A_610, %swap3A_611], %get3A_608 {strides = array<i32>} : memref<9x1024xf32, #tpu.memory_space<vmem>>, vector<16xf32>,
      %get3A_613 = arith.constant 1 : i32
      %get3A_614 = arith.index_cast %get3A_613 : i32 to index
      %get3A_615 = arith.constant 112 : index
      %get3A_616 = tpu.vector_load %arg8[%get3A_614, %get3A_615] {strides = array<i32>} : memref<10x128xf32, #tpu.memory_space<vmem>>, vector<16xf32>,
      %swap3A_617 = arith.constant 0 : i32
      %swap3A_618 = arith.index_cast %swap3A_617 : i32 to index
      %swap3A_619 = arith.constant 240 : index
      %swap3A_620 = tpu.vector_load %arg10[%swap3A_618, %swap3A_619] {strides = array<i32>} : memref<9x1024xf32, #tpu.memory_space<vmem>>, vector<16xf32>,
      tpu.vector_store %arg10[%swap3A_618, %swap3A_619], %get3A_616 {strides = array<i32>} : memref<9x1024xf32, #tpu.memory_space<vmem>>, vector<16xf32>,
      %get3A_621 = arith.constant 2 : i32
      %get3A_622 = arith.index_cast %get3A_621 : i32 to index
      %get3A_623 = arith.constant 112 : index
      %get3A_624 = tpu.vector_load %arg8[%get3A_622, %get3A_623] {strides = array<i32>} : memref<10x128xf32, #tpu.memory_space<vmem>>, vector<16xf32>,
      %swap3A_625 = arith.constant 0 : i32
      %swap3A_626 = arith.index_cast %swap3A_625 : i32 to index
      %swap3A_627 = arith.constant 368 : index
      %swap3A_628 = tpu.vector_load %arg10[%swap3A_626, %swap3A_627] {strides = array<i32>} : memref<9x1024xf32, #tpu.memory_space<vmem>>, vector<16xf32>,
      tpu.vector_store %arg10[%swap3A_626, %swap3A_627], %get3A_624 {strides = array<i32>} : memref<9x1024xf32, #tpu.memory_space<vmem>>, vector<16xf32>,
      %get3A_629 = arith.constant 3 : i32
      %get3A_630 = arith.index_cast %get3A_629 : i32 to index
      %get3A_631 = arith.constant 112 : index
      %get3A_632 = tpu.vector_load %arg8[%get3A_630, %get3A_631] {strides = array<i32>} : memref<10x128xf32, #tpu.memory_space<vmem>>, vector<16xf32>,
      %swap3A_633 = arith.constant 0 : i32
      %swap3A_634 = arith.index_cast %swap3A_633 : i32 to index
      %swap3A_635 = arith.constant 496 : index
      %swap3A_636 = tpu.vector_load %arg10[%swap3A_634, %swap3A_635] {strides = array<i32>} : memref<9x1024xf32, #tpu.memory_space<vmem>>, vector<16xf32>,
      tpu.vector_store %arg10[%swap3A_634, %swap3A_635], %get3A_632 {strides = array<i32>} : memref<9x1024xf32, #tpu.memory_space<vmem>>, vector<16xf32>,
      %get3A_637 = arith.constant 4 : i32
      %get3A_638 = arith.index_cast %get3A_637 : i32 to index
      %get3A_639 = arith.constant 112 : index
      %get3A_640 = tpu.vector_load %arg8[%get3A_638, %get3A_639] {strides = array<i32>} : memref<10x128xf32, #tpu.memory_space<vmem>>, vector<16xf32>,
      %swap3A_641 = arith.constant 0 : i32
      %swap3A_642 = arith.index_cast %swap3A_641 : i32 to index
      %swap3A_643 = arith.constant 624 : index
      %swap3A_644 = tpu.vector_load %arg10[%swap3A_642, %swap3A_643] {strides = array<i32>} : memref<9x1024xf32, #tpu.memory_space<vmem>>, vector<16xf32>,
      tpu.vector_store %arg10[%swap3A_642, %swap3A_643], %get3A_640 {strides = array<i32>} : memref<9x1024xf32, #tpu.memory_space<vmem>>, vector<16xf32>,
      %get3A_645 = arith.constant 5 : i32
      %get3A_646 = arith.index_cast %get3A_645 : i32 to index
      %get3A_647 = arith.constant 112 : index
      %get3A_648 = tpu.vector_load %arg8[%get3A_646, %get3A_647] {strides = array<i32>} : memref<10x128xf32, #tpu.memory_space<vmem>>, vector<16xf32>,
      %swap3A_649 = arith.constant 0 : i32
      %swap3A_650 = arith.index_cast %swap3A_649 : i32 to index
      %swap3A_651 = arith.constant 752 : index
      %swap3A_652 = tpu.vector_load %arg10[%swap3A_650, %swap3A_651] {strides = array<i32>} : memref<9x1024xf32, #tpu.memory_space<vmem>>, vector<16xf32>,
      tpu.vector_store %arg10[%swap3A_650, %swap3A_651], %get3A_648 {strides = array<i32>} : memref<9x1024xf32, #tpu.memory_space<vmem>>, vector<16xf32>,
      %get3A_653 = arith.constant 6 : i32
      %get3A_654 = arith.index_cast %get3A_653 : i32 to index
      %get3A_655 = arith.constant 112 : index
      %get3A_656 = tpu.vector_load %arg8[%get3A_654, %get3A_655] {strides = array<i32>} : memref<10x128xf32, #tpu.memory_space<vmem>>, vector<16xf32>,
      %swap3A_657 = arith.constant 0 : i32
      %swap3A_658 = arith.index_cast %swap3A_657 : i32 to index
      %swap3A_659 = arith.constant 880 : index
      %swap3A_660 = tpu.vector_load %arg10[%swap3A_658, %swap3A_659] {strides = array<i32>} : memref<9x1024xf32, #tpu.memory_space<vmem>>, vector<16xf32>,
      tpu.vector_store %arg10[%swap3A_658, %swap3A_659], %get3A_656 {strides = array<i32>} : memref<9x1024xf32, #tpu.memory_space<vmem>>, vector<16xf32>,
      %get3A_661 = arith.constant 7 : i32
      %get3A_662 = arith.index_cast %get3A_661 : i32 to index
      %get3A_663 = arith.constant 112 : index
      %get3A_664 = tpu.vector_load %arg8[%get3A_662, %get3A_663] {strides = array<i32>} : memref<10x128xf32, #tpu.memory_space<vmem>>, vector<16xf32>,
      %swap3A_665 = arith.constant 0 : i32
      %swap3A_666 = arith.index_cast %swap3A_665 : i32 to index
      %swap3A_667 = arith.constant 1008 : index
      %swap3A_668 = tpu.vector_load %arg10[%swap3A_666, %swap3A_667] {strides = array<i32>} : memref<9x1024xf32, #tpu.memory_space<vmem>>, vector<16xf32>,
      tpu.vector_store %arg10[%swap3A_666, %swap3A_667], %get3A_664 {strides = array<i32>} : memref<9x1024xf32, #tpu.memory_space<vmem>>, vector<16xf32>,
      %get3A_669 = arith.constant 8 : i32
      %get3A_670 = arith.index_cast %get3A_669 : i32 to index
      %get3A_671 = arith.constant 0 : index
      %get3A_672 = tpu.vector_load %arg8[%get3A_670, %get3A_671] {strides = array<i32>} : memref<10x128xf32, #tpu.memory_space<vmem>>, vector<16xf32>,
      %convert_element_type3A_673 = arith.fptosi %get3A_672 : vector<16xf32> to vector<16xi32>
      %get3A_674 = arith.constant 8 : i32
      %get3A_675 = arith.index_cast %get3A_674 : i32 to index
      %get3A_676 = arith.constant 16 : index
      %get3A_677 = tpu.vector_load %arg8[%get3A_675, %get3A_676] {strides = array<i32>} : memref<10x128xf32, #tpu.memory_space<vmem>>, vector<16xf32>,
      %convert_element_type3A_678 = arith.fptosi %get3A_677 : vector<16xf32> to vector<16xi32>
      %get3A_679 = arith.constant 8 : i32
      %get3A_680 = arith.index_cast %get3A_679 : i32 to index
      %get3A_681 = arith.constant 32 : index
      %get3A_682 = tpu.vector_load %arg8[%get3A_680, %get3A_681] {strides = array<i32>} : memref<10x128xf32, #tpu.memory_space<vmem>>, vector<16xf32>,
      %convert_element_type3A_683 = arith.fptosi %get3A_682 : vector<16xf32> to vector<16xi32>
      %get3A_684 = arith.constant 8 : i32
      %get3A_685 = arith.index_cast %get3A_684 : i32 to index
      %get3A_686 = arith.constant 48 : index
      %get3A_687 = tpu.vector_load %arg8[%get3A_685, %get3A_686] {strides = array<i32>} : memref<10x128xf32, #tpu.memory_space<vmem>>, vector<16xf32>,
      %convert_element_type3A_688 = arith.fptosi %get3A_687 : vector<16xf32> to vector<16xi32>
      %get3A_689 = arith.constant 8 : i32
      %get3A_690 = arith.index_cast %get3A_689 : i32 to index
      %get3A_691 = arith.constant 64 : index
      %get3A_692 = tpu.vector_load %arg8[%get3A_690, %get3A_691] {strides = array<i32>} : memref<10x128xf32, #tpu.memory_space<vmem>>, vector<16xf32>,
      %convert_element_type3A_693 = arith.fptosi %get3A_692 : vector<16xf32> to vector<16xi32>
      %get3A_694 = arith.constant 8 : i32
      %get3A_695 = arith.index_cast %get3A_694 : i32 to index
      %get3A_696 = arith.constant 80 : index
      %get3A_697 = tpu.vector_load %arg8[%get3A_695, %get3A_696] {strides = array<i32>} : memref<10x128xf32, #tpu.memory_space<vmem>>, vector<16xf32>,
      %convert_element_type3A_698 = arith.fptosi %get3A_697 : vector<16xf32> to vector<16xi32>
      %get3A_699 = arith.constant 8 : i32
      %get3A_700 = arith.index_cast %get3A_699 : i32 to index
      %get3A_701 = arith.constant 96 : index
      %get3A_702 = tpu.vector_load %arg8[%get3A_700, %get3A_701] {strides = array<i32>} : memref<10x128xf32, #tpu.memory_space<vmem>>, vector<16xf32>,
      %convert_element_type3A_703 = arith.fptosi %get3A_702 : vector<16xf32> to vector<16xi32>
      %get3A_704 = arith.constant 8 : i32
      %get3A_705 = arith.index_cast %get3A_704 : i32 to index
      %get3A_706 = arith.constant 112 : index
      %get3A_707 = tpu.vector_load %arg8[%get3A_705, %get3A_706] {strides = array<i32>} : memref<10x128xf32, #tpu.memory_space<vmem>>, vector<16xf32>,
      %convert_element_type3A_708 = arith.fptosi %get3A_707 : vector<16xf32> to vector<16xi32>
      %get3A_709 = arith.constant 9 : i32
      %get3A_710 = arith.index_cast %get3A_709 : i32 to index
      %get3A_711 = arith.constant 0 : index
      %get3A_712 = tpu.vector_load %arg8[%get3A_710, %get3A_711] {strides = array<i32>} : memref<10x128xf32, #tpu.memory_space<vmem>>, vector<16xf32>,
      %convert_element_type3A_713 = arith.fptosi %get3A_712 : vector<16xf32> to vector<16xi32>
      %get3A_714 = arith.constant 9 : i32
      %get3A_715 = arith.index_cast %get3A_714 : i32 to index
      %get3A_716 = arith.constant 16 : index
      %get3A_717 = tpu.vector_load %arg8[%get3A_715, %get3A_716] {strides = array<i32>} : memref<10x128xf32, #tpu.memory_space<vmem>>, vector<16xf32>,
      %convert_element_type3A_718 = arith.fptosi %get3A_717 : vector<16xf32> to vector<16xi32>
      %get3A_719 = arith.constant 9 : i32
      %get3A_720 = arith.index_cast %get3A_719 : i32 to index
      %get3A_721 = arith.constant 32 : index
      %get3A_722 = tpu.vector_load %arg8[%get3A_720, %get3A_721] {strides = array<i32>} : memref<10x128xf32, #tpu.memory_space<vmem>>, vector<16xf32>,
      %convert_element_type3A_723 = arith.fptosi %get3A_722 : vector<16xf32> to vector<16xi32>
      %get3A_724 = arith.constant 9 : i32
      %get3A_725 = arith.index_cast %get3A_724 : i32 to index
      %get3A_726 = arith.constant 48 : index
      %get3A_727 = tpu.vector_load %arg8[%get3A_725, %get3A_726] {strides = array<i32>} : memref<10x128xf32, #tpu.memory_space<vmem>>, vector<16xf32>,
      %convert_element_type3A_728 = arith.fptosi %get3A_727 : vector<16xf32> to vector<16xi32>
      %get3A_729 = arith.constant 9 : i32
      %get3A_730 = arith.index_cast %get3A_729 : i32 to index
      %get3A_731 = arith.constant 64 : index
      %get3A_732 = tpu.vector_load %arg8[%get3A_730, %get3A_731] {strides = array<i32>} : memref<10x128xf32, #tpu.memory_space<vmem>>, vector<16xf32>,
      %convert_element_type3A_733 = arith.fptosi %get3A_732 : vector<16xf32> to vector<16xi32>
      %get3A_734 = arith.constant 9 : i32
      %get3A_735 = arith.index_cast %get3A_734 : i32 to index
      %get3A_736 = arith.constant 80 : index
      %get3A_737 = tpu.vector_load %arg8[%get3A_735, %get3A_736] {strides = array<i32>} : memref<10x128xf32, #tpu.memory_space<vmem>>, vector<16xf32>,
      %convert_element_type3A_738 = arith.fptosi %get3A_737 : vector<16xf32> to vector<16xi32>
      %get3A_739 = arith.constant 9 : i32
      %get3A_740 = arith.index_cast %get3A_739 : i32 to index
      %get3A_741 = arith.constant 96 : index
      %get3A_742 = tpu.vector_load %arg8[%get3A_740, %get3A_741] {strides = array<i32>} : memref<10x128xf32, #tpu.memory_space<vmem>>, vector<16xf32>,
      %convert_element_type3A_743 = arith.fptosi %get3A_742 : vector<16xf32> to vector<16xi32>
      %get3A_744 = arith.constant 9 : i32
      %get3A_745 = arith.index_cast %get3A_744 : i32 to index
      %get3A_746 = arith.constant 112 : index
      %get3A_747 = tpu.vector_load %arg8[%get3A_745, %get3A_746] {strides = array<i32>} : memref<10x128xf32, #tpu.memory_space<vmem>>, vector<16xf32>,
      %convert_element_type3A_748 = arith.fptosi %get3A_747 : vector<16xf32> to vector<16xi32>
      %parallel_loop3A = arith.constant 0 : i32
      %parallel_loop3A_749 = arith.constant 16 : i32
      %parallel_loop3A_750 = arith.constant 1 : i32
      scf.for %parallel_loop3A_1484 = %parallel_loop3A to %parallel_loop3A_749 step %parallel_loop3A_750  : i32 {
        %parallel_loop3A_1485 = vector.broadcast %parallel_loop3A_1484 : i32 to vector<16xi32>
        %parallel_loop3A_1486 = arith.addi %iota3A, %parallel_loop3A_1485 : vector<16xi32>
        %parallel_loop3A_1487 = arith.constant 15 : i32
        %parallel_loop3A_1488 = vector.broadcast %parallel_loop3A_1487 : i32 to vector<16xi32>
        %parallel_loop3A_1489 = arith.andi %parallel_loop3A_1486, %parallel_loop3A_1488 : vector<16xi32>
        %parallel_loop3A_1490 = arith.constant 16 : i32
        %parallel_loop3A_1491 = vector.broadcast %parallel_loop3A_1490 : i32 to vector<16xi32>
        %parallel_loop3A_1492 = arith.addi %parallel_loop3A_1489, %parallel_loop3A_1491 : vector<16xi32>
        %parallel_loop3A_1493 = arith.constant 8 : i32
        %parallel_loop3A_1494 = vector.broadcast %parallel_loop3A_1493 : i32 to vector<16xi32>
        %parallel_loop3A_1495 = arith.addi %parallel_loop3A_1494, %parallel_loop3A_1489 : vector<16xi32>
        %parallel_loop3A_1496 = arith.constant 3 : i32
        %parallel_loop3A_1497 = vector.broadcast %parallel_loop3A_1496 : i32 to vector<16xi32>
        %parallel_loop3A_1498 = arith.shrsi %parallel_loop3A_1495, %parallel_loop3A_1497 : vector<16xi32>
        %parallel_loop3A_1499 = arith.constant 7 : i32
        %parallel_loop3A_1500 = vector.broadcast %parallel_loop3A_1499 : i32 to vector<16xi32>
        %parallel_loop3A_1501 = arith.andi %parallel_loop3A_1495, %parallel_loop3A_1500 : vector<16xi32>
        %parallel_loop3A_1502 = arith.constant 7 : i32
        %parallel_loop3A_1503 = vector.broadcast %parallel_loop3A_1502 : i32 to vector<16xi32>
        %parallel_loop3A_1504 = arith.shli %parallel_loop3A_1501, %parallel_loop3A_1503 : vector<16xi32>
        %parallel_loop3A_1505 = arith.constant 40 : i32
        %parallel_loop3A_1506 = vector.broadcast %parallel_loop3A_1505 : i32 to vector<16xi32>
        %parallel_loop3A_1507 = arith.addi %parallel_loop3A_1506, %parallel_loop3A_1489 : vector<16xi32>
        %parallel_loop3A_1508 = arith.constant 3 : i32
        %parallel_loop3A_1509 = vector.broadcast %parallel_loop3A_1508 : i32 to vector<16xi32>
        %parallel_loop3A_1510 = arith.shrsi %parallel_loop3A_1507, %parallel_loop3A_1509 : vector<16xi32>
        %parallel_loop3A_1511 = arith.constant 7 : i32
        %parallel_loop3A_1512 = vector.broadcast %parallel_loop3A_1511 : i32 to vector<16xi32>
        %parallel_loop3A_1513 = arith.andi %parallel_loop3A_1507, %parallel_loop3A_1512 : vector<16xi32>
        %parallel_loop3A_1514 = arith.constant 7 : i32
        %parallel_loop3A_1515 = vector.broadcast %parallel_loop3A_1514 : i32 to vector<16xi32>
        %parallel_loop3A_1516 = arith.shli %parallel_loop3A_1513, %parallel_loop3A_1515 : vector<16xi32>
        %parallel_loop3A_1517 = tpu.vector_load_idx %arg6[%convert_element_type3A_673, %parallel_loop3A_1489] : memref<100x33xf32, #tpu.memory_space<vmem>>[vector<16xi32>, vector<16xi32>], vector<16xf32>,
        %parallel_loop3A_1518 = tpu.vector_load_idx %arg7[%convert_element_type3A_713, %parallel_loop3A_1489] : memref<2000x33xf32, #tpu.memory_space<vmem>>[vector<16xi32>, vector<16xi32>], vector<16xf32>,
        %parallel_loop3A_1519 = tpu.vector_load_idx %arg6[%convert_element_type3A_678, %parallel_loop3A_1489] : memref<100x33xf32, #tpu.memory_space<vmem>>[vector<16xi32>, vector<16xi32>], vector<16xf32>,
        %parallel_loop3A_1520 = tpu.vector_load_idx %arg7[%convert_element_type3A_718, %parallel_loop3A_1489] : memref<2000x33xf32, #tpu.memory_space<vmem>>[vector<16xi32>, vector<16xi32>], vector<16xf32>,
        %parallel_loop3A_1521 = tpu.vector_load_idx %arg6[%convert_element_type3A_683, %parallel_loop3A_1489] : memref<100x33xf32, #tpu.memory_space<vmem>>[vector<16xi32>, vector<16xi32>], vector<16xf32>,
        %parallel_loop3A_1522 = tpu.vector_load_idx %arg7[%convert_element_type3A_723, %parallel_loop3A_1489] : memref<2000x33xf32, #tpu.memory_space<vmem>>[vector<16xi32>, vector<16xi32>], vector<16xf32>,
        %parallel_loop3A_1523 = tpu.vector_load_idx %arg6[%convert_element_type3A_688, %parallel_loop3A_1489] : memref<100x33xf32, #tpu.memory_space<vmem>>[vector<16xi32>, vector<16xi32>], vector<16xf32>,
        %parallel_loop3A_1524 = tpu.vector_load_idx %arg7[%convert_element_type3A_728, %parallel_loop3A_1489] : memref<2000x33xf32, #tpu.memory_space<vmem>>[vector<16xi32>, vector<16xi32>], vector<16xf32>,
        %parallel_loop3A_1525 = tpu.vector_load_idx %arg6[%convert_element_type3A_693, %parallel_loop3A_1489] : memref<100x33xf32, #tpu.memory_space<vmem>>[vector<16xi32>, vector<16xi32>], vector<16xf32>,
        %parallel_loop3A_1526 = tpu.vector_load_idx %arg7[%convert_element_type3A_733, %parallel_loop3A_1489] : memref<2000x33xf32, #tpu.memory_space<vmem>>[vector<16xi32>, vector<16xi32>], vector<16xf32>,
        %parallel_loop3A_1527 = tpu.vector_load_idx %arg6[%convert_element_type3A_698, %parallel_loop3A_1489] : memref<100x33xf32, #tpu.memory_space<vmem>>[vector<16xi32>, vector<16xi32>], vector<16xf32>,
        %parallel_loop3A_1528 = tpu.vector_load_idx %arg7[%convert_element_type3A_738, %parallel_loop3A_1489] : memref<2000x33xf32, #tpu.memory_space<vmem>>[vector<16xi32>, vector<16xi32>], vector<16xf32>,
        %parallel_loop3A_1529 = tpu.vector_load_idx %arg6[%convert_element_type3A_703, %parallel_loop3A_1489] : memref<100x33xf32, #tpu.memory_space<vmem>>[vector<16xi32>, vector<16xi32>], vector<16xf32>,
        %parallel_loop3A_1530 = tpu.vector_load_idx %arg7[%convert_element_type3A_743, %parallel_loop3A_1489] : memref<2000x33xf32, #tpu.memory_space<vmem>>[vector<16xi32>, vector<16xi32>], vector<16xf32>,
        %parallel_loop3A_1531 = tpu.vector_load_idx %arg6[%convert_element_type3A_708, %parallel_loop3A_1489] : memref<100x33xf32, #tpu.memory_space<vmem>>[vector<16xi32>, vector<16xi32>], vector<16xf32>,
        %parallel_loop3A_1532 = tpu.vector_load_idx %arg7[%convert_element_type3A_748, %parallel_loop3A_1489] : memref<2000x33xf32, #tpu.memory_space<vmem>>[vector<16xi32>, vector<16xi32>], vector<16xf32>,
        %parallel_loop3A_1533 = arith.constant 0 : i32
        %parallel_loop3A_1534 = vector.broadcast %parallel_loop3A_1533 : i32 to vector<16xi32>
        %parallel_loop3A_1535 = arith.addi %iota3A, %parallel_loop3A_1534 : vector<16xi32>
        %parallel_loop3A_1536 = arith.addi %parallel_loop3A_1504, %parallel_loop3A_1535 : vector<16xi32>
        tpu.vector_store_idx %arg10[%parallel_loop3A_1498, %parallel_loop3A_1536], %parallel_loop3A_1517 : memref<9x1024xf32, #tpu.memory_space<vmem>>[vector<16xi32>, vector<16xi32>], vector<16xf32>,
        %parallel_loop3A_1537 = arith.addi %parallel_loop3A_1516, %parallel_loop3A_1535 : vector<16xi32>
        tpu.vector_store_idx %arg10[%parallel_loop3A_1510, %parallel_loop3A_1537], %parallel_loop3A_1518 : memref<9x1024xf32, #tpu.memory_space<vmem>>[vector<16xi32>, vector<16xi32>], vector<16xf32>,
        %parallel_loop3A_1538 = arith.constant 16 : i32
        %parallel_loop3A_1539 = vector.broadcast %parallel_loop3A_1538 : i32 to vector<16xi32>
        %parallel_loop3A_1540 = arith.addi %iota3A, %parallel_loop3A_1539 : vector<16xi32>
        %parallel_loop3A_1541 = arith.addi %parallel_loop3A_1504, %parallel_loop3A_1540 : vector<16xi32>
        tpu.vector_store_idx %arg10[%parallel_loop3A_1498, %parallel_loop3A_1541], %parallel_loop3A_1519 : memref<9x1024xf32, #tpu.memory_space<vmem>>[vector<16xi32>, vector<16xi32>], vector<16xf32>,
        %parallel_loop3A_1542 = arith.addi %parallel_loop3A_1516, %parallel_loop3A_1540 : vector<16xi32>
        tpu.vector_store_idx %arg10[%parallel_loop3A_1510, %parallel_loop3A_1542], %parallel_loop3A_1520 : memref<9x1024xf32, #tpu.memory_space<vmem>>[vector<16xi32>, vector<16xi32>], vector<16xf32>,
        %parallel_loop3A_1543 = arith.constant 32 : i32
        %parallel_loop3A_1544 = vector.broadcast %parallel_loop3A_1543 : i32 to vector<16xi32>
        %parallel_loop3A_1545 = arith.addi %iota3A, %parallel_loop3A_1544 : vector<16xi32>
        %parallel_loop3A_1546 = arith.addi %parallel_loop3A_1504, %parallel_loop3A_1545 : vector<16xi32>
        tpu.vector_store_idx %arg10[%parallel_loop3A_1498, %parallel_loop3A_1546], %parallel_loop3A_1521 : memref<9x1024xf32, #tpu.memory_space<vmem>>[vector<16xi32>, vector<16xi32>], vector<16xf32>,
        %parallel_loop3A_1547 = arith.addi %parallel_loop3A_1516, %parallel_loop3A_1545 : vector<16xi32>
        tpu.vector_store_idx %arg10[%parallel_loop3A_1510, %parallel_loop3A_1547], %parallel_loop3A_1522 : memref<9x1024xf32, #tpu.memory_space<vmem>>[vector<16xi32>, vector<16xi32>], vector<16xf32>,
        %parallel_loop3A_1548 = arith.constant 48 : i32
        %parallel_loop3A_1549 = vector.broadcast %parallel_loop3A_1548 : i32 to vector<16xi32>
        %parallel_loop3A_1550 = arith.addi %iota3A, %parallel_loop3A_1549 : vector<16xi32>
        %parallel_loop3A_1551 = arith.addi %parallel_loop3A_1504, %parallel_loop3A_1550 : vector<16xi32>
        tpu.vector_store_idx %arg10[%parallel_loop3A_1498, %parallel_loop3A_1551], %parallel_loop3A_1523 : memref<9x1024xf32, #tpu.memory_space<vmem>>[vector<16xi32>, vector<16xi32>], vector<16xf32>,
        %parallel_loop3A_1552 = arith.addi %parallel_loop3A_1516, %parallel_loop3A_1550 : vector<16xi32>
        tpu.vector_store_idx %arg10[%parallel_loop3A_1510, %parallel_loop3A_1552], %parallel_loop3A_1524 : memref<9x1024xf32, #tpu.memory_space<vmem>>[vector<16xi32>, vector<16xi32>], vector<16xf32>,
        %parallel_loop3A_1553 = arith.constant 64 : i32
        %parallel_loop3A_1554 = vector.broadcast %parallel_loop3A_1553 : i32 to vector<16xi32>
        %parallel_loop3A_1555 = arith.addi %iota3A, %parallel_loop3A_1554 : vector<16xi32>
        %parallel_loop3A_1556 = arith.addi %parallel_loop3A_1504, %parallel_loop3A_1555 : vector<16xi32>
        tpu.vector_store_idx %arg10[%parallel_loop3A_1498, %parallel_loop3A_1556], %parallel_loop3A_1525 : memref<9x1024xf32, #tpu.memory_space<vmem>>[vector<16xi32>, vector<16xi32>], vector<16xf32>,
        %parallel_loop3A_1557 = arith.addi %parallel_loop3A_1516, %parallel_loop3A_1555 : vector<16xi32>
        tpu.vector_store_idx %arg10[%parallel_loop3A_1510, %parallel_loop3A_1557], %parallel_loop3A_1526 : memref<9x1024xf32, #tpu.memory_space<vmem>>[vector<16xi32>, vector<16xi32>], vector<16xf32>,
        %parallel_loop3A_1558 = arith.constant 80 : i32
        %parallel_loop3A_1559 = vector.broadcast %parallel_loop3A_1558 : i32 to vector<16xi32>
        %parallel_loop3A_1560 = arith.addi %iota3A, %parallel_loop3A_1559 : vector<16xi32>
        %parallel_loop3A_1561 = arith.addi %parallel_loop3A_1504, %parallel_loop3A_1560 : vector<16xi32>
        tpu.vector_store_idx %arg10[%parallel_loop3A_1498, %parallel_loop3A_1561], %parallel_loop3A_1527 : memref<9x1024xf32, #tpu.memory_space<vmem>>[vector<16xi32>, vector<16xi32>], vector<16xf32>,
        %parallel_loop3A_1562 = arith.addi %parallel_loop3A_1516, %parallel_loop3A_1560 : vector<16xi32>
        tpu.vector_store_idx %arg10[%parallel_loop3A_1510, %parallel_loop3A_1562], %parallel_loop3A_1528 : memref<9x1024xf32, #tpu.memory_space<vmem>>[vector<16xi32>, vector<16xi32>], vector<16xf32>,
        %parallel_loop3A_1563 = arith.constant 96 : i32
        %parallel_loop3A_1564 = vector.broadcast %parallel_loop3A_1563 : i32 to vector<16xi32>
        %parallel_loop3A_1565 = arith.addi %iota3A, %parallel_loop3A_1564 : vector<16xi32>
        %parallel_loop3A_1566 = arith.addi %parallel_loop3A_1504, %parallel_loop3A_1565 : vector<16xi32>
        tpu.vector_store_idx %arg10[%parallel_loop3A_1498, %parallel_loop3A_1566], %parallel_loop3A_1529 : memref<9x1024xf32, #tpu.memory_space<vmem>>[vector<16xi32>, vector<16xi32>], vector<16xf32>,
        %parallel_loop3A_1567 = arith.addi %parallel_loop3A_1516, %parallel_loop3A_1565 : vector<16xi32>
        tpu.vector_store_idx %arg10[%parallel_loop3A_1510, %parallel_loop3A_1567], %parallel_loop3A_1530 : memref<9x1024xf32, #tpu.memory_space<vmem>>[vector<16xi32>, vector<16xi32>], vector<16xf32>,
        %parallel_loop3A_1568 = arith.constant 112 : i32
        %parallel_loop3A_1569 = vector.broadcast %parallel_loop3A_1568 : i32 to vector<16xi32>
        %parallel_loop3A_1570 = arith.addi %iota3A, %parallel_loop3A_1569 : vector<16xi32>
        %parallel_loop3A_1571 = arith.addi %parallel_loop3A_1504, %parallel_loop3A_1570 : vector<16xi32>
        tpu.vector_store_idx %arg10[%parallel_loop3A_1498, %parallel_loop3A_1571], %parallel_loop3A_1531 : memref<9x1024xf32, #tpu.memory_space<vmem>>[vector<16xi32>, vector<16xi32>], vector<16xf32>,
        %parallel_loop3A_1572 = arith.addi %parallel_loop3A_1516, %parallel_loop3A_1570 : vector<16xi32>
        tpu.vector_store_idx %arg10[%parallel_loop3A_1510, %parallel_loop3A_1572], %parallel_loop3A_1532 : memref<9x1024xf32, #tpu.memory_space<vmem>>[vector<16xi32>, vector<16xi32>], vector<16xf32>,
        %parallel_loop3A_1573 = arith.constant 24 : i32
        %parallel_loop3A_1574 = vector.broadcast %parallel_loop3A_1573 : i32 to vector<16xi32>
        %parallel_loop3A_1575 = arith.addi %parallel_loop3A_1574, %parallel_loop3A_1489 : vector<16xi32>
        %parallel_loop3A_1576 = arith.constant 3 : i32
        %parallel_loop3A_1577 = vector.broadcast %parallel_loop3A_1576 : i32 to vector<16xi32>
        %parallel_loop3A_1578 = arith.shrsi %parallel_loop3A_1575, %parallel_loop3A_1577 : vector<16xi32>
        %parallel_loop3A_1579 = arith.constant 7 : i32
        %parallel_loop3A_1580 = vector.broadcast %parallel_loop3A_1579 : i32 to vector<16xi32>
        %parallel_loop3A_1581 = arith.andi %parallel_loop3A_1575, %parallel_loop3A_1580 : vector<16xi32>
        %parallel_loop3A_1582 = arith.constant 7 : i32
        %parallel_loop3A_1583 = vector.broadcast %parallel_loop3A_1582 : i32 to vector<16xi32>
        %parallel_loop3A_1584 = arith.shli %parallel_loop3A_1581, %parallel_loop3A_1583 : vector<16xi32>
        %parallel_loop3A_1585 = arith.constant 56 : i32
        %parallel_loop3A_1586 = vector.broadcast %parallel_loop3A_1585 : i32 to vector<16xi32>
        %parallel_loop3A_1587 = arith.addi %parallel_loop3A_1586, %parallel_loop3A_1489 : vector<16xi32>
        %parallel_loop3A_1588 = arith.constant 3 : i32
        %parallel_loop3A_1589 = vector.broadcast %parallel_loop3A_1588 : i32 to vector<16xi32>
        %parallel_loop3A_1590 = arith.shrsi %parallel_loop3A_1587, %parallel_loop3A_1589 : vector<16xi32>
        %parallel_loop3A_1591 = arith.constant 7 : i32
        %parallel_loop3A_1592 = vector.broadcast %parallel_loop3A_1591 : i32 to vector<16xi32>
        %parallel_loop3A_1593 = arith.andi %parallel_loop3A_1587, %parallel_loop3A_1592 : vector<16xi32>
        %parallel_loop3A_1594 = arith.constant 7 : i32
        %parallel_loop3A_1595 = vector.broadcast %parallel_loop3A_1594 : i32 to vector<16xi32>
        %parallel_loop3A_1596 = arith.shli %parallel_loop3A_1593, %parallel_loop3A_1595 : vector<16xi32>
        %parallel_loop3A_1597 = tpu.vector_load_idx %arg6[%convert_element_type3A_673, %parallel_loop3A_1492] : memref<100x33xf32, #tpu.memory_space<vmem>>[vector<16xi32>, vector<16xi32>], vector<16xf32>,
        %parallel_loop3A_1598 = tpu.vector_load_idx %arg7[%convert_element_type3A_713, %parallel_loop3A_1492] : memref<2000x33xf32, #tpu.memory_space<vmem>>[vector<16xi32>, vector<16xi32>], vector<16xf32>,
        %parallel_loop3A_1599 = tpu.vector_load_idx %arg6[%convert_element_type3A_678, %parallel_loop3A_1492] : memref<100x33xf32, #tpu.memory_space<vmem>>[vector<16xi32>, vector<16xi32>], vector<16xf32>,
        %parallel_loop3A_1600 = tpu.vector_load_idx %arg7[%convert_element_type3A_718, %parallel_loop3A_1492] : memref<2000x33xf32, #tpu.memory_space<vmem>>[vector<16xi32>, vector<16xi32>], vector<16xf32>,
        %parallel_loop3A_1601 = tpu.vector_load_idx %arg6[%convert_element_type3A_683, %parallel_loop3A_1492] : memref<100x33xf32, #tpu.memory_space<vmem>>[vector<16xi32>, vector<16xi32>], vector<16xf32>,
        %parallel_loop3A_1602 = tpu.vector_load_idx %arg7[%convert_element_type3A_723, %parallel_loop3A_1492] : memref<2000x33xf32, #tpu.memory_space<vmem>>[vector<16xi32>, vector<16xi32>], vector<16xf32>,
        %parallel_loop3A_1603 = tpu.vector_load_idx %arg6[%convert_element_type3A_688, %parallel_loop3A_1492] : memref<100x33xf32, #tpu.memory_space<vmem>>[vector<16xi32>, vector<16xi32>], vector<16xf32>,
        %parallel_loop3A_1604 = tpu.vector_load_idx %arg7[%convert_element_type3A_728, %parallel_loop3A_1492] : memref<2000x33xf32, #tpu.memory_space<vmem>>[vector<16xi32>, vector<16xi32>], vector<16xf32>,
        %parallel_loop3A_1605 = tpu.vector_load_idx %arg6[%convert_element_type3A_693, %parallel_loop3A_1492] : memref<100x33xf32, #tpu.memory_space<vmem>>[vector<16xi32>, vector<16xi32>], vector<16xf32>,
        %parallel_loop3A_1606 = tpu.vector_load_idx %arg7[%convert_element_type3A_733, %parallel_loop3A_1492] : memref<2000x33xf32, #tpu.memory_space<vmem>>[vector<16xi32>, vector<16xi32>], vector<16xf32>,
        %parallel_loop3A_1607 = tpu.vector_load_idx %arg6[%convert_element_type3A_698, %parallel_loop3A_1492] : memref<100x33xf32, #tpu.memory_space<vmem>>[vector<16xi32>, vector<16xi32>], vector<16xf32>,
        %parallel_loop3A_1608 = tpu.vector_load_idx %arg7[%convert_element_type3A_738, %parallel_loop3A_1492] : memref<2000x33xf32, #tpu.memory_space<vmem>>[vector<16xi32>, vector<16xi32>], vector<16xf32>,
        %parallel_loop3A_1609 = tpu.vector_load_idx %arg6[%convert_element_type3A_703, %parallel_loop3A_1492] : memref<100x33xf32, #tpu.memory_space<vmem>>[vector<16xi32>, vector<16xi32>], vector<16xf32>,
        %parallel_loop3A_1610 = tpu.vector_load_idx %arg7[%convert_element_type3A_743, %parallel_loop3A_1492] : memref<2000x33xf32, #tpu.memory_space<vmem>>[vector<16xi32>, vector<16xi32>], vector<16xf32>,
        %parallel_loop3A_1611 = tpu.vector_load_idx %arg6[%convert_element_type3A_708, %parallel_loop3A_1492] : memref<100x33xf32, #tpu.memory_space<vmem>>[vector<16xi32>, vector<16xi32>], vector<16xf32>,
        %parallel_loop3A_1612 = tpu.vector_load_idx %arg7[%convert_element_type3A_748, %parallel_loop3A_1492] : memref<2000x33xf32, #tpu.memory_space<vmem>>[vector<16xi32>, vector<16xi32>], vector<16xf32>,
        %parallel_loop3A_1613 = arith.constant 0 : i32
        %parallel_loop3A_1614 = vector.broadcast %parallel_loop3A_1613 : i32 to vector<16xi32>
        %parallel_loop3A_1615 = arith.addi %iota3A, %parallel_loop3A_1614 : vector<16xi32>
        %parallel_loop3A_1616 = arith.addi %parallel_loop3A_1584, %parallel_loop3A_1615 : vector<16xi32>
        tpu.vector_store_idx %arg10[%parallel_loop3A_1578, %parallel_loop3A_1616], %parallel_loop3A_1597 : memref<9x1024xf32, #tpu.memory_space<vmem>>[vector<16xi32>, vector<16xi32>], vector<16xf32>,
        %parallel_loop3A_1617 = arith.addi %parallel_loop3A_1596, %parallel_loop3A_1615 : vector<16xi32>
        tpu.vector_store_idx %arg10[%parallel_loop3A_1590, %parallel_loop3A_1617], %parallel_loop3A_1598 : memref<9x1024xf32, #tpu.memory_space<vmem>>[vector<16xi32>, vector<16xi32>], vector<16xf32>,
        %parallel_loop3A_1618 = arith.constant 16 : i32
        %parallel_loop3A_1619 = vector.broadcast %parallel_loop3A_1618 : i32 to vector<16xi32>
        %parallel_loop3A_1620 = arith.addi %iota3A, %parallel_loop3A_1619 : vector<16xi32>
        %parallel_loop3A_1621 = arith.addi %parallel_loop3A_1584, %parallel_loop3A_1620 : vector<16xi32>
        tpu.vector_store_idx %arg10[%parallel_loop3A_1578, %parallel_loop3A_1621], %parallel_loop3A_1599 : memref<9x1024xf32, #tpu.memory_space<vmem>>[vector<16xi32>, vector<16xi32>], vector<16xf32>,
        %parallel_loop3A_1622 = arith.addi %parallel_loop3A_1596, %parallel_loop3A_1620 : vector<16xi32>
        tpu.vector_store_idx %arg10[%parallel_loop3A_1590, %parallel_loop3A_1622], %parallel_loop3A_1600 : memref<9x1024xf32, #tpu.memory_space<vmem>>[vector<16xi32>, vector<16xi32>], vector<16xf32>,
        %parallel_loop3A_1623 = arith.constant 32 : i32
        %parallel_loop3A_1624 = vector.broadcast %parallel_loop3A_1623 : i32 to vector<16xi32>
        %parallel_loop3A_1625 = arith.addi %iota3A, %parallel_loop3A_1624 : vector<16xi32>
        %parallel_loop3A_1626 = arith.addi %parallel_loop3A_1584, %parallel_loop3A_1625 : vector<16xi32>
        tpu.vector_store_idx %arg10[%parallel_loop3A_1578, %parallel_loop3A_1626], %parallel_loop3A_1601 : memref<9x1024xf32, #tpu.memory_space<vmem>>[vector<16xi32>, vector<16xi32>], vector<16xf32>,
        %parallel_loop3A_1627 = arith.addi %parallel_loop3A_1596, %parallel_loop3A_1625 : vector<16xi32>
        tpu.vector_store_idx %arg10[%parallel_loop3A_1590, %parallel_loop3A_1627], %parallel_loop3A_1602 : memref<9x1024xf32, #tpu.memory_space<vmem>>[vector<16xi32>, vector<16xi32>], vector<16xf32>,
        %parallel_loop3A_1628 = arith.constant 48 : i32
        %parallel_loop3A_1629 = vector.broadcast %parallel_loop3A_1628 : i32 to vector<16xi32>
        %parallel_loop3A_1630 = arith.addi %iota3A, %parallel_loop3A_1629 : vector<16xi32>
        %parallel_loop3A_1631 = arith.addi %parallel_loop3A_1584, %parallel_loop3A_1630 : vector<16xi32>
        tpu.vector_store_idx %arg10[%parallel_loop3A_1578, %parallel_loop3A_1631], %parallel_loop3A_1603 : memref<9x1024xf32, #tpu.memory_space<vmem>>[vector<16xi32>, vector<16xi32>], vector<16xf32>,
        %parallel_loop3A_1632 = arith.addi %parallel_loop3A_1596, %parallel_loop3A_1630 : vector<16xi32>
        tpu.vector_store_idx %arg10[%parallel_loop3A_1590, %parallel_loop3A_1632], %parallel_loop3A_1604 : memref<9x1024xf32, #tpu.memory_space<vmem>>[vector<16xi32>, vector<16xi32>], vector<16xf32>,
        %parallel_loop3A_1633 = arith.constant 64 : i32
        %parallel_loop3A_1634 = vector.broadcast %parallel_loop3A_1633 : i32 to vector<16xi32>
        %parallel_loop3A_1635 = arith.addi %iota3A, %parallel_loop3A_1634 : vector<16xi32>
        %parallel_loop3A_1636 = arith.addi %parallel_loop3A_1584, %parallel_loop3A_1635 : vector<16xi32>
        tpu.vector_store_idx %arg10[%parallel_loop3A_1578, %parallel_loop3A_1636], %parallel_loop3A_1605 : memref<9x1024xf32, #tpu.memory_space<vmem>>[vector<16xi32>, vector<16xi32>], vector<16xf32>,
        %parallel_loop3A_1637 = arith.addi %parallel_loop3A_1596, %parallel_loop3A_1635 : vector<16xi32>
        tpu.vector_store_idx %arg10[%parallel_loop3A_1590, %parallel_loop3A_1637], %parallel_loop3A_1606 : memref<9x1024xf32, #tpu.memory_space<vmem>>[vector<16xi32>, vector<16xi32>], vector<16xf32>,
        %parallel_loop3A_1638 = arith.constant 80 : i32
        %parallel_loop3A_1639 = vector.broadcast %parallel_loop3A_1638 : i32 to vector<16xi32>
        %parallel_loop3A_1640 = arith.addi %iota3A, %parallel_loop3A_1639 : vector<16xi32>
        %parallel_loop3A_1641 = arith.addi %parallel_loop3A_1584, %parallel_loop3A_1640 : vector<16xi32>
        tpu.vector_store_idx %arg10[%parallel_loop3A_1578, %parallel_loop3A_1641], %parallel_loop3A_1607 : memref<9x1024xf32, #tpu.memory_space<vmem>>[vector<16xi32>, vector<16xi32>], vector<16xf32>,
        %parallel_loop3A_1642 = arith.addi %parallel_loop3A_1596, %parallel_loop3A_1640 : vector<16xi32>
        tpu.vector_store_idx %arg10[%parallel_loop3A_1590, %parallel_loop3A_1642], %parallel_loop3A_1608 : memref<9x1024xf32, #tpu.memory_space<vmem>>[vector<16xi32>, vector<16xi32>], vector<16xf32>,
        %parallel_loop3A_1643 = arith.constant 96 : i32
        %parallel_loop3A_1644 = vector.broadcast %parallel_loop3A_1643 : i32 to vector<16xi32>
        %parallel_loop3A_1645 = arith.addi %iota3A, %parallel_loop3A_1644 : vector<16xi32>
        %parallel_loop3A_1646 = arith.addi %parallel_loop3A_1584, %parallel_loop3A_1645 : vector<16xi32>
        tpu.vector_store_idx %arg10[%parallel_loop3A_1578, %parallel_loop3A_1646], %parallel_loop3A_1609 : memref<9x1024xf32, #tpu.memory_space<vmem>>[vector<16xi32>, vector<16xi32>], vector<16xf32>,
        %parallel_loop3A_1647 = arith.addi %parallel_loop3A_1596, %parallel_loop3A_1645 : vector<16xi32>
        tpu.vector_store_idx %arg10[%parallel_loop3A_1590, %parallel_loop3A_1647], %parallel_loop3A_1610 : memref<9x1024xf32, #tpu.memory_space<vmem>>[vector<16xi32>, vector<16xi32>], vector<16xf32>,
        %parallel_loop3A_1648 = arith.constant 112 : i32
        %parallel_loop3A_1649 = vector.broadcast %parallel_loop3A_1648 : i32 to vector<16xi32>
        %parallel_loop3A_1650 = arith.addi %iota3A, %parallel_loop3A_1649 : vector<16xi32>
        %parallel_loop3A_1651 = arith.addi %parallel_loop3A_1584, %parallel_loop3A_1650 : vector<16xi32>
        tpu.vector_store_idx %arg10[%parallel_loop3A_1578, %parallel_loop3A_1651], %parallel_loop3A_1611 : memref<9x1024xf32, #tpu.memory_space<vmem>>[vector<16xi32>, vector<16xi32>], vector<16xf32>,
        %parallel_loop3A_1652 = arith.addi %parallel_loop3A_1596, %parallel_loop3A_1650 : vector<16xi32>
        tpu.vector_store_idx %arg10[%parallel_loop3A_1590, %parallel_loop3A_1652], %parallel_loop3A_1612 : memref<9x1024xf32, #tpu.memory_space<vmem>>[vector<16xi32>, vector<16xi32>], vector<16xf32>,
      } {sc.loop_unroll_factor = 2 : i64, sc.parallel_access}
      %jit3A_751 = arith.constant 128 : i32
      %div3A_752 = arith.divsi %add3A_143, %jit3A_751 : i32
      %sign3A_753 = arith.constant 0 : i32
      %sign3A_754 = arith.cmpi sgt, %add3A_143, %sign3A_753 : i32
      %sign3A_755 = arith.extui %sign3A_754 : i1 to i32
      %sign3A_756 = arith.constant 0 : i32
      %sign3A_757 = arith.cmpi slt, %add3A_143, %sign3A_756 : i32
      %sign3A_758 = arith.extui %sign3A_757 : i1 to i32
      %sign3A_759 = arith.subi %sign3A_755, %sign3A_758 : i32
      %sign3A_760 = arith.constant 0 : i32
      %sign3A_761 = arith.cmpi sgt, %jit3A_751, %sign3A_760 : i32
      %sign3A_762 = arith.extui %sign3A_761 : i1 to i32
      %sign3A_763 = arith.constant 0 : i32
      %sign3A_764 = arith.cmpi slt, %jit3A_751, %sign3A_763 : i32
      %sign3A_765 = arith.extui %sign3A_764 : i1 to i32
      %sign3A_766 = arith.subi %sign3A_762, %sign3A_765 : i32
      %ne3A_767 = arith.cmpi ne, %sign3A_759, %sign3A_766 : i32
      %rem3A_768 = arith.remsi %add3A_143, %jit3A_751 : i32
      %ne3A_769 = arith.constant 0 : i32
      %ne3A_770 = arith.cmpi ne, %rem3A_768, %ne3A_769 : i32
      %and3A_771 = arith.andi %ne3A_767, %ne3A_770 : i1
      %sub3A_772 = arith.constant 1 : i32
      %sub3A_773 = arith.subi %div3A_752, %sub3A_772 : i32
      %select_n3A_774 = arith.select %and3A_771, %sub3A_773, %div3A_752 : i32
      %jit3A_775 = arith.constant 128 : i32
      %eq3A_776 = arith.constant 0 : i32
      %eq3A_777 = arith.cmpi eq, %jit3A_775, %eq3A_776 : i32
      %jit3A_778 = arith.constant 1 : i32
      %select_n3A_779 = arith.select %eq3A_777, %jit3A_778, %jit3A_775 : i32
      %rem3A_780 = arith.remsi %add3A_143, %select_n3A_779 : i32
      %ne3A_781 = arith.constant 0 : i32
      %ne3A_782 = arith.cmpi ne, %rem3A_780, %ne3A_781 : i32
      %lt3A_783 = arith.constant 0 : i32
      %lt3A_784 = arith.cmpi slt, %rem3A_780, %lt3A_783 : i32
      %lt3A_785 = arith.constant 0 : i32
      %lt3A_786 = arith.cmpi slt, %select_n3A_779, %lt3A_785 : i32
      %ne3A_787 = arith.xori %lt3A_784, %lt3A_786 : i1
      %and3A_788 = arith.andi %ne3A_787, %ne3A_782 : i1
      %add3A_789 = arith.addi %rem3A_780, %select_n3A_779 : i32
      %select_n3A_790 = arith.select %and3A_788, %add3A_789, %rem3A_780 : i32
      %dma_start3A_791 = arith.constant 0 : i32
      %dma_start3A_792 = arith.constant 0 : i32
      %dma_start3A_793 = tpu.memref_slice %arg5[%select_n3A_774, %dma_start3A_791, %select_n3A_790, %dma_start3A_792] : memref<50x9x128x1024xf32, #tpu.memory_space<hbm>> -> memref<1x9x1x1024xf32, #tpu.memory_space<hbm>>
      %dma_start3A_794 = tpu.memref_squeeze %dma_start3A_793 : memref<1x9x1x1024xf32, #tpu.memory_space<hbm>> -> memref<9x1024xf32, #tpu.memory_space<hbm>>
      %dma_start3A_795 = arith.constant 0 : i32
      %dma_start3A_796 = arith.constant 0 : i32
      %dma_start3A_797 = tpu.memref_slice %arg5[%select_n3A_774, %dma_start3A_795, %select_n3A_790, %dma_start3A_796] : memref<50x9x128x1024xf32, #tpu.memory_space<hbm>> -> memref<1x9x1x1024xf32, #tpu.memory_space<hbm>>
      %dma_start3A_798 = tpu.memref_squeeze %dma_start3A_797 : memref<1x9x1x1024xf32, #tpu.memory_space<hbm>> -> memref<9x1024xf32, #tpu.memory_space<hbm>>
      tpu.enqueue_dma source(%arg10 : memref<9x1024xf32, #tpu.memory_space<vmem>>) target(%dma_start3A_798 : memref<9x1024xf32, #tpu.memory_space<hbm>>) target_semaphore(%arg14 : memref<!tpu.dma_semaphore, #tpu.memory_space<semaphore_mem>>)
      %mul3A_799 = arith.constant 2 : i32
      %mul3A_800 = arith.muli %scan3A_138, %mul3A_799 : i32
      %add3A_801 = arith.constant 0 : i32
      %add3A_802 = arith.addi %mul3A_800, %add3A_801 : i32
      %add3A_803 = arith.constant 2 : i32
      %add3A_804 = arith.addi %add3A_802, %add3A_803 : i32
      %lt3A_805 = arith.constant 200 : i32
      %lt3A_806 = arith.cmpi slt, %add3A_804, %lt3A_805 : i32
      %convert_element_type3A_807 = arith.extui %lt3A_806 : i1 to i32
      %cond3A_808 = arith.constant 0 : i32
      %cond3A_809 = arith.cmpi ne, %convert_element_type3A_807, %cond3A_808 : i32
      scf.if %cond3A_809 {
        %add3A_1484 = arith.constant 2 : i32
        %add3A_1485 = arith.addi %add3A_143, %add3A_1484 : i32
        %jit3A_1486 = arith.constant 128 : i32
        %div3A_1487 = arith.divsi %add3A_1485, %jit3A_1486 : i32
        %sign3A_1488 = arith.constant 0 : i32
        %sign3A_1489 = arith.cmpi sgt, %add3A_1485, %sign3A_1488 : i32
        %sign3A_1490 = arith.extui %sign3A_1489 : i1 to i32
        %sign3A_1491 = arith.constant 0 : i32
        %sign3A_1492 = arith.cmpi slt, %add3A_1485, %sign3A_1491 : i32
        %sign3A_1493 = arith.extui %sign3A_1492 : i1 to i32
        %sign3A_1494 = arith.subi %sign3A_1490, %sign3A_1493 : i32
        %sign3A_1495 = arith.constant 0 : i32
        %sign3A_1496 = arith.cmpi sgt, %jit3A_1486, %sign3A_1495 : i32
        %sign3A_1497 = arith.extui %sign3A_1496 : i1 to i32
        %sign3A_1498 = arith.constant 0 : i32
        %sign3A_1499 = arith.cmpi slt, %jit3A_1486, %sign3A_1498 : i32
        %sign3A_1500 = arith.extui %sign3A_1499 : i1 to i32
        %sign3A_1501 = arith.subi %sign3A_1497, %sign3A_1500 : i32
        %ne3A_1502 = arith.cmpi ne, %sign3A_1494, %sign3A_1501 : i32
        %rem3A_1503 = arith.remsi %add3A_1485, %jit3A_1486 : i32
        %ne3A_1504 = arith.constant 0 : i32
        %ne3A_1505 = arith.cmpi ne, %rem3A_1503, %ne3A_1504 : i32
        %and3A_1506 = arith.andi %ne3A_1502, %ne3A_1505 : i1
        %sub3A_1507 = arith.constant 1 : i32
        %sub3A_1508 = arith.subi %div3A_1487, %sub3A_1507 : i32
        %select_n3A_1509 = arith.select %and3A_1506, %sub3A_1508, %div3A_1487 : i32
        %jit3A_1510 = arith.constant 128 : i32
        %eq3A_1511 = arith.constant 0 : i32
        %eq3A_1512 = arith.cmpi eq, %jit3A_1510, %eq3A_1511 : i32
        %jit3A_1513 = arith.constant 1 : i32
        %select_n3A_1514 = arith.select %eq3A_1512, %jit3A_1513, %jit3A_1510 : i32
        %rem3A_1515 = arith.remsi %add3A_1485, %select_n3A_1514 : i32
        %ne3A_1516 = arith.constant 0 : i32
        %ne3A_1517 = arith.cmpi ne, %rem3A_1515, %ne3A_1516 : i32
        %lt3A_1518 = arith.constant 0 : i32
        %lt3A_1519 = arith.cmpi slt, %rem3A_1515, %lt3A_1518 : i32
        %lt3A_1520 = arith.constant 0 : i32
        %lt3A_1521 = arith.cmpi slt, %select_n3A_1514, %lt3A_1520 : i32
        %ne3A_1522 = arith.xori %lt3A_1519, %lt3A_1521 : i1
        %and3A_1523 = arith.andi %ne3A_1522, %ne3A_1517 : i1
        %add3A_1524 = arith.addi %rem3A_1515, %select_n3A_1514 : i32
        %select_n3A_1525 = arith.select %and3A_1523, %add3A_1524, %rem3A_1515 : i32
        %mul3A_1526 = arith.constant 128 : i32
        %mul3A_1527 = arith.muli %select_n3A_1525, %mul3A_1526 : i32
        %dma_start3A_1528 = arith.constant 0 : i32
        %dma_start3A_1529 = tpu.memref_slice %arg2[%dma_start3A_1528, %select_n3A_1509, %mul3A_1527] : memref<10x50x16384xf32, #tpu.memory_space<hbm>> -> memref<10x1x128xf32, #tpu.memory_space<hbm>>
        %dma_start3A_1530 = tpu.memref_squeeze %dma_start3A_1529 : memref<10x1x128xf32, #tpu.memory_space<hbm>> -> memref<10x128xf32, #tpu.memory_space<hbm>>
        %dma_start3A_1531 = arith.constant 0 : i32
        %dma_start3A_1532 = tpu.memref_slice %arg2[%dma_start3A_1531, %select_n3A_1509, %mul3A_1527] : memref<10x50x16384xf32, #tpu.memory_space<hbm>> -> memref<10x1x128xf32, #tpu.memory_space<hbm>>
        %dma_start3A_1533 = tpu.memref_squeeze %dma_start3A_1532 : memref<10x1x128xf32, #tpu.memory_space<hbm>> -> memref<10x128xf32, #tpu.memory_space<hbm>>
        tpu.enqueue_dma source(%dma_start3A_1533 : memref<10x128xf32, #tpu.memory_space<hbm>>) target(%arg8 : memref<10x128xf32, #tpu.memory_space<vmem>>) target_semaphore(%arg12 : memref<!tpu.dma_semaphore, #tpu.memory_space<semaphore_mem>>)
      } else {
      }
      %add3A_810 = arith.constant 1 : i32
      %add3A_811 = arith.addi %add3A_141, %add3A_810 : i32
      %mul3A_812 = arith.constant 2 : i32
      %mul3A_813 = arith.muli %scan3A_138, %mul3A_812 : i32
      %add3A_814 = arith.constant 1 : i32
      %add3A_815 = arith.addi %mul3A_813, %add3A_814 : i32
      %ge3A_816 = arith.constant 2 : i32
      %ge3A_817 = arith.cmpi sge, %add3A_815, %ge3A_816 : i32
      %convert_element_type3A_818 = arith.extui %ge3A_817 : i1 to i32
      %cond3A_819 = arith.constant 0 : i32
      %cond3A_820 = arith.cmpi ne, %convert_element_type3A_818, %cond3A_819 : i32
      scf.if %cond3A_820 {
        %dma_wait3A_1484 = arith.constant 0 : i32
        %dma_wait3A_1485 = arith.constant 0 : i32
        %dma_wait3A_1486 = arith.constant 0 : i32
        %dma_wait3A_1487 = arith.constant 0 : i32
        %dma_wait3A_1488 = tpu.memref_slice %arg5[%dma_wait3A_1484, %dma_wait3A_1486, %dma_wait3A_1485, %dma_wait3A_1487] : memref<50x9x128x1024xf32, #tpu.memory_space<hbm>> -> memref<1x9x1x1024xf32, #tpu.memory_space<hbm>>
        %dma_wait3A_1489 = tpu.memref_squeeze %dma_wait3A_1488 : memref<1x9x1x1024xf32, #tpu.memory_space<hbm>> -> memref<9x1024xf32, #tpu.memory_space<hbm>>
        %dma_wait3A_1490 = arith.constant 0 : i32
        %dma_wait3A_1491 = arith.constant 0 : i32
        %dma_wait3A_1492 = tpu.memref_slice %arg5[%dma_wait3A_1484, %dma_wait3A_1490, %dma_wait3A_1485, %dma_wait3A_1491] : memref<50x9x128x1024xf32, #tpu.memory_space<hbm>> -> memref<1x9x1x1024xf32, #tpu.memory_space<hbm>>
        %dma_wait3A_1493 = tpu.memref_squeeze %dma_wait3A_1492 : memref<1x9x1x1024xf32, #tpu.memory_space<hbm>> -> memref<9x1024xf32, #tpu.memory_space<hbm>>
        tpu.wait_dma2 semaphore(%arg15 : memref<!tpu.dma_semaphore, #tpu.memory_space<semaphore_mem>>) src(%dma_wait3A_1493 : memref<9x1024xf32, #tpu.memory_space<hbm>>) dst(%arg11 : memref<9x1024xf32, #tpu.memory_space<vmem>>)
      } else {
      }
      %dma_wait3A_821 = arith.constant 0 : i32
      %dma_wait3A_822 = arith.constant 0 : i32
      %dma_wait3A_823 = arith.constant 0 : i32
      %dma_wait3A_824 = tpu.memref_slice %arg2[%dma_wait3A_822, %dma_wait3A_821, %dma_wait3A_823] : memref<10x50x16384xf32, #tpu.memory_space<hbm>> -> memref<10x1x128xf32, #tpu.memory_space<hbm>>
      %dma_wait3A_825 = tpu.memref_squeeze %dma_wait3A_824 : memref<10x1x128xf32, #tpu.memory_space<hbm>> -> memref<10x128xf32, #tpu.memory_space<hbm>>
      %dma_wait3A_826 = arith.constant 0 : i32
      %dma_wait3A_827 = arith.constant 0 : i32
      %dma_wait3A_828 = tpu.memref_slice %arg2[%dma_wait3A_826, %dma_wait3A_821, %dma_wait3A_827] : memref<10x50x16384xf32, #tpu.memory_space<hbm>> -> memref<10x1x128xf32, #tpu.memory_space<hbm>>
      %dma_wait3A_829 = tpu.memref_squeeze %dma_wait3A_828 : memref<10x1x128xf32, #tpu.memory_space<hbm>> -> memref<10x128xf32, #tpu.memory_space<hbm>>
      tpu.wait_dma2 semaphore(%arg13 : memref<!tpu.dma_semaphore, #tpu.memory_space<semaphore_mem>>) src(%dma_wait3A_829 : memref<10x128xf32, #tpu.memory_space<hbm>>) dst(%arg9 : memref<10x128xf32, #tpu.memory_space<vmem>>)
      %get3A_830 = arith.constant 0 : i32
      %get3A_831 = arith.index_cast %get3A_830 : i32 to index
      %get3A_832 = arith.constant 0 : index
      %get3A_833 = tpu.vector_load %arg9[%get3A_831, %get3A_832] {strides = array<i32>} : memref<10x128xf32, #tpu.memory_space<vmem>>, vector<16xf32>,
      %swap3A_834 = arith.constant 0 : i32
      %swap3A_835 = arith.index_cast %swap3A_834 : i32 to index
      %swap3A_836 = arith.constant 0 : index
      %swap3A_837 = tpu.vector_load %arg11[%swap3A_835, %swap3A_836] {strides = array<i32>} : memref<9x1024xf32, #tpu.memory_space<vmem>>, vector<16xf32>,
      tpu.vector_store %arg11[%swap3A_835, %swap3A_836], %get3A_833 {strides = array<i32>} : memref<9x1024xf32, #tpu.memory_space<vmem>>, vector<16xf32>,
      %get3A_838 = arith.constant 1 : i32
      %get3A_839 = arith.index_cast %get3A_838 : i32 to index
      %get3A_840 = arith.constant 0 : index
      %get3A_841 = tpu.vector_load %arg9[%get3A_839, %get3A_840] {strides = array<i32>} : memref<10x128xf32, #tpu.memory_space<vmem>>, vector<16xf32>,
      %swap3A_842 = arith.constant 0 : i32
      %swap3A_843 = arith.index_cast %swap3A_842 : i32 to index
      %swap3A_844 = arith.constant 128 : index
      %swap3A_845 = tpu.vector_load %arg11[%swap3A_843, %swap3A_844] {strides = array<i32>} : memref<9x1024xf32, #tpu.memory_space<vmem>>, vector<16xf32>,
      tpu.vector_store %arg11[%swap3A_843, %swap3A_844], %get3A_841 {strides = array<i32>} : memref<9x1024xf32, #tpu.memory_space<vmem>>, vector<16xf32>,
      %get3A_846 = arith.constant 2 : i32
      %get3A_847 = arith.index_cast %get3A_846 : i32 to index
      %get3A_848 = arith.constant 0 : index
      %get3A_849 = tpu.vector_load %arg9[%get3A_847, %get3A_848] {strides = array<i32>} : memref<10x128xf32, #tpu.memory_space<vmem>>, vector<16xf32>,
      %swap3A_850 = arith.constant 0 : i32
      %swap3A_851 = arith.index_cast %swap3A_850 : i32 to index
      %swap3A_852 = arith.constant 256 : index
      %swap3A_853 = tpu.vector_load %arg11[%swap3A_851, %swap3A_852] {strides = array<i32>} : memref<9x1024xf32, #tpu.memory_space<vmem>>, vector<16xf32>,
      tpu.vector_store %arg11[%swap3A_851, %swap3A_852], %get3A_849 {strides = array<i32>} : memref<9x1024xf32, #tpu.memory_space<vmem>>, vector<16xf32>,
      %get3A_854 = arith.constant 3 : i32
      %get3A_855 = arith.index_cast %get3A_854 : i32 to index
      %get3A_856 = arith.constant 0 : index
      %get3A_857 = tpu.vector_load %arg9[%get3A_855, %get3A_856] {strides = array<i32>} : memref<10x128xf32, #tpu.memory_space<vmem>>, vector<16xf32>,
      %swap3A_858 = arith.constant 0 : i32
      %swap3A_859 = arith.index_cast %swap3A_858 : i32 to index
      %swap3A_860 = arith.constant 384 : index
      %swap3A_861 = tpu.vector_load %arg11[%swap3A_859, %swap3A_860] {strides = array<i32>} : memref<9x1024xf32, #tpu.memory_space<vmem>>, vector<16xf32>,
      tpu.vector_store %arg11[%swap3A_859, %swap3A_860], %get3A_857 {strides = array<i32>} : memref<9x1024xf32, #tpu.memory_space<vmem>>, vector<16xf32>,
      %get3A_862 = arith.constant 4 : i32
      %get3A_863 = arith.index_cast %get3A_862 : i32 to index
      %get3A_864 = arith.constant 0 : index
      %get3A_865 = tpu.vector_load %arg9[%get3A_863, %get3A_864] {strides = array<i32>} : memref<10x128xf32, #tpu.memory_space<vmem>>, vector<16xf32>,
      %swap3A_866 = arith.constant 0 : i32
      %swap3A_867 = arith.index_cast %swap3A_866 : i32 to index
      %swap3A_868 = arith.constant 512 : index
      %swap3A_869 = tpu.vector_load %arg11[%swap3A_867, %swap3A_868] {strides = array<i32>} : memref<9x1024xf32, #tpu.memory_space<vmem>>, vector<16xf32>,
      tpu.vector_store %arg11[%swap3A_867, %swap3A_868], %get3A_865 {strides = array<i32>} : memref<9x1024xf32, #tpu.memory_space<vmem>>, vector<16xf32>,
      %get3A_870 = arith.constant 5 : i32
      %get3A_871 = arith.index_cast %get3A_870 : i32 to index
      %get3A_872 = arith.constant 0 : index
      %get3A_873 = tpu.vector_load %arg9[%get3A_871, %get3A_872] {strides = array<i32>} : memref<10x128xf32, #tpu.memory_space<vmem>>, vector<16xf32>,
      %swap3A_874 = arith.constant 0 : i32
      %swap3A_875 = arith.index_cast %swap3A_874 : i32 to index
      %swap3A_876 = arith.constant 640 : index
      %swap3A_877 = tpu.vector_load %arg11[%swap3A_875, %swap3A_876] {strides = array<i32>} : memref<9x1024xf32, #tpu.memory_space<vmem>>, vector<16xf32>,
      tpu.vector_store %arg11[%swap3A_875, %swap3A_876], %get3A_873 {strides = array<i32>} : memref<9x1024xf32, #tpu.memory_space<vmem>>, vector<16xf32>,
      %get3A_878 = arith.constant 6 : i32
      %get3A_879 = arith.index_cast %get3A_878 : i32 to index
      %get3A_880 = arith.constant 0 : index
      %get3A_881 = tpu.vector_load %arg9[%get3A_879, %get3A_880] {strides = array<i32>} : memref<10x128xf32, #tpu.memory_space<vmem>>, vector<16xf32>,
      %swap3A_882 = arith.constant 0 : i32
      %swap3A_883 = arith.index_cast %swap3A_882 : i32 to index
      %swap3A_884 = arith.constant 768 : index
      %swap3A_885 = tpu.vector_load %arg11[%swap3A_883, %swap3A_884] {strides = array<i32>} : memref<9x1024xf32, #tpu.memory_space<vmem>>, vector<16xf32>,
      tpu.vector_store %arg11[%swap3A_883, %swap3A_884], %get3A_881 {strides = array<i32>} : memref<9x1024xf32, #tpu.memory_space<vmem>>, vector<16xf32>,
      %get3A_886 = arith.constant 7 : i32
      %get3A_887 = arith.index_cast %get3A_886 : i32 to index
      %get3A_888 = arith.constant 0 : index
      %get3A_889 = tpu.vector_load %arg9[%get3A_887, %get3A_888] {strides = array<i32>} : memref<10x128xf32, #tpu.memory_space<vmem>>, vector<16xf32>,
      %swap3A_890 = arith.constant 0 : i32
      %swap3A_891 = arith.index_cast %swap3A_890 : i32 to index
      %swap3A_892 = arith.constant 896 : index
      %swap3A_893 = tpu.vector_load %arg11[%swap3A_891, %swap3A_892] {strides = array<i32>} : memref<9x1024xf32, #tpu.memory_space<vmem>>, vector<16xf32>,
      tpu.vector_store %arg11[%swap3A_891, %swap3A_892], %get3A_889 {strides = array<i32>} : memref<9x1024xf32, #tpu.memory_space<vmem>>, vector<16xf32>,
      %get3A_894 = arith.constant 0 : i32
      %get3A_895 = arith.index_cast %get3A_894 : i32 to index
      %get3A_896 = arith.constant 16 : index
      %get3A_897 = tpu.vector_load %arg9[%get3A_895, %get3A_896] {strides = array<i32>} : memref<10x128xf32, #tpu.memory_space<vmem>>, vector<16xf32>,
      %swap3A_898 = arith.constant 0 : i32
      %swap3A_899 = arith.index_cast %swap3A_898 : i32 to index
      %swap3A_900 = arith.constant 16 : index
      %swap3A_901 = tpu.vector_load %arg11[%swap3A_899, %swap3A_900] {strides = array<i32>} : memref<9x1024xf32, #tpu.memory_space<vmem>>, vector<16xf32>,
      tpu.vector_store %arg11[%swap3A_899, %swap3A_900], %get3A_897 {strides = array<i32>} : memref<9x1024xf32, #tpu.memory_space<vmem>>, vector<16xf32>,
      %get3A_902 = arith.constant 1 : i32
      %get3A_903 = arith.index_cast %get3A_902 : i32 to index
      %get3A_904 = arith.constant 16 : index
      %get3A_905 = tpu.vector_load %arg9[%get3A_903, %get3A_904] {strides = array<i32>} : memref<10x128xf32, #tpu.memory_space<vmem>>, vector<16xf32>,
      %swap3A_906 = arith.constant 0 : i32
      %swap3A_907 = arith.index_cast %swap3A_906 : i32 to index
      %swap3A_908 = arith.constant 144 : index
      %swap3A_909 = tpu.vector_load %arg11[%swap3A_907, %swap3A_908] {strides = array<i32>} : memref<9x1024xf32, #tpu.memory_space<vmem>>, vector<16xf32>,
      tpu.vector_store %arg11[%swap3A_907, %swap3A_908], %get3A_905 {strides = array<i32>} : memref<9x1024xf32, #tpu.memory_space<vmem>>, vector<16xf32>,
      %get3A_910 = arith.constant 2 : i32
      %get3A_911 = arith.index_cast %get3A_910 : i32 to index
      %get3A_912 = arith.constant 16 : index
      %get3A_913 = tpu.vector_load %arg9[%get3A_911, %get3A_912] {strides = array<i32>} : memref<10x128xf32, #tpu.memory_space<vmem>>, vector<16xf32>,
      %swap3A_914 = arith.constant 0 : i32
      %swap3A_915 = arith.index_cast %swap3A_914 : i32 to index
      %swap3A_916 = arith.constant 272 : index
      %swap3A_917 = tpu.vector_load %arg11[%swap3A_915, %swap3A_916] {strides = array<i32>} : memref<9x1024xf32, #tpu.memory_space<vmem>>, vector<16xf32>,
      tpu.vector_store %arg11[%swap3A_915, %swap3A_916], %get3A_913 {strides = array<i32>} : memref<9x1024xf32, #tpu.memory_space<vmem>>, vector<16xf32>,
      %get3A_918 = arith.constant 3 : i32
      %get3A_919 = arith.index_cast %get3A_918 : i32 to index
      %get3A_920 = arith.constant 16 : index
      %get3A_921 = tpu.vector_load %arg9[%get3A_919, %get3A_920] {strides = array<i32>} : memref<10x128xf32, #tpu.memory_space<vmem>>, vector<16xf32>,
      %swap3A_922 = arith.constant 0 : i32
      %swap3A_923 = arith.index_cast %swap3A_922 : i32 to index
      %swap3A_924 = arith.constant 400 : index
      %swap3A_925 = tpu.vector_load %arg11[%swap3A_923, %swap3A_924] {strides = array<i32>} : memref<9x1024xf32, #tpu.memory_space<vmem>>, vector<16xf32>,
      tpu.vector_store %arg11[%swap3A_923, %swap3A_924], %get3A_921 {strides = array<i32>} : memref<9x1024xf32, #tpu.memory_space<vmem>>, vector<16xf32>,
      %get3A_926 = arith.constant 4 : i32
      %get3A_927 = arith.index_cast %get3A_926 : i32 to index
      %get3A_928 = arith.constant 16 : index
      %get3A_929 = tpu.vector_load %arg9[%get3A_927, %get3A_928] {strides = array<i32>} : memref<10x128xf32, #tpu.memory_space<vmem>>, vector<16xf32>,
      %swap3A_930 = arith.constant 0 : i32
      %swap3A_931 = arith.index_cast %swap3A_930 : i32 to index
      %swap3A_932 = arith.constant 528 : index
      %swap3A_933 = tpu.vector_load %arg11[%swap3A_931, %swap3A_932] {strides = array<i32>} : memref<9x1024xf32, #tpu.memory_space<vmem>>, vector<16xf32>,
      tpu.vector_store %arg11[%swap3A_931, %swap3A_932], %get3A_929 {strides = array<i32>} : memref<9x1024xf32, #tpu.memory_space<vmem>>, vector<16xf32>,
      %get3A_934 = arith.constant 5 : i32
      %get3A_935 = arith.index_cast %get3A_934 : i32 to index
      %get3A_936 = arith.constant 16 : index
      %get3A_937 = tpu.vector_load %arg9[%get3A_935, %get3A_936] {strides = array<i32>} : memref<10x128xf32, #tpu.memory_space<vmem>>, vector<16xf32>,
      %swap3A_938 = arith.constant 0 : i32
      %swap3A_939 = arith.index_cast %swap3A_938 : i32 to index
      %swap3A_940 = arith.constant 656 : index
      %swap3A_941 = tpu.vector_load %arg11[%swap3A_939, %swap3A_940] {strides = array<i32>} : memref<9x1024xf32, #tpu.memory_space<vmem>>, vector<16xf32>,
      tpu.vector_store %arg11[%swap3A_939, %swap3A_940], %get3A_937 {strides = array<i32>} : memref<9x1024xf32, #tpu.memory_space<vmem>>, vector<16xf32>,
      %get3A_942 = arith.constant 6 : i32
      %get3A_943 = arith.index_cast %get3A_942 : i32 to index
      %get3A_944 = arith.constant 16 : index
      %get3A_945 = tpu.vector_load %arg9[%get3A_943, %get3A_944] {strides = array<i32>} : memref<10x128xf32, #tpu.memory_space<vmem>>, vector<16xf32>,
      %swap3A_946 = arith.constant 0 : i32
      %swap3A_947 = arith.index_cast %swap3A_946 : i32 to index
      %swap3A_948 = arith.constant 784 : index
      %swap3A_949 = tpu.vector_load %arg11[%swap3A_947, %swap3A_948] {strides = array<i32>} : memref<9x1024xf32, #tpu.memory_space<vmem>>, vector<16xf32>,
      tpu.vector_store %arg11[%swap3A_947, %swap3A_948], %get3A_945 {strides = array<i32>} : memref<9x1024xf32, #tpu.memory_space<vmem>>, vector<16xf32>,
      %get3A_950 = arith.constant 7 : i32
      %get3A_951 = arith.index_cast %get3A_950 : i32 to index
      %get3A_952 = arith.constant 16 : index
      %get3A_953 = tpu.vector_load %arg9[%get3A_951, %get3A_952] {strides = array<i32>} : memref<10x128xf32, #tpu.memory_space<vmem>>, vector<16xf32>,
      %swap3A_954 = arith.constant 0 : i32
      %swap3A_955 = arith.index_cast %swap3A_954 : i32 to index
      %swap3A_956 = arith.constant 912 : index
      %swap3A_957 = tpu.vector_load %arg11[%swap3A_955, %swap3A_956] {strides = array<i32>} : memref<9x1024xf32, #tpu.memory_space<vmem>>, vector<16xf32>,
      tpu.vector_store %arg11[%swap3A_955, %swap3A_956], %get3A_953 {strides = array<i32>} : memref<9x1024xf32, #tpu.memory_space<vmem>>, vector<16xf32>,
      %get3A_958 = arith.constant 0 : i32
      %get3A_959 = arith.index_cast %get3A_958 : i32 to index
      %get3A_960 = arith.constant 32 : index
      %get3A_961 = tpu.vector_load %arg9[%get3A_959, %get3A_960] {strides = array<i32>} : memref<10x128xf32, #tpu.memory_space<vmem>>, vector<16xf32>,
      %swap3A_962 = arith.constant 0 : i32
      %swap3A_963 = arith.index_cast %swap3A_962 : i32 to index
      %swap3A_964 = arith.constant 32 : index
      %swap3A_965 = tpu.vector_load %arg11[%swap3A_963, %swap3A_964] {strides = array<i32>} : memref<9x1024xf32, #tpu.memory_space<vmem>>, vector<16xf32>,
      tpu.vector_store %arg11[%swap3A_963, %swap3A_964], %get3A_961 {strides = array<i32>} : memref<9x1024xf32, #tpu.memory_space<vmem>>, vector<16xf32>,
      %get3A_966 = arith.constant 1 : i32
      %get3A_967 = arith.index_cast %get3A_966 : i32 to index
      %get3A_968 = arith.constant 32 : index
      %get3A_969 = tpu.vector_load %arg9[%get3A_967, %get3A_968] {strides = array<i32>} : memref<10x128xf32, #tpu.memory_space<vmem>>, vector<16xf32>,
      %swap3A_970 = arith.constant 0 : i32
      %swap3A_971 = arith.index_cast %swap3A_970 : i32 to index
      %swap3A_972 = arith.constant 160 : index
      %swap3A_973 = tpu.vector_load %arg11[%swap3A_971, %swap3A_972] {strides = array<i32>} : memref<9x1024xf32, #tpu.memory_space<vmem>>, vector<16xf32>,
      tpu.vector_store %arg11[%swap3A_971, %swap3A_972], %get3A_969 {strides = array<i32>} : memref<9x1024xf32, #tpu.memory_space<vmem>>, vector<16xf32>,
      %get3A_974 = arith.constant 2 : i32
      %get3A_975 = arith.index_cast %get3A_974 : i32 to index
      %get3A_976 = arith.constant 32 : index
      %get3A_977 = tpu.vector_load %arg9[%get3A_975, %get3A_976] {strides = array<i32>} : memref<10x128xf32, #tpu.memory_space<vmem>>, vector<16xf32>,
      %swap3A_978 = arith.constant 0 : i32
      %swap3A_979 = arith.index_cast %swap3A_978 : i32 to index
      %swap3A_980 = arith.constant 288 : index
      %swap3A_981 = tpu.vector_load %arg11[%swap3A_979, %swap3A_980] {strides = array<i32>} : memref<9x1024xf32, #tpu.memory_space<vmem>>, vector<16xf32>,
      tpu.vector_store %arg11[%swap3A_979, %swap3A_980], %get3A_977 {strides = array<i32>} : memref<9x1024xf32, #tpu.memory_space<vmem>>, vector<16xf32>,
      %get3A_982 = arith.constant 3 : i32
      %get3A_983 = arith.index_cast %get3A_982 : i32 to index
      %get3A_984 = arith.constant 32 : index
      %get3A_985 = tpu.vector_load %arg9[%get3A_983, %get3A_984] {strides = array<i32>} : memref<10x128xf32, #tpu.memory_space<vmem>>, vector<16xf32>,
      %swap3A_986 = arith.constant 0 : i32
      %swap3A_987 = arith.index_cast %swap3A_986 : i32 to index
      %swap3A_988 = arith.constant 416 : index
      %swap3A_989 = tpu.vector_load %arg11[%swap3A_987, %swap3A_988] {strides = array<i32>} : memref<9x1024xf32, #tpu.memory_space<vmem>>, vector<16xf32>,
      tpu.vector_store %arg11[%swap3A_987, %swap3A_988], %get3A_985 {strides = array<i32>} : memref<9x1024xf32, #tpu.memory_space<vmem>>, vector<16xf32>,
      %get3A_990 = arith.constant 4 : i32
      %get3A_991 = arith.index_cast %get3A_990 : i32 to index
      %get3A_992 = arith.constant 32 : index
      %get3A_993 = tpu.vector_load %arg9[%get3A_991, %get3A_992] {strides = array<i32>} : memref<10x128xf32, #tpu.memory_space<vmem>>, vector<16xf32>,
      %swap3A_994 = arith.constant 0 : i32
      %swap3A_995 = arith.index_cast %swap3A_994 : i32 to index
      %swap3A_996 = arith.constant 544 : index
      %swap3A_997 = tpu.vector_load %arg11[%swap3A_995, %swap3A_996] {strides = array<i32>} : memref<9x1024xf32, #tpu.memory_space<vmem>>, vector<16xf32>,
      tpu.vector_store %arg11[%swap3A_995, %swap3A_996], %get3A_993 {strides = array<i32>} : memref<9x1024xf32, #tpu.memory_space<vmem>>, vector<16xf32>,
      %get3A_998 = arith.constant 5 : i32
      %get3A_999 = arith.index_cast %get3A_998 : i32 to index
      %get3A_1000 = arith.constant 32 : index
      %get3A_1001 = tpu.vector_load %arg9[%get3A_999, %get3A_1000] {strides = array<i32>} : memref<10x128xf32, #tpu.memory_space<vmem>>, vector<16xf32>,
      %swap3A_1002 = arith.constant 0 : i32
      %swap3A_1003 = arith.index_cast %swap3A_1002 : i32 to index
      %swap3A_1004 = arith.constant 672 : index
      %swap3A_1005 = tpu.vector_load %arg11[%swap3A_1003, %swap3A_1004] {strides = array<i32>} : memref<9x1024xf32, #tpu.memory_space<vmem>>, vector<16xf32>,
      tpu.vector_store %arg11[%swap3A_1003, %swap3A_1004], %get3A_1001 {strides = array<i32>} : memref<9x1024xf32, #tpu.memory_space<vmem>>, vector<16xf32>,
      %get3A_1006 = arith.constant 6 : i32
      %get3A_1007 = arith.index_cast %get3A_1006 : i32 to index
      %get3A_1008 = arith.constant 32 : index
      %get3A_1009 = tpu.vector_load %arg9[%get3A_1007, %get3A_1008] {strides = array<i32>} : memref<10x128xf32, #tpu.memory_space<vmem>>, vector<16xf32>,
      %swap3A_1010 = arith.constant 0 : i32
      %swap3A_1011 = arith.index_cast %swap3A_1010 : i32 to index
      %swap3A_1012 = arith.constant 800 : index
      %swap3A_1013 = tpu.vector_load %arg11[%swap3A_1011, %swap3A_1012] {strides = array<i32>} : memref<9x1024xf32, #tpu.memory_space<vmem>>, vector<16xf32>,
      tpu.vector_store %arg11[%swap3A_1011, %swap3A_1012], %get3A_1009 {strides = array<i32>} : memref<9x1024xf32, #tpu.memory_space<vmem>>, vector<16xf32>,
      %get3A_1014 = arith.constant 7 : i32
      %get3A_1015 = arith.index_cast %get3A_1014 : i32 to index
      %get3A_1016 = arith.constant 32 : index
      %get3A_1017 = tpu.vector_load %arg9[%get3A_1015, %get3A_1016] {strides = array<i32>} : memref<10x128xf32, #tpu.memory_space<vmem>>, vector<16xf32>,
      %swap3A_1018 = arith.constant 0 : i32
      %swap3A_1019 = arith.index_cast %swap3A_1018 : i32 to index
      %swap3A_1020 = arith.constant 928 : index
      %swap3A_1021 = tpu.vector_load %arg11[%swap3A_1019, %swap3A_1020] {strides = array<i32>} : memref<9x1024xf32, #tpu.memory_space<vmem>>, vector<16xf32>,
      tpu.vector_store %arg11[%swap3A_1019, %swap3A_1020], %get3A_1017 {strides = array<i32>} : memref<9x1024xf32, #tpu.memory_space<vmem>>, vector<16xf32>,
      %get3A_1022 = arith.constant 0 : i32
      %get3A_1023 = arith.index_cast %get3A_1022 : i32 to index
      %get3A_1024 = arith.constant 48 : index
      %get3A_1025 = tpu.vector_load %arg9[%get3A_1023, %get3A_1024] {strides = array<i32>} : memref<10x128xf32, #tpu.memory_space<vmem>>, vector<16xf32>,
      %swap3A_1026 = arith.constant 0 : i32
      %swap3A_1027 = arith.index_cast %swap3A_1026 : i32 to index
      %swap3A_1028 = arith.constant 48 : index
      %swap3A_1029 = tpu.vector_load %arg11[%swap3A_1027, %swap3A_1028] {strides = array<i32>} : memref<9x1024xf32, #tpu.memory_space<vmem>>, vector<16xf32>,
      tpu.vector_store %arg11[%swap3A_1027, %swap3A_1028], %get3A_1025 {strides = array<i32>} : memref<9x1024xf32, #tpu.memory_space<vmem>>, vector<16xf32>,
      %get3A_1030 = arith.constant 1 : i32
      %get3A_1031 = arith.index_cast %get3A_1030 : i32 to index
      %get3A_1032 = arith.constant 48 : index
      %get3A_1033 = tpu.vector_load %arg9[%get3A_1031, %get3A_1032] {strides = array<i32>} : memref<10x128xf32, #tpu.memory_space<vmem>>, vector<16xf32>,
      %swap3A_1034 = arith.constant 0 : i32
      %swap3A_1035 = arith.index_cast %swap3A_1034 : i32 to index
      %swap3A_1036 = arith.constant 176 : index
      %swap3A_1037 = tpu.vector_load %arg11[%swap3A_1035, %swap3A_1036] {strides = array<i32>} : memref<9x1024xf32, #tpu.memory_space<vmem>>, vector<16xf32>,
      tpu.vector_store %arg11[%swap3A_1035, %swap3A_1036], %get3A_1033 {strides = array<i32>} : memref<9x1024xf32, #tpu.memory_space<vmem>>, vector<16xf32>,
      %get3A_1038 = arith.constant 2 : i32
      %get3A_1039 = arith.index_cast %get3A_1038 : i32 to index
      %get3A_1040 = arith.constant 48 : index
      %get3A_1041 = tpu.vector_load %arg9[%get3A_1039, %get3A_1040] {strides = array<i32>} : memref<10x128xf32, #tpu.memory_space<vmem>>, vector<16xf32>,
      %swap3A_1042 = arith.constant 0 : i32
      %swap3A_1043 = arith.index_cast %swap3A_1042 : i32 to index
      %swap3A_1044 = arith.constant 304 : index
      %swap3A_1045 = tpu.vector_load %arg11[%swap3A_1043, %swap3A_1044] {strides = array<i32>} : memref<9x1024xf32, #tpu.memory_space<vmem>>, vector<16xf32>,
      tpu.vector_store %arg11[%swap3A_1043, %swap3A_1044], %get3A_1041 {strides = array<i32>} : memref<9x1024xf32, #tpu.memory_space<vmem>>, vector<16xf32>,
      %get3A_1046 = arith.constant 3 : i32
      %get3A_1047 = arith.index_cast %get3A_1046 : i32 to index
      %get3A_1048 = arith.constant 48 : index
      %get3A_1049 = tpu.vector_load %arg9[%get3A_1047, %get3A_1048] {strides = array<i32>} : memref<10x128xf32, #tpu.memory_space<vmem>>, vector<16xf32>,
      %swap3A_1050 = arith.constant 0 : i32
      %swap3A_1051 = arith.index_cast %swap3A_1050 : i32 to index
      %swap3A_1052 = arith.constant 432 : index
      %swap3A_1053 = tpu.vector_load %arg11[%swap3A_1051, %swap3A_1052] {strides = array<i32>} : memref<9x1024xf32, #tpu.memory_space<vmem>>, vector<16xf32>,
      tpu.vector_store %arg11[%swap3A_1051, %swap3A_1052], %get3A_1049 {strides = array<i32>} : memref<9x1024xf32, #tpu.memory_space<vmem>>, vector<16xf32>,
      %get3A_1054 = arith.constant 4 : i32
      %get3A_1055 = arith.index_cast %get3A_1054 : i32 to index
      %get3A_1056 = arith.constant 48 : index
      %get3A_1057 = tpu.vector_load %arg9[%get3A_1055, %get3A_1056] {strides = array<i32>} : memref<10x128xf32, #tpu.memory_space<vmem>>, vector<16xf32>,
      %swap3A_1058 = arith.constant 0 : i32
      %swap3A_1059 = arith.index_cast %swap3A_1058 : i32 to index
      %swap3A_1060 = arith.constant 560 : index
      %swap3A_1061 = tpu.vector_load %arg11[%swap3A_1059, %swap3A_1060] {strides = array<i32>} : memref<9x1024xf32, #tpu.memory_space<vmem>>, vector<16xf32>,
      tpu.vector_store %arg11[%swap3A_1059, %swap3A_1060], %get3A_1057 {strides = array<i32>} : memref<9x1024xf32, #tpu.memory_space<vmem>>, vector<16xf32>,
      %get3A_1062 = arith.constant 5 : i32
      %get3A_1063 = arith.index_cast %get3A_1062 : i32 to index
      %get3A_1064 = arith.constant 48 : index
      %get3A_1065 = tpu.vector_load %arg9[%get3A_1063, %get3A_1064] {strides = array<i32>} : memref<10x128xf32, #tpu.memory_space<vmem>>, vector<16xf32>,
      %swap3A_1066 = arith.constant 0 : i32
      %swap3A_1067 = arith.index_cast %swap3A_1066 : i32 to index
      %swap3A_1068 = arith.constant 688 : index
      %swap3A_1069 = tpu.vector_load %arg11[%swap3A_1067, %swap3A_1068] {strides = array<i32>} : memref<9x1024xf32, #tpu.memory_space<vmem>>, vector<16xf32>,
      tpu.vector_store %arg11[%swap3A_1067, %swap3A_1068], %get3A_1065 {strides = array<i32>} : memref<9x1024xf32, #tpu.memory_space<vmem>>, vector<16xf32>,
      %get3A_1070 = arith.constant 6 : i32
      %get3A_1071 = arith.index_cast %get3A_1070 : i32 to index
      %get3A_1072 = arith.constant 48 : index
      %get3A_1073 = tpu.vector_load %arg9[%get3A_1071, %get3A_1072] {strides = array<i32>} : memref<10x128xf32, #tpu.memory_space<vmem>>, vector<16xf32>,
      %swap3A_1074 = arith.constant 0 : i32
      %swap3A_1075 = arith.index_cast %swap3A_1074 : i32 to index
      %swap3A_1076 = arith.constant 816 : index
      %swap3A_1077 = tpu.vector_load %arg11[%swap3A_1075, %swap3A_1076] {strides = array<i32>} : memref<9x1024xf32, #tpu.memory_space<vmem>>, vector<16xf32>,
      tpu.vector_store %arg11[%swap3A_1075, %swap3A_1076], %get3A_1073 {strides = array<i32>} : memref<9x1024xf32, #tpu.memory_space<vmem>>, vector<16xf32>,
      %get3A_1078 = arith.constant 7 : i32
      %get3A_1079 = arith.index_cast %get3A_1078 : i32 to index
      %get3A_1080 = arith.constant 48 : index
      %get3A_1081 = tpu.vector_load %arg9[%get3A_1079, %get3A_1080] {strides = array<i32>} : memref<10x128xf32, #tpu.memory_space<vmem>>, vector<16xf32>,
      %swap3A_1082 = arith.constant 0 : i32
      %swap3A_1083 = arith.index_cast %swap3A_1082 : i32 to index
      %swap3A_1084 = arith.constant 944 : index
      %swap3A_1085 = tpu.vector_load %arg11[%swap3A_1083, %swap3A_1084] {strides = array<i32>} : memref<9x1024xf32, #tpu.memory_space<vmem>>, vector<16xf32>,
      tpu.vector_store %arg11[%swap3A_1083, %swap3A_1084], %get3A_1081 {strides = array<i32>} : memref<9x1024xf32, #tpu.memory_space<vmem>>, vector<16xf32>,
      %get3A_1086 = arith.constant 0 : i32
      %get3A_1087 = arith.index_cast %get3A_1086 : i32 to index
      %get3A_1088 = arith.constant 64 : index
      %get3A_1089 = tpu.vector_load %arg9[%get3A_1087, %get3A_1088] {strides = array<i32>} : memref<10x128xf32, #tpu.memory_space<vmem>>, vector<16xf32>,
      %swap3A_1090 = arith.constant 0 : i32
      %swap3A_1091 = arith.index_cast %swap3A_1090 : i32 to index
      %swap3A_1092 = arith.constant 64 : index
      %swap3A_1093 = tpu.vector_load %arg11[%swap3A_1091, %swap3A_1092] {strides = array<i32>} : memref<9x1024xf32, #tpu.memory_space<vmem>>, vector<16xf32>,
      tpu.vector_store %arg11[%swap3A_1091, %swap3A_1092], %get3A_1089 {strides = array<i32>} : memref<9x1024xf32, #tpu.memory_space<vmem>>, vector<16xf32>,
      %get3A_1094 = arith.constant 1 : i32
      %get3A_1095 = arith.index_cast %get3A_1094 : i32 to index
      %get3A_1096 = arith.constant 64 : index
      %get3A_1097 = tpu.vector_load %arg9[%get3A_1095, %get3A_1096] {strides = array<i32>} : memref<10x128xf32, #tpu.memory_space<vmem>>, vector<16xf32>,
      %swap3A_1098 = arith.constant 0 : i32
      %swap3A_1099 = arith.index_cast %swap3A_1098 : i32 to index
      %swap3A_1100 = arith.constant 192 : index
      %swap3A_1101 = tpu.vector_load %arg11[%swap3A_1099, %swap3A_1100] {strides = array<i32>} : memref<9x1024xf32, #tpu.memory_space<vmem>>, vector<16xf32>,
      tpu.vector_store %arg11[%swap3A_1099, %swap3A_1100], %get3A_1097 {strides = array<i32>} : memref<9x1024xf32, #tpu.memory_space<vmem>>, vector<16xf32>,
      %get3A_1102 = arith.constant 2 : i32
      %get3A_1103 = arith.index_cast %get3A_1102 : i32 to index
      %get3A_1104 = arith.constant 64 : index
      %get3A_1105 = tpu.vector_load %arg9[%get3A_1103, %get3A_1104] {strides = array<i32>} : memref<10x128xf32, #tpu.memory_space<vmem>>, vector<16xf32>,
      %swap3A_1106 = arith.constant 0 : i32
      %swap3A_1107 = arith.index_cast %swap3A_1106 : i32 to index
      %swap3A_1108 = arith.constant 320 : index
      %swap3A_1109 = tpu.vector_load %arg11[%swap3A_1107, %swap3A_1108] {strides = array<i32>} : memref<9x1024xf32, #tpu.memory_space<vmem>>, vector<16xf32>,
      tpu.vector_store %arg11[%swap3A_1107, %swap3A_1108], %get3A_1105 {strides = array<i32>} : memref<9x1024xf32, #tpu.memory_space<vmem>>, vector<16xf32>,
      %get3A_1110 = arith.constant 3 : i32
      %get3A_1111 = arith.index_cast %get3A_1110 : i32 to index
      %get3A_1112 = arith.constant 64 : index
      %get3A_1113 = tpu.vector_load %arg9[%get3A_1111, %get3A_1112] {strides = array<i32>} : memref<10x128xf32, #tpu.memory_space<vmem>>, vector<16xf32>,
      %swap3A_1114 = arith.constant 0 : i32
      %swap3A_1115 = arith.index_cast %swap3A_1114 : i32 to index
      %swap3A_1116 = arith.constant 448 : index
      %swap3A_1117 = tpu.vector_load %arg11[%swap3A_1115, %swap3A_1116] {strides = array<i32>} : memref<9x1024xf32, #tpu.memory_space<vmem>>, vector<16xf32>,
      tpu.vector_store %arg11[%swap3A_1115, %swap3A_1116], %get3A_1113 {strides = array<i32>} : memref<9x1024xf32, #tpu.memory_space<vmem>>, vector<16xf32>,
      %get3A_1118 = arith.constant 4 : i32
      %get3A_1119 = arith.index_cast %get3A_1118 : i32 to index
      %get3A_1120 = arith.constant 64 : index
      %get3A_1121 = tpu.vector_load %arg9[%get3A_1119, %get3A_1120] {strides = array<i32>} : memref<10x128xf32, #tpu.memory_space<vmem>>, vector<16xf32>,
      %swap3A_1122 = arith.constant 0 : i32
      %swap3A_1123 = arith.index_cast %swap3A_1122 : i32 to index
      %swap3A_1124 = arith.constant 576 : index
      %swap3A_1125 = tpu.vector_load %arg11[%swap3A_1123, %swap3A_1124] {strides = array<i32>} : memref<9x1024xf32, #tpu.memory_space<vmem>>, vector<16xf32>,
      tpu.vector_store %arg11[%swap3A_1123, %swap3A_1124], %get3A_1121 {strides = array<i32>} : memref<9x1024xf32, #tpu.memory_space<vmem>>, vector<16xf32>,
      %get3A_1126 = arith.constant 5 : i32
      %get3A_1127 = arith.index_cast %get3A_1126 : i32 to index
      %get3A_1128 = arith.constant 64 : index
      %get3A_1129 = tpu.vector_load %arg9[%get3A_1127, %get3A_1128] {strides = array<i32>} : memref<10x128xf32, #tpu.memory_space<vmem>>, vector<16xf32>,
      %swap3A_1130 = arith.constant 0 : i32
      %swap3A_1131 = arith.index_cast %swap3A_1130 : i32 to index
      %swap3A_1132 = arith.constant 704 : index
      %swap3A_1133 = tpu.vector_load %arg11[%swap3A_1131, %swap3A_1132] {strides = array<i32>} : memref<9x1024xf32, #tpu.memory_space<vmem>>, vector<16xf32>,
      tpu.vector_store %arg11[%swap3A_1131, %swap3A_1132], %get3A_1129 {strides = array<i32>} : memref<9x1024xf32, #tpu.memory_space<vmem>>, vector<16xf32>,
      %get3A_1134 = arith.constant 6 : i32
      %get3A_1135 = arith.index_cast %get3A_1134 : i32 to index
      %get3A_1136 = arith.constant 64 : index
      %get3A_1137 = tpu.vector_load %arg9[%get3A_1135, %get3A_1136] {strides = array<i32>} : memref<10x128xf32, #tpu.memory_space<vmem>>, vector<16xf32>,
      %swap3A_1138 = arith.constant 0 : i32
      %swap3A_1139 = arith.index_cast %swap3A_1138 : i32 to index
      %swap3A_1140 = arith.constant 832 : index
      %swap3A_1141 = tpu.vector_load %arg11[%swap3A_1139, %swap3A_1140] {strides = array<i32>} : memref<9x1024xf32, #tpu.memory_space<vmem>>, vector<16xf32>,
      tpu.vector_store %arg11[%swap3A_1139, %swap3A_1140], %get3A_1137 {strides = array<i32>} : memref<9x1024xf32, #tpu.memory_space<vmem>>, vector<16xf32>,
      %get3A_1142 = arith.constant 7 : i32
      %get3A_1143 = arith.index_cast %get3A_1142 : i32 to index
      %get3A_1144 = arith.constant 64 : index
      %get3A_1145 = tpu.vector_load %arg9[%get3A_1143, %get3A_1144] {strides = array<i32>} : memref<10x128xf32, #tpu.memory_space<vmem>>, vector<16xf32>,
      %swap3A_1146 = arith.constant 0 : i32
      %swap3A_1147 = arith.index_cast %swap3A_1146 : i32 to index
      %swap3A_1148 = arith.constant 960 : index
      %swap3A_1149 = tpu.vector_load %arg11[%swap3A_1147, %swap3A_1148] {strides = array<i32>} : memref<9x1024xf32, #tpu.memory_space<vmem>>, vector<16xf32>,
      tpu.vector_store %arg11[%swap3A_1147, %swap3A_1148], %get3A_1145 {strides = array<i32>} : memref<9x1024xf32, #tpu.memory_space<vmem>>, vector<16xf32>,
      %get3A_1150 = arith.constant 0 : i32
      %get3A_1151 = arith.index_cast %get3A_1150 : i32 to index
      %get3A_1152 = arith.constant 80 : index
      %get3A_1153 = tpu.vector_load %arg9[%get3A_1151, %get3A_1152] {strides = array<i32>} : memref<10x128xf32, #tpu.memory_space<vmem>>, vector<16xf32>,
      %swap3A_1154 = arith.constant 0 : i32
      %swap3A_1155 = arith.index_cast %swap3A_1154 : i32 to index
      %swap3A_1156 = arith.constant 80 : index
      %swap3A_1157 = tpu.vector_load %arg11[%swap3A_1155, %swap3A_1156] {strides = array<i32>} : memref<9x1024xf32, #tpu.memory_space<vmem>>, vector<16xf32>,
      tpu.vector_store %arg11[%swap3A_1155, %swap3A_1156], %get3A_1153 {strides = array<i32>} : memref<9x1024xf32, #tpu.memory_space<vmem>>, vector<16xf32>,
      %get3A_1158 = arith.constant 1 : i32
      %get3A_1159 = arith.index_cast %get3A_1158 : i32 to index
      %get3A_1160 = arith.constant 80 : index
      %get3A_1161 = tpu.vector_load %arg9[%get3A_1159, %get3A_1160] {strides = array<i32>} : memref<10x128xf32, #tpu.memory_space<vmem>>, vector<16xf32>,
      %swap3A_1162 = arith.constant 0 : i32
      %swap3A_1163 = arith.index_cast %swap3A_1162 : i32 to index
      %swap3A_1164 = arith.constant 208 : index
      %swap3A_1165 = tpu.vector_load %arg11[%swap3A_1163, %swap3A_1164] {strides = array<i32>} : memref<9x1024xf32, #tpu.memory_space<vmem>>, vector<16xf32>,
      tpu.vector_store %arg11[%swap3A_1163, %swap3A_1164], %get3A_1161 {strides = array<i32>} : memref<9x1024xf32, #tpu.memory_space<vmem>>, vector<16xf32>,
      %get3A_1166 = arith.constant 2 : i32
      %get3A_1167 = arith.index_cast %get3A_1166 : i32 to index
      %get3A_1168 = arith.constant 80 : index
      %get3A_1169 = tpu.vector_load %arg9[%get3A_1167, %get3A_1168] {strides = array<i32>} : memref<10x128xf32, #tpu.memory_space<vmem>>, vector<16xf32>,
      %swap3A_1170 = arith.constant 0 : i32
      %swap3A_1171 = arith.index_cast %swap3A_1170 : i32 to index
      %swap3A_1172 = arith.constant 336 : index
      %swap3A_1173 = tpu.vector_load %arg11[%swap3A_1171, %swap3A_1172] {strides = array<i32>} : memref<9x1024xf32, #tpu.memory_space<vmem>>, vector<16xf32>,
      tpu.vector_store %arg11[%swap3A_1171, %swap3A_1172], %get3A_1169 {strides = array<i32>} : memref<9x1024xf32, #tpu.memory_space<vmem>>, vector<16xf32>,
      %get3A_1174 = arith.constant 3 : i32
      %get3A_1175 = arith.index_cast %get3A_1174 : i32 to index
      %get3A_1176 = arith.constant 80 : index
      %get3A_1177 = tpu.vector_load %arg9[%get3A_1175, %get3A_1176] {strides = array<i32>} : memref<10x128xf32, #tpu.memory_space<vmem>>, vector<16xf32>,
      %swap3A_1178 = arith.constant 0 : i32
      %swap3A_1179 = arith.index_cast %swap3A_1178 : i32 to index
      %swap3A_1180 = arith.constant 464 : index
      %swap3A_1181 = tpu.vector_load %arg11[%swap3A_1179, %swap3A_1180] {strides = array<i32>} : memref<9x1024xf32, #tpu.memory_space<vmem>>, vector<16xf32>,
      tpu.vector_store %arg11[%swap3A_1179, %swap3A_1180], %get3A_1177 {strides = array<i32>} : memref<9x1024xf32, #tpu.memory_space<vmem>>, vector<16xf32>,
      %get3A_1182 = arith.constant 4 : i32
      %get3A_1183 = arith.index_cast %get3A_1182 : i32 to index
      %get3A_1184 = arith.constant 80 : index
      %get3A_1185 = tpu.vector_load %arg9[%get3A_1183, %get3A_1184] {strides = array<i32>} : memref<10x128xf32, #tpu.memory_space<vmem>>, vector<16xf32>,
      %swap3A_1186 = arith.constant 0 : i32
      %swap3A_1187 = arith.index_cast %swap3A_1186 : i32 to index
      %swap3A_1188 = arith.constant 592 : index
      %swap3A_1189 = tpu.vector_load %arg11[%swap3A_1187, %swap3A_1188] {strides = array<i32>} : memref<9x1024xf32, #tpu.memory_space<vmem>>, vector<16xf32>,
      tpu.vector_store %arg11[%swap3A_1187, %swap3A_1188], %get3A_1185 {strides = array<i32>} : memref<9x1024xf32, #tpu.memory_space<vmem>>, vector<16xf32>,
      %get3A_1190 = arith.constant 5 : i32
      %get3A_1191 = arith.index_cast %get3A_1190 : i32 to index
      %get3A_1192 = arith.constant 80 : index
      %get3A_1193 = tpu.vector_load %arg9[%get3A_1191, %get3A_1192] {strides = array<i32>} : memref<10x128xf32, #tpu.memory_space<vmem>>, vector<16xf32>,
      %swap3A_1194 = arith.constant 0 : i32
      %swap3A_1195 = arith.index_cast %swap3A_1194 : i32 to index
      %swap3A_1196 = arith.constant 720 : index
      %swap3A_1197 = tpu.vector_load %arg11[%swap3A_1195, %swap3A_1196] {strides = array<i32>} : memref<9x1024xf32, #tpu.memory_space<vmem>>, vector<16xf32>,
      tpu.vector_store %arg11[%swap3A_1195, %swap3A_1196], %get3A_1193 {strides = array<i32>} : memref<9x1024xf32, #tpu.memory_space<vmem>>, vector<16xf32>,
      %get3A_1198 = arith.constant 6 : i32
      %get3A_1199 = arith.index_cast %get3A_1198 : i32 to index
      %get3A_1200 = arith.constant 80 : index
      %get3A_1201 = tpu.vector_load %arg9[%get3A_1199, %get3A_1200] {strides = array<i32>} : memref<10x128xf32, #tpu.memory_space<vmem>>, vector<16xf32>,
      %swap3A_1202 = arith.constant 0 : i32
      %swap3A_1203 = arith.index_cast %swap3A_1202 : i32 to index
      %swap3A_1204 = arith.constant 848 : index
      %swap3A_1205 = tpu.vector_load %arg11[%swap3A_1203, %swap3A_1204] {strides = array<i32>} : memref<9x1024xf32, #tpu.memory_space<vmem>>, vector<16xf32>,
      tpu.vector_store %arg11[%swap3A_1203, %swap3A_1204], %get3A_1201 {strides = array<i32>} : memref<9x1024xf32, #tpu.memory_space<vmem>>, vector<16xf32>,
      %get3A_1206 = arith.constant 7 : i32
      %get3A_1207 = arith.index_cast %get3A_1206 : i32 to index
      %get3A_1208 = arith.constant 80 : index
      %get3A_1209 = tpu.vector_load %arg9[%get3A_1207, %get3A_1208] {strides = array<i32>} : memref<10x128xf32, #tpu.memory_space<vmem>>, vector<16xf32>,
      %swap3A_1210 = arith.constant 0 : i32
      %swap3A_1211 = arith.index_cast %swap3A_1210 : i32 to index
      %swap3A_1212 = arith.constant 976 : index
      %swap3A_1213 = tpu.vector_load %arg11[%swap3A_1211, %swap3A_1212] {strides = array<i32>} : memref<9x1024xf32, #tpu.memory_space<vmem>>, vector<16xf32>,
      tpu.vector_store %arg11[%swap3A_1211, %swap3A_1212], %get3A_1209 {strides = array<i32>} : memref<9x1024xf32, #tpu.memory_space<vmem>>, vector<16xf32>,
      %get3A_1214 = arith.constant 0 : i32
      %get3A_1215 = arith.index_cast %get3A_1214 : i32 to index
      %get3A_1216 = arith.constant 96 : index
      %get3A_1217 = tpu.vector_load %arg9[%get3A_1215, %get3A_1216] {strides = array<i32>} : memref<10x128xf32, #tpu.memory_space<vmem>>, vector<16xf32>,
      %swap3A_1218 = arith.constant 0 : i32
      %swap3A_1219 = arith.index_cast %swap3A_1218 : i32 to index
      %swap3A_1220 = arith.constant 96 : index
      %swap3A_1221 = tpu.vector_load %arg11[%swap3A_1219, %swap3A_1220] {strides = array<i32>} : memref<9x1024xf32, #tpu.memory_space<vmem>>, vector<16xf32>,
      tpu.vector_store %arg11[%swap3A_1219, %swap3A_1220], %get3A_1217 {strides = array<i32>} : memref<9x1024xf32, #tpu.memory_space<vmem>>, vector<16xf32>,
      %get3A_1222 = arith.constant 1 : i32
      %get3A_1223 = arith.index_cast %get3A_1222 : i32 to index
      %get3A_1224 = arith.constant 96 : index
      %get3A_1225 = tpu.vector_load %arg9[%get3A_1223, %get3A_1224] {strides = array<i32>} : memref<10x128xf32, #tpu.memory_space<vmem>>, vector<16xf32>,
      %swap3A_1226 = arith.constant 0 : i32
      %swap3A_1227 = arith.index_cast %swap3A_1226 : i32 to index
      %swap3A_1228 = arith.constant 224 : index
      %swap3A_1229 = tpu.vector_load %arg11[%swap3A_1227, %swap3A_1228] {strides = array<i32>} : memref<9x1024xf32, #tpu.memory_space<vmem>>, vector<16xf32>,
      tpu.vector_store %arg11[%swap3A_1227, %swap3A_1228], %get3A_1225 {strides = array<i32>} : memref<9x1024xf32, #tpu.memory_space<vmem>>, vector<16xf32>,
      %get3A_1230 = arith.constant 2 : i32
      %get3A_1231 = arith.index_cast %get3A_1230 : i32 to index
      %get3A_1232 = arith.constant 96 : index
      %get3A_1233 = tpu.vector_load %arg9[%get3A_1231, %get3A_1232] {strides = array<i32>} : memref<10x128xf32, #tpu.memory_space<vmem>>, vector<16xf32>,
      %swap3A_1234 = arith.constant 0 : i32
      %swap3A_1235 = arith.index_cast %swap3A_1234 : i32 to index
      %swap3A_1236 = arith.constant 352 : index
      %swap3A_1237 = tpu.vector_load %arg11[%swap3A_1235, %swap3A_1236] {strides = array<i32>} : memref<9x1024xf32, #tpu.memory_space<vmem>>, vector<16xf32>,
      tpu.vector_store %arg11[%swap3A_1235, %swap3A_1236], %get3A_1233 {strides = array<i32>} : memref<9x1024xf32, #tpu.memory_space<vmem>>, vector<16xf32>,
      %get3A_1238 = arith.constant 3 : i32
      %get3A_1239 = arith.index_cast %get3A_1238 : i32 to index
      %get3A_1240 = arith.constant 96 : index
      %get3A_1241 = tpu.vector_load %arg9[%get3A_1239, %get3A_1240] {strides = array<i32>} : memref<10x128xf32, #tpu.memory_space<vmem>>, vector<16xf32>,
      %swap3A_1242 = arith.constant 0 : i32
      %swap3A_1243 = arith.index_cast %swap3A_1242 : i32 to index
      %swap3A_1244 = arith.constant 480 : index
      %swap3A_1245 = tpu.vector_load %arg11[%swap3A_1243, %swap3A_1244] {strides = array<i32>} : memref<9x1024xf32, #tpu.memory_space<vmem>>, vector<16xf32>,
      tpu.vector_store %arg11[%swap3A_1243, %swap3A_1244], %get3A_1241 {strides = array<i32>} : memref<9x1024xf32, #tpu.memory_space<vmem>>, vector<16xf32>,
      %get3A_1246 = arith.constant 4 : i32
      %get3A_1247 = arith.index_cast %get3A_1246 : i32 to index
      %get3A_1248 = arith.constant 96 : index
      %get3A_1249 = tpu.vector_load %arg9[%get3A_1247, %get3A_1248] {strides = array<i32>} : memref<10x128xf32, #tpu.memory_space<vmem>>, vector<16xf32>,
      %swap3A_1250 = arith.constant 0 : i32
      %swap3A_1251 = arith.index_cast %swap3A_1250 : i32 to index
      %swap3A_1252 = arith.constant 608 : index
      %swap3A_1253 = tpu.vector_load %arg11[%swap3A_1251, %swap3A_1252] {strides = array<i32>} : memref<9x1024xf32, #tpu.memory_space<vmem>>, vector<16xf32>,
      tpu.vector_store %arg11[%swap3A_1251, %swap3A_1252], %get3A_1249 {strides = array<i32>} : memref<9x1024xf32, #tpu.memory_space<vmem>>, vector<16xf32>,
      %get3A_1254 = arith.constant 5 : i32
      %get3A_1255 = arith.index_cast %get3A_1254 : i32 to index
      %get3A_1256 = arith.constant 96 : index
      %get3A_1257 = tpu.vector_load %arg9[%get3A_1255, %get3A_1256] {strides = array<i32>} : memref<10x128xf32, #tpu.memory_space<vmem>>, vector<16xf32>,
      %swap3A_1258 = arith.constant 0 : i32
      %swap3A_1259 = arith.index_cast %swap3A_1258 : i32 to index
      %swap3A_1260 = arith.constant 736 : index
      %swap3A_1261 = tpu.vector_load %arg11[%swap3A_1259, %swap3A_1260] {strides = array<i32>} : memref<9x1024xf32, #tpu.memory_space<vmem>>, vector<16xf32>,
      tpu.vector_store %arg11[%swap3A_1259, %swap3A_1260], %get3A_1257 {strides = array<i32>} : memref<9x1024xf32, #tpu.memory_space<vmem>>, vector<16xf32>,
      %get3A_1262 = arith.constant 6 : i32
      %get3A_1263 = arith.index_cast %get3A_1262 : i32 to index
      %get3A_1264 = arith.constant 96 : index
      %get3A_1265 = tpu.vector_load %arg9[%get3A_1263, %get3A_1264] {strides = array<i32>} : memref<10x128xf32, #tpu.memory_space<vmem>>, vector<16xf32>,
      %swap3A_1266 = arith.constant 0 : i32
      %swap3A_1267 = arith.index_cast %swap3A_1266 : i32 to index
      %swap3A_1268 = arith.constant 864 : index
      %swap3A_1269 = tpu.vector_load %arg11[%swap3A_1267, %swap3A_1268] {strides = array<i32>} : memref<9x1024xf32, #tpu.memory_space<vmem>>, vector<16xf32>,
      tpu.vector_store %arg11[%swap3A_1267, %swap3A_1268], %get3A_1265 {strides = array<i32>} : memref<9x1024xf32, #tpu.memory_space<vmem>>, vector<16xf32>,
      %get3A_1270 = arith.constant 7 : i32
      %get3A_1271 = arith.index_cast %get3A_1270 : i32 to index
      %get3A_1272 = arith.constant 96 : index
      %get3A_1273 = tpu.vector_load %arg9[%get3A_1271, %get3A_1272] {strides = array<i32>} : memref<10x128xf32, #tpu.memory_space<vmem>>, vector<16xf32>,
      %swap3A_1274 = arith.constant 0 : i32
      %swap3A_1275 = arith.index_cast %swap3A_1274 : i32 to index
      %swap3A_1276 = arith.constant 992 : index
      %swap3A_1277 = tpu.vector_load %arg11[%swap3A_1275, %swap3A_1276] {strides = array<i32>} : memref<9x1024xf32, #tpu.memory_space<vmem>>, vector<16xf32>,
      tpu.vector_store %arg11[%swap3A_1275, %swap3A_1276], %get3A_1273 {strides = array<i32>} : memref<9x1024xf32, #tpu.memory_space<vmem>>, vector<16xf32>,
      %get3A_1278 = arith.constant 0 : i32
      %get3A_1279 = arith.index_cast %get3A_1278 : i32 to index
      %get3A_1280 = arith.constant 112 : index
      %get3A_1281 = tpu.vector_load %arg9[%get3A_1279, %get3A_1280] {strides = array<i32>} : memref<10x128xf32, #tpu.memory_space<vmem>>, vector<16xf32>,
      %swap3A_1282 = arith.constant 0 : i32
      %swap3A_1283 = arith.index_cast %swap3A_1282 : i32 to index
      %swap3A_1284 = arith.constant 112 : index
      %swap3A_1285 = tpu.vector_load %arg11[%swap3A_1283, %swap3A_1284] {strides = array<i32>} : memref<9x1024xf32, #tpu.memory_space<vmem>>, vector<16xf32>,
      tpu.vector_store %arg11[%swap3A_1283, %swap3A_1284], %get3A_1281 {strides = array<i32>} : memref<9x1024xf32, #tpu.memory_space<vmem>>, vector<16xf32>,
      %get3A_1286 = arith.constant 1 : i32
      %get3A_1287 = arith.index_cast %get3A_1286 : i32 to index
      %get3A_1288 = arith.constant 112 : index
      %get3A_1289 = tpu.vector_load %arg9[%get3A_1287, %get3A_1288] {strides = array<i32>} : memref<10x128xf32, #tpu.memory_space<vmem>>, vector<16xf32>,
      %swap3A_1290 = arith.constant 0 : i32
      %swap3A_1291 = arith.index_cast %swap3A_1290 : i32 to index
      %swap3A_1292 = arith.constant 240 : index
      %swap3A_1293 = tpu.vector_load %arg11[%swap3A_1291, %swap3A_1292] {strides = array<i32>} : memref<9x1024xf32, #tpu.memory_space<vmem>>, vector<16xf32>,
      tpu.vector_store %arg11[%swap3A_1291, %swap3A_1292], %get3A_1289 {strides = array<i32>} : memref<9x1024xf32, #tpu.memory_space<vmem>>, vector<16xf32>,
      %get3A_1294 = arith.constant 2 : i32
      %get3A_1295 = arith.index_cast %get3A_1294 : i32 to index
      %get3A_1296 = arith.constant 112 : index
      %get3A_1297 = tpu.vector_load %arg9[%get3A_1295, %get3A_1296] {strides = array<i32>} : memref<10x128xf32, #tpu.memory_space<vmem>>, vector<16xf32>,
      %swap3A_1298 = arith.constant 0 : i32
      %swap3A_1299 = arith.index_cast %swap3A_1298 : i32 to index
      %swap3A_1300 = arith.constant 368 : index
      %swap3A_1301 = tpu.vector_load %arg11[%swap3A_1299, %swap3A_1300] {strides = array<i32>} : memref<9x1024xf32, #tpu.memory_space<vmem>>, vector<16xf32>,
      tpu.vector_store %arg11[%swap3A_1299, %swap3A_1300], %get3A_1297 {strides = array<i32>} : memref<9x1024xf32, #tpu.memory_space<vmem>>, vector<16xf32>,
      %get3A_1302 = arith.constant 3 : i32
      %get3A_1303 = arith.index_cast %get3A_1302 : i32 to index
      %get3A_1304 = arith.constant 112 : index
      %get3A_1305 = tpu.vector_load %arg9[%get3A_1303, %get3A_1304] {strides = array<i32>} : memref<10x128xf32, #tpu.memory_space<vmem>>, vector<16xf32>,
      %swap3A_1306 = arith.constant 0 : i32
      %swap3A_1307 = arith.index_cast %swap3A_1306 : i32 to index
      %swap3A_1308 = arith.constant 496 : index
      %swap3A_1309 = tpu.vector_load %arg11[%swap3A_1307, %swap3A_1308] {strides = array<i32>} : memref<9x1024xf32, #tpu.memory_space<vmem>>, vector<16xf32>,
      tpu.vector_store %arg11[%swap3A_1307, %swap3A_1308], %get3A_1305 {strides = array<i32>} : memref<9x1024xf32, #tpu.memory_space<vmem>>, vector<16xf32>,
      %get3A_1310 = arith.constant 4 : i32
      %get3A_1311 = arith.index_cast %get3A_1310 : i32 to index
      %get3A_1312 = arith.constant 112 : index
      %get3A_1313 = tpu.vector_load %arg9[%get3A_1311, %get3A_1312] {strides = array<i32>} : memref<10x128xf32, #tpu.memory_space<vmem>>, vector<16xf32>,
      %swap3A_1314 = arith.constant 0 : i32
      %swap3A_1315 = arith.index_cast %swap3A_1314 : i32 to index
      %swap3A_1316 = arith.constant 624 : index
      %swap3A_1317 = tpu.vector_load %arg11[%swap3A_1315, %swap3A_1316] {strides = array<i32>} : memref<9x1024xf32, #tpu.memory_space<vmem>>, vector<16xf32>,
      tpu.vector_store %arg11[%swap3A_1315, %swap3A_1316], %get3A_1313 {strides = array<i32>} : memref<9x1024xf32, #tpu.memory_space<vmem>>, vector<16xf32>,
      %get3A_1318 = arith.constant 5 : i32
      %get3A_1319 = arith.index_cast %get3A_1318 : i32 to index
      %get3A_1320 = arith.constant 112 : index
      %get3A_1321 = tpu.vector_load %arg9[%get3A_1319, %get3A_1320] {strides = array<i32>} : memref<10x128xf32, #tpu.memory_space<vmem>>, vector<16xf32>,
      %swap3A_1322 = arith.constant 0 : i32
      %swap3A_1323 = arith.index_cast %swap3A_1322 : i32 to index
      %swap3A_1324 = arith.constant 752 : index
      %swap3A_1325 = tpu.vector_load %arg11[%swap3A_1323, %swap3A_1324] {strides = array<i32>} : memref<9x1024xf32, #tpu.memory_space<vmem>>, vector<16xf32>,
      tpu.vector_store %arg11[%swap3A_1323, %swap3A_1324], %get3A_1321 {strides = array<i32>} : memref<9x1024xf32, #tpu.memory_space<vmem>>, vector<16xf32>,
      %get3A_1326 = arith.constant 6 : i32
      %get3A_1327 = arith.index_cast %get3A_1326 : i32 to index
      %get3A_1328 = arith.constant 112 : index
      %get3A_1329 = tpu.vector_load %arg9[%get3A_1327, %get3A_1328] {strides = array<i32>} : memref<10x128xf32, #tpu.memory_space<vmem>>, vector<16xf32>,
      %swap3A_1330 = arith.constant 0 : i32
      %swap3A_1331 = arith.index_cast %swap3A_1330 : i32 to index
      %swap3A_1332 = arith.constant 880 : index
      %swap3A_1333 = tpu.vector_load %arg11[%swap3A_1331, %swap3A_1332] {strides = array<i32>} : memref<9x1024xf32, #tpu.memory_space<vmem>>, vector<16xf32>,
      tpu.vector_store %arg11[%swap3A_1331, %swap3A_1332], %get3A_1329 {strides = array<i32>} : memref<9x1024xf32, #tpu.memory_space<vmem>>, vector<16xf32>,
      %get3A_1334 = arith.constant 7 : i32
      %get3A_1335 = arith.index_cast %get3A_1334 : i32 to index
      %get3A_1336 = arith.constant 112 : index
      %get3A_1337 = tpu.vector_load %arg9[%get3A_1335, %get3A_1336] {strides = array<i32>} : memref<10x128xf32, #tpu.memory_space<vmem>>, vector<16xf32>,
      %swap3A_1338 = arith.constant 0 : i32
      %swap3A_1339 = arith.index_cast %swap3A_1338 : i32 to index
      %swap3A_1340 = arith.constant 1008 : index
      %swap3A_1341 = tpu.vector_load %arg11[%swap3A_1339, %swap3A_1340] {strides = array<i32>} : memref<9x1024xf32, #tpu.memory_space<vmem>>, vector<16xf32>,
      tpu.vector_store %arg11[%swap3A_1339, %swap3A_1340], %get3A_1337 {strides = array<i32>} : memref<9x1024xf32, #tpu.memory_space<vmem>>, vector<16xf32>,
      %get3A_1342 = arith.constant 8 : i32
      %get3A_1343 = arith.index_cast %get3A_1342 : i32 to index
      %get3A_1344 = arith.constant 0 : index
      %get3A_1345 = tpu.vector_load %arg9[%get3A_1343, %get3A_1344] {strides = array<i32>} : memref<10x128xf32, #tpu.memory_space<vmem>>, vector<16xf32>,
      %convert_element_type3A_1346 = arith.fptosi %get3A_1345 : vector<16xf32> to vector<16xi32>
      %get3A_1347 = arith.constant 8 : i32
      %get3A_1348 = arith.index_cast %get3A_1347 : i32 to index
      %get3A_1349 = arith.constant 16 : index
      %get3A_1350 = tpu.vector_load %arg9[%get3A_1348, %get3A_1349] {strides = array<i32>} : memref<10x128xf32, #tpu.memory_space<vmem>>, vector<16xf32>,
      %convert_element_type3A_1351 = arith.fptosi %get3A_1350 : vector<16xf32> to vector<16xi32>
      %get3A_1352 = arith.constant 8 : i32
      %get3A_1353 = arith.index_cast %get3A_1352 : i32 to index
      %get3A_1354 = arith.constant 32 : index
      %get3A_1355 = tpu.vector_load %arg9[%get3A_1353, %get3A_1354] {strides = array<i32>} : memref<10x128xf32, #tpu.memory_space<vmem>>, vector<16xf32>,
      %convert_element_type3A_1356 = arith.fptosi %get3A_1355 : vector<16xf32> to vector<16xi32>
      %get3A_1357 = arith.constant 8 : i32
      %get3A_1358 = arith.index_cast %get3A_1357 : i32 to index
      %get3A_1359 = arith.constant 48 : index
      %get3A_1360 = tpu.vector_load %arg9[%get3A_1358, %get3A_1359] {strides = array<i32>} : memref<10x128xf32, #tpu.memory_space<vmem>>, vector<16xf32>,
      %convert_element_type3A_1361 = arith.fptosi %get3A_1360 : vector<16xf32> to vector<16xi32>
      %get3A_1362 = arith.constant 8 : i32
      %get3A_1363 = arith.index_cast %get3A_1362 : i32 to index
      %get3A_1364 = arith.constant 64 : index
      %get3A_1365 = tpu.vector_load %arg9[%get3A_1363, %get3A_1364] {strides = array<i32>} : memref<10x128xf32, #tpu.memory_space<vmem>>, vector<16xf32>,
      %convert_element_type3A_1366 = arith.fptosi %get3A_1365 : vector<16xf32> to vector<16xi32>
      %get3A_1367 = arith.constant 8 : i32
      %get3A_1368 = arith.index_cast %get3A_1367 : i32 to index
      %get3A_1369 = arith.constant 80 : index
      %get3A_1370 = tpu.vector_load %arg9[%get3A_1368, %get3A_1369] {strides = array<i32>} : memref<10x128xf32, #tpu.memory_space<vmem>>, vector<16xf32>,
      %convert_element_type3A_1371 = arith.fptosi %get3A_1370 : vector<16xf32> to vector<16xi32>
      %get3A_1372 = arith.constant 8 : i32
      %get3A_1373 = arith.index_cast %get3A_1372 : i32 to index
      %get3A_1374 = arith.constant 96 : index
      %get3A_1375 = tpu.vector_load %arg9[%get3A_1373, %get3A_1374] {strides = array<i32>} : memref<10x128xf32, #tpu.memory_space<vmem>>, vector<16xf32>,
      %convert_element_type3A_1376 = arith.fptosi %get3A_1375 : vector<16xf32> to vector<16xi32>
      %get3A_1377 = arith.constant 8 : i32
      %get3A_1378 = arith.index_cast %get3A_1377 : i32 to index
      %get3A_1379 = arith.constant 112 : index
      %get3A_1380 = tpu.vector_load %arg9[%get3A_1378, %get3A_1379] {strides = array<i32>} : memref<10x128xf32, #tpu.memory_space<vmem>>, vector<16xf32>,
      %convert_element_type3A_1381 = arith.fptosi %get3A_1380 : vector<16xf32> to vector<16xi32>
      %get3A_1382 = arith.constant 9 : i32
      %get3A_1383 = arith.index_cast %get3A_1382 : i32 to index
      %get3A_1384 = arith.constant 0 : index
      %get3A_1385 = tpu.vector_load %arg9[%get3A_1383, %get3A_1384] {strides = array<i32>} : memref<10x128xf32, #tpu.memory_space<vmem>>, vector<16xf32>,
      %convert_element_type3A_1386 = arith.fptosi %get3A_1385 : vector<16xf32> to vector<16xi32>
      %get3A_1387 = arith.constant 9 : i32
      %get3A_1388 = arith.index_cast %get3A_1387 : i32 to index
      %get3A_1389 = arith.constant 16 : index
      %get3A_1390 = tpu.vector_load %arg9[%get3A_1388, %get3A_1389] {strides = array<i32>} : memref<10x128xf32, #tpu.memory_space<vmem>>, vector<16xf32>,
      %convert_element_type3A_1391 = arith.fptosi %get3A_1390 : vector<16xf32> to vector<16xi32>
      %get3A_1392 = arith.constant 9 : i32
      %get3A_1393 = arith.index_cast %get3A_1392 : i32 to index
      %get3A_1394 = arith.constant 32 : index
      %get3A_1395 = tpu.vector_load %arg9[%get3A_1393, %get3A_1394] {strides = array<i32>} : memref<10x128xf32, #tpu.memory_space<vmem>>, vector<16xf32>,
      %convert_element_type3A_1396 = arith.fptosi %get3A_1395 : vector<16xf32> to vector<16xi32>
      %get3A_1397 = arith.constant 9 : i32
      %get3A_1398 = arith.index_cast %get3A_1397 : i32 to index
      %get3A_1399 = arith.constant 48 : index
      %get3A_1400 = tpu.vector_load %arg9[%get3A_1398, %get3A_1399] {strides = array<i32>} : memref<10x128xf32, #tpu.memory_space<vmem>>, vector<16xf32>,
      %convert_element_type3A_1401 = arith.fptosi %get3A_1400 : vector<16xf32> to vector<16xi32>
      %get3A_1402 = arith.constant 9 : i32
      %get3A_1403 = arith.index_cast %get3A_1402 : i32 to index
      %get3A_1404 = arith.constant 64 : index
      %get3A_1405 = tpu.vector_load %arg9[%get3A_1403, %get3A_1404] {strides = array<i32>} : memref<10x128xf32, #tpu.memory_space<vmem>>, vector<16xf32>,
      %convert_element_type3A_1406 = arith.fptosi %get3A_1405 : vector<16xf32> to vector<16xi32>
      %get3A_1407 = arith.constant 9 : i32
      %get3A_1408 = arith.index_cast %get3A_1407 : i32 to index
      %get3A_1409 = arith.constant 80 : index
      %get3A_1410 = tpu.vector_load %arg9[%get3A_1408, %get3A_1409] {strides = array<i32>} : memref<10x128xf32, #tpu.memory_space<vmem>>, vector<16xf32>,
      %convert_element_type3A_1411 = arith.fptosi %get3A_1410 : vector<16xf32> to vector<16xi32>
      %get3A_1412 = arith.constant 9 : i32
      %get3A_1413 = arith.index_cast %get3A_1412 : i32 to index
      %get3A_1414 = arith.constant 96 : index
      %get3A_1415 = tpu.vector_load %arg9[%get3A_1413, %get3A_1414] {strides = array<i32>} : memref<10x128xf32, #tpu.memory_space<vmem>>, vector<16xf32>,
      %convert_element_type3A_1416 = arith.fptosi %get3A_1415 : vector<16xf32> to vector<16xi32>
      %get3A_1417 = arith.constant 9 : i32
      %get3A_1418 = arith.index_cast %get3A_1417 : i32 to index
      %get3A_1419 = arith.constant 112 : index
      %get3A_1420 = tpu.vector_load %arg9[%get3A_1418, %get3A_1419] {strides = array<i32>} : memref<10x128xf32, #tpu.memory_space<vmem>>, vector<16xf32>,
      %convert_element_type3A_1421 = arith.fptosi %get3A_1420 : vector<16xf32> to vector<16xi32>
      %parallel_loop3A_1422 = arith.constant 0 : i32
      %parallel_loop3A_1423 = arith.constant 16 : i32
      %parallel_loop3A_1424 = arith.constant 1 : i32
      scf.for %parallel_loop3A_1484 = %parallel_loop3A_1422 to %parallel_loop3A_1423 step %parallel_loop3A_1424  : i32 {
        %parallel_loop3A_1485 = vector.broadcast %parallel_loop3A_1484 : i32 to vector<16xi32>
        %parallel_loop3A_1486 = arith.addi %iota3A, %parallel_loop3A_1485 : vector<16xi32>
        %parallel_loop3A_1487 = arith.constant 15 : i32
        %parallel_loop3A_1488 = vector.broadcast %parallel_loop3A_1487 : i32 to vector<16xi32>
        %parallel_loop3A_1489 = arith.andi %parallel_loop3A_1486, %parallel_loop3A_1488 : vector<16xi32>
        %parallel_loop3A_1490 = arith.constant 16 : i32
        %parallel_loop3A_1491 = vector.broadcast %parallel_loop3A_1490 : i32 to vector<16xi32>
        %parallel_loop3A_1492 = arith.addi %parallel_loop3A_1489, %parallel_loop3A_1491 : vector<16xi32>
        %parallel_loop3A_1493 = arith.constant 8 : i32
        %parallel_loop3A_1494 = vector.broadcast %parallel_loop3A_1493 : i32 to vector<16xi32>
        %parallel_loop3A_1495 = arith.addi %parallel_loop3A_1494, %parallel_loop3A_1489 : vector<16xi32>
        %parallel_loop3A_1496 = arith.constant 3 : i32
        %parallel_loop3A_1497 = vector.broadcast %parallel_loop3A_1496 : i32 to vector<16xi32>
        %parallel_loop3A_1498 = arith.shrsi %parallel_loop3A_1495, %parallel_loop3A_1497 : vector<16xi32>
        %parallel_loop3A_1499 = arith.constant 7 : i32
        %parallel_loop3A_1500 = vector.broadcast %parallel_loop3A_1499 : i32 to vector<16xi32>
        %parallel_loop3A_1501 = arith.andi %parallel_loop3A_1495, %parallel_loop3A_1500 : vector<16xi32>
        %parallel_loop3A_1502 = arith.constant 7 : i32
        %parallel_loop3A_1503 = vector.broadcast %parallel_loop3A_1502 : i32 to vector<16xi32>
        %parallel_loop3A_1504 = arith.shli %parallel_loop3A_1501, %parallel_loop3A_1503 : vector<16xi32>
        %parallel_loop3A_1505 = arith.constant 40 : i32
        %parallel_loop3A_1506 = vector.broadcast %parallel_loop3A_1505 : i32 to vector<16xi32>
        %parallel_loop3A_1507 = arith.addi %parallel_loop3A_1506, %parallel_loop3A_1489 : vector<16xi32>
        %parallel_loop3A_1508 = arith.constant 3 : i32
        %parallel_loop3A_1509 = vector.broadcast %parallel_loop3A_1508 : i32 to vector<16xi32>
        %parallel_loop3A_1510 = arith.shrsi %parallel_loop3A_1507, %parallel_loop3A_1509 : vector<16xi32>
        %parallel_loop3A_1511 = arith.constant 7 : i32
        %parallel_loop3A_1512 = vector.broadcast %parallel_loop3A_1511 : i32 to vector<16xi32>
        %parallel_loop3A_1513 = arith.andi %parallel_loop3A_1507, %parallel_loop3A_1512 : vector<16xi32>
        %parallel_loop3A_1514 = arith.constant 7 : i32
        %parallel_loop3A_1515 = vector.broadcast %parallel_loop3A_1514 : i32 to vector<16xi32>
        %parallel_loop3A_1516 = arith.shli %parallel_loop3A_1513, %parallel_loop3A_1515 : vector<16xi32>
        %parallel_loop3A_1517 = tpu.vector_load_idx %arg6[%convert_element_type3A_1346, %parallel_loop3A_1489] : memref<100x33xf32, #tpu.memory_space<vmem>>[vector<16xi32>, vector<16xi32>], vector<16xf32>,
        %parallel_loop3A_1518 = tpu.vector_load_idx %arg7[%convert_element_type3A_1386, %parallel_loop3A_1489] : memref<2000x33xf32, #tpu.memory_space<vmem>>[vector<16xi32>, vector<16xi32>], vector<16xf32>,
        %parallel_loop3A_1519 = tpu.vector_load_idx %arg6[%convert_element_type3A_1351, %parallel_loop3A_1489] : memref<100x33xf32, #tpu.memory_space<vmem>>[vector<16xi32>, vector<16xi32>], vector<16xf32>,
        %parallel_loop3A_1520 = tpu.vector_load_idx %arg7[%convert_element_type3A_1391, %parallel_loop3A_1489] : memref<2000x33xf32, #tpu.memory_space<vmem>>[vector<16xi32>, vector<16xi32>], vector<16xf32>,
        %parallel_loop3A_1521 = tpu.vector_load_idx %arg6[%convert_element_type3A_1356, %parallel_loop3A_1489] : memref<100x33xf32, #tpu.memory_space<vmem>>[vector<16xi32>, vector<16xi32>], vector<16xf32>,
        %parallel_loop3A_1522 = tpu.vector_load_idx %arg7[%convert_element_type3A_1396, %parallel_loop3A_1489] : memref<2000x33xf32, #tpu.memory_space<vmem>>[vector<16xi32>, vector<16xi32>], vector<16xf32>,
        %parallel_loop3A_1523 = tpu.vector_load_idx %arg6[%convert_element_type3A_1361, %parallel_loop3A_1489] : memref<100x33xf32, #tpu.memory_space<vmem>>[vector<16xi32>, vector<16xi32>], vector<16xf32>,
        %parallel_loop3A_1524 = tpu.vector_load_idx %arg7[%convert_element_type3A_1401, %parallel_loop3A_1489] : memref<2000x33xf32, #tpu.memory_space<vmem>>[vector<16xi32>, vector<16xi32>], vector<16xf32>,
        %parallel_loop3A_1525 = tpu.vector_load_idx %arg6[%convert_element_type3A_1366, %parallel_loop3A_1489] : memref<100x33xf32, #tpu.memory_space<vmem>>[vector<16xi32>, vector<16xi32>], vector<16xf32>,
        %parallel_loop3A_1526 = tpu.vector_load_idx %arg7[%convert_element_type3A_1406, %parallel_loop3A_1489] : memref<2000x33xf32, #tpu.memory_space<vmem>>[vector<16xi32>, vector<16xi32>], vector<16xf32>,
        %parallel_loop3A_1527 = tpu.vector_load_idx %arg6[%convert_element_type3A_1371, %parallel_loop3A_1489] : memref<100x33xf32, #tpu.memory_space<vmem>>[vector<16xi32>, vector<16xi32>], vector<16xf32>,
        %parallel_loop3A_1528 = tpu.vector_load_idx %arg7[%convert_element_type3A_1411, %parallel_loop3A_1489] : memref<2000x33xf32, #tpu.memory_space<vmem>>[vector<16xi32>, vector<16xi32>], vector<16xf32>,
        %parallel_loop3A_1529 = tpu.vector_load_idx %arg6[%convert_element_type3A_1376, %parallel_loop3A_1489] : memref<100x33xf32, #tpu.memory_space<vmem>>[vector<16xi32>, vector<16xi32>], vector<16xf32>,
        %parallel_loop3A_1530 = tpu.vector_load_idx %arg7[%convert_element_type3A_1416, %parallel_loop3A_1489] : memref<2000x33xf32, #tpu.memory_space<vmem>>[vector<16xi32>, vector<16xi32>], vector<16xf32>,
        %parallel_loop3A_1531 = tpu.vector_load_idx %arg6[%convert_element_type3A_1381, %parallel_loop3A_1489] : memref<100x33xf32, #tpu.memory_space<vmem>>[vector<16xi32>, vector<16xi32>], vector<16xf32>,
        %parallel_loop3A_1532 = tpu.vector_load_idx %arg7[%convert_element_type3A_1421, %parallel_loop3A_1489] : memref<2000x33xf32, #tpu.memory_space<vmem>>[vector<16xi32>, vector<16xi32>], vector<16xf32>,
        %parallel_loop3A_1533 = arith.constant 0 : i32
        %parallel_loop3A_1534 = vector.broadcast %parallel_loop3A_1533 : i32 to vector<16xi32>
        %parallel_loop3A_1535 = arith.addi %iota3A, %parallel_loop3A_1534 : vector<16xi32>
        %parallel_loop3A_1536 = arith.addi %parallel_loop3A_1504, %parallel_loop3A_1535 : vector<16xi32>
        tpu.vector_store_idx %arg11[%parallel_loop3A_1498, %parallel_loop3A_1536], %parallel_loop3A_1517 : memref<9x1024xf32, #tpu.memory_space<vmem>>[vector<16xi32>, vector<16xi32>], vector<16xf32>,
        %parallel_loop3A_1537 = arith.addi %parallel_loop3A_1516, %parallel_loop3A_1535 : vector<16xi32>
        tpu.vector_store_idx %arg11[%parallel_loop3A_1510, %parallel_loop3A_1537], %parallel_loop3A_1518 : memref<9x1024xf32, #tpu.memory_space<vmem>>[vector<16xi32>, vector<16xi32>], vector<16xf32>,
        %parallel_loop3A_1538 = arith.constant 16 : i32
        %parallel_loop3A_1539 = vector.broadcast %parallel_loop3A_1538 : i32 to vector<16xi32>
        %parallel_loop3A_1540 = arith.addi %iota3A, %parallel_loop3A_1539 : vector<16xi32>
        %parallel_loop3A_1541 = arith.addi %parallel_loop3A_1504, %parallel_loop3A_1540 : vector<16xi32>
        tpu.vector_store_idx %arg11[%parallel_loop3A_1498, %parallel_loop3A_1541], %parallel_loop3A_1519 : memref<9x1024xf32, #tpu.memory_space<vmem>>[vector<16xi32>, vector<16xi32>], vector<16xf32>,
        %parallel_loop3A_1542 = arith.addi %parallel_loop3A_1516, %parallel_loop3A_1540 : vector<16xi32>
        tpu.vector_store_idx %arg11[%parallel_loop3A_1510, %parallel_loop3A_1542], %parallel_loop3A_1520 : memref<9x1024xf32, #tpu.memory_space<vmem>>[vector<16xi32>, vector<16xi32>], vector<16xf32>,
        %parallel_loop3A_1543 = arith.constant 32 : i32
        %parallel_loop3A_1544 = vector.broadcast %parallel_loop3A_1543 : i32 to vector<16xi32>
        %parallel_loop3A_1545 = arith.addi %iota3A, %parallel_loop3A_1544 : vector<16xi32>
        %parallel_loop3A_1546 = arith.addi %parallel_loop3A_1504, %parallel_loop3A_1545 : vector<16xi32>
        tpu.vector_store_idx %arg11[%parallel_loop3A_1498, %parallel_loop3A_1546], %parallel_loop3A_1521 : memref<9x1024xf32, #tpu.memory_space<vmem>>[vector<16xi32>, vector<16xi32>], vector<16xf32>,
        %parallel_loop3A_1547 = arith.addi %parallel_loop3A_1516, %parallel_loop3A_1545 : vector<16xi32>
        tpu.vector_store_idx %arg11[%parallel_loop3A_1510, %parallel_loop3A_1547], %parallel_loop3A_1522 : memref<9x1024xf32, #tpu.memory_space<vmem>>[vector<16xi32>, vector<16xi32>], vector<16xf32>,
        %parallel_loop3A_1548 = arith.constant 48 : i32
        %parallel_loop3A_1549 = vector.broadcast %parallel_loop3A_1548 : i32 to vector<16xi32>
        %parallel_loop3A_1550 = arith.addi %iota3A, %parallel_loop3A_1549 : vector<16xi32>
        %parallel_loop3A_1551 = arith.addi %parallel_loop3A_1504, %parallel_loop3A_1550 : vector<16xi32>
        tpu.vector_store_idx %arg11[%parallel_loop3A_1498, %parallel_loop3A_1551], %parallel_loop3A_1523 : memref<9x1024xf32, #tpu.memory_space<vmem>>[vector<16xi32>, vector<16xi32>], vector<16xf32>,
        %parallel_loop3A_1552 = arith.addi %parallel_loop3A_1516, %parallel_loop3A_1550 : vector<16xi32>
        tpu.vector_store_idx %arg11[%parallel_loop3A_1510, %parallel_loop3A_1552], %parallel_loop3A_1524 : memref<9x1024xf32, #tpu.memory_space<vmem>>[vector<16xi32>, vector<16xi32>], vector<16xf32>,
        %parallel_loop3A_1553 = arith.constant 64 : i32
        %parallel_loop3A_1554 = vector.broadcast %parallel_loop3A_1553 : i32 to vector<16xi32>
        %parallel_loop3A_1555 = arith.addi %iota3A, %parallel_loop3A_1554 : vector<16xi32>
        %parallel_loop3A_1556 = arith.addi %parallel_loop3A_1504, %parallel_loop3A_1555 : vector<16xi32>
        tpu.vector_store_idx %arg11[%parallel_loop3A_1498, %parallel_loop3A_1556], %parallel_loop3A_1525 : memref<9x1024xf32, #tpu.memory_space<vmem>>[vector<16xi32>, vector<16xi32>], vector<16xf32>,
        %parallel_loop3A_1557 = arith.addi %parallel_loop3A_1516, %parallel_loop3A_1555 : vector<16xi32>
        tpu.vector_store_idx %arg11[%parallel_loop3A_1510, %parallel_loop3A_1557], %parallel_loop3A_1526 : memref<9x1024xf32, #tpu.memory_space<vmem>>[vector<16xi32>, vector<16xi32>], vector<16xf32>,
        %parallel_loop3A_1558 = arith.constant 80 : i32
        %parallel_loop3A_1559 = vector.broadcast %parallel_loop3A_1558 : i32 to vector<16xi32>
        %parallel_loop3A_1560 = arith.addi %iota3A, %parallel_loop3A_1559 : vector<16xi32>
        %parallel_loop3A_1561 = arith.addi %parallel_loop3A_1504, %parallel_loop3A_1560 : vector<16xi32>
        tpu.vector_store_idx %arg11[%parallel_loop3A_1498, %parallel_loop3A_1561], %parallel_loop3A_1527 : memref<9x1024xf32, #tpu.memory_space<vmem>>[vector<16xi32>, vector<16xi32>], vector<16xf32>,
        %parallel_loop3A_1562 = arith.addi %parallel_loop3A_1516, %parallel_loop3A_1560 : vector<16xi32>
        tpu.vector_store_idx %arg11[%parallel_loop3A_1510, %parallel_loop3A_1562], %parallel_loop3A_1528 : memref<9x1024xf32, #tpu.memory_space<vmem>>[vector<16xi32>, vector<16xi32>], vector<16xf32>,
        %parallel_loop3A_1563 = arith.constant 96 : i32
        %parallel_loop3A_1564 = vector.broadcast %parallel_loop3A_1563 : i32 to vector<16xi32>
        %parallel_loop3A_1565 = arith.addi %iota3A, %parallel_loop3A_1564 : vector<16xi32>
        %parallel_loop3A_1566 = arith.addi %parallel_loop3A_1504, %parallel_loop3A_1565 : vector<16xi32>
        tpu.vector_store_idx %arg11[%parallel_loop3A_1498, %parallel_loop3A_1566], %parallel_loop3A_1529 : memref<9x1024xf32, #tpu.memory_space<vmem>>[vector<16xi32>, vector<16xi32>], vector<16xf32>,
        %parallel_loop3A_1567 = arith.addi %parallel_loop3A_1516, %parallel_loop3A_1565 : vector<16xi32>
        tpu.vector_store_idx %arg11[%parallel_loop3A_1510, %parallel_loop3A_1567], %parallel_loop3A_1530 : memref<9x1024xf32, #tpu.memory_space<vmem>>[vector<16xi32>, vector<16xi32>], vector<16xf32>,
        %parallel_loop3A_1568 = arith.constant 112 : i32
        %parallel_loop3A_1569 = vector.broadcast %parallel_loop3A_1568 : i32 to vector<16xi32>
        %parallel_loop3A_1570 = arith.addi %iota3A, %parallel_loop3A_1569 : vector<16xi32>
        %parallel_loop3A_1571 = arith.addi %parallel_loop3A_1504, %parallel_loop3A_1570 : vector<16xi32>
        tpu.vector_store_idx %arg11[%parallel_loop3A_1498, %parallel_loop3A_1571], %parallel_loop3A_1531 : memref<9x1024xf32, #tpu.memory_space<vmem>>[vector<16xi32>, vector<16xi32>], vector<16xf32>,
        %parallel_loop3A_1572 = arith.addi %parallel_loop3A_1516, %parallel_loop3A_1570 : vector<16xi32>
        tpu.vector_store_idx %arg11[%parallel_loop3A_1510, %parallel_loop3A_1572], %parallel_loop3A_1532 : memref<9x1024xf32, #tpu.memory_space<vmem>>[vector<16xi32>, vector<16xi32>], vector<16xf32>,
        %parallel_loop3A_1573 = arith.constant 24 : i32
        %parallel_loop3A_1574 = vector.broadcast %parallel_loop3A_1573 : i32 to vector<16xi32>
        %parallel_loop3A_1575 = arith.addi %parallel_loop3A_1574, %parallel_loop3A_1489 : vector<16xi32>
        %parallel_loop3A_1576 = arith.constant 3 : i32
        %parallel_loop3A_1577 = vector.broadcast %parallel_loop3A_1576 : i32 to vector<16xi32>
        %parallel_loop3A_1578 = arith.shrsi %parallel_loop3A_1575, %parallel_loop3A_1577 : vector<16xi32>
        %parallel_loop3A_1579 = arith.constant 7 : i32
        %parallel_loop3A_1580 = vector.broadcast %parallel_loop3A_1579 : i32 to vector<16xi32>
        %parallel_loop3A_1581 = arith.andi %parallel_loop3A_1575, %parallel_loop3A_1580 : vector<16xi32>
        %parallel_loop3A_1582 = arith.constant 7 : i32
        %parallel_loop3A_1583 = vector.broadcast %parallel_loop3A_1582 : i32 to vector<16xi32>
        %parallel_loop3A_1584 = arith.shli %parallel_loop3A_1581, %parallel_loop3A_1583 : vector<16xi32>
        %parallel_loop3A_1585 = arith.constant 56 : i32
        %parallel_loop3A_1586 = vector.broadcast %parallel_loop3A_1585 : i32 to vector<16xi32>
        %parallel_loop3A_1587 = arith.addi %parallel_loop3A_1586, %parallel_loop3A_1489 : vector<16xi32>
        %parallel_loop3A_1588 = arith.constant 3 : i32
        %parallel_loop3A_1589 = vector.broadcast %parallel_loop3A_1588 : i32 to vector<16xi32>
        %parallel_loop3A_1590 = arith.shrsi %parallel_loop3A_1587, %parallel_loop3A_1589 : vector<16xi32>
        %parallel_loop3A_1591 = arith.constant 7 : i32
        %parallel_loop3A_1592 = vector.broadcast %parallel_loop3A_1591 : i32 to vector<16xi32>
        %parallel_loop3A_1593 = arith.andi %parallel_loop3A_1587, %parallel_loop3A_1592 : vector<16xi32>
        %parallel_loop3A_1594 = arith.constant 7 : i32
        %parallel_loop3A_1595 = vector.broadcast %parallel_loop3A_1594 : i32 to vector<16xi32>
        %parallel_loop3A_1596 = arith.shli %parallel_loop3A_1593, %parallel_loop3A_1595 : vector<16xi32>
        %parallel_loop3A_1597 = tpu.vector_load_idx %arg6[%convert_element_type3A_1346, %parallel_loop3A_1492] : memref<100x33xf32, #tpu.memory_space<vmem>>[vector<16xi32>, vector<16xi32>], vector<16xf32>,
        %parallel_loop3A_1598 = tpu.vector_load_idx %arg7[%convert_element_type3A_1386, %parallel_loop3A_1492] : memref<2000x33xf32, #tpu.memory_space<vmem>>[vector<16xi32>, vector<16xi32>], vector<16xf32>,
        %parallel_loop3A_1599 = tpu.vector_load_idx %arg6[%convert_element_type3A_1351, %parallel_loop3A_1492] : memref<100x33xf32, #tpu.memory_space<vmem>>[vector<16xi32>, vector<16xi32>], vector<16xf32>,
        %parallel_loop3A_1600 = tpu.vector_load_idx %arg7[%convert_element_type3A_1391, %parallel_loop3A_1492] : memref<2000x33xf32, #tpu.memory_space<vmem>>[vector<16xi32>, vector<16xi32>], vector<16xf32>,
        %parallel_loop3A_1601 = tpu.vector_load_idx %arg6[%convert_element_type3A_1356, %parallel_loop3A_1492] : memref<100x33xf32, #tpu.memory_space<vmem>>[vector<16xi32>, vector<16xi32>], vector<16xf32>,
        %parallel_loop3A_1602 = tpu.vector_load_idx %arg7[%convert_element_type3A_1396, %parallel_loop3A_1492] : memref<2000x33xf32, #tpu.memory_space<vmem>>[vector<16xi32>, vector<16xi32>], vector<16xf32>,
        %parallel_loop3A_1603 = tpu.vector_load_idx %arg6[%convert_element_type3A_1361, %parallel_loop3A_1492] : memref<100x33xf32, #tpu.memory_space<vmem>>[vector<16xi32>, vector<16xi32>], vector<16xf32>,
        %parallel_loop3A_1604 = tpu.vector_load_idx %arg7[%convert_element_type3A_1401, %parallel_loop3A_1492] : memref<2000x33xf32, #tpu.memory_space<vmem>>[vector<16xi32>, vector<16xi32>], vector<16xf32>,
        %parallel_loop3A_1605 = tpu.vector_load_idx %arg6[%convert_element_type3A_1366, %parallel_loop3A_1492] : memref<100x33xf32, #tpu.memory_space<vmem>>[vector<16xi32>, vector<16xi32>], vector<16xf32>,
        %parallel_loop3A_1606 = tpu.vector_load_idx %arg7[%convert_element_type3A_1406, %parallel_loop3A_1492] : memref<2000x33xf32, #tpu.memory_space<vmem>>[vector<16xi32>, vector<16xi32>], vector<16xf32>,
        %parallel_loop3A_1607 = tpu.vector_load_idx %arg6[%convert_element_type3A_1371, %parallel_loop3A_1492] : memref<100x33xf32, #tpu.memory_space<vmem>>[vector<16xi32>, vector<16xi32>], vector<16xf32>,
        %parallel_loop3A_1608 = tpu.vector_load_idx %arg7[%convert_element_type3A_1411, %parallel_loop3A_1492] : memref<2000x33xf32, #tpu.memory_space<vmem>>[vector<16xi32>, vector<16xi32>], vector<16xf32>,
        %parallel_loop3A_1609 = tpu.vector_load_idx %arg6[%convert_element_type3A_1376, %parallel_loop3A_1492] : memref<100x33xf32, #tpu.memory_space<vmem>>[vector<16xi32>, vector<16xi32>], vector<16xf32>,
        %parallel_loop3A_1610 = tpu.vector_load_idx %arg7[%convert_element_type3A_1416, %parallel_loop3A_1492] : memref<2000x33xf32, #tpu.memory_space<vmem>>[vector<16xi32>, vector<16xi32>], vector<16xf32>,
        %parallel_loop3A_1611 = tpu.vector_load_idx %arg6[%convert_element_type3A_1381, %parallel_loop3A_1492] : memref<100x33xf32, #tpu.memory_space<vmem>>[vector<16xi32>, vector<16xi32>], vector<16xf32>,
        %parallel_loop3A_1612 = tpu.vector_load_idx %arg7[%convert_element_type3A_1421, %parallel_loop3A_1492] : memref<2000x33xf32, #tpu.memory_space<vmem>>[vector<16xi32>, vector<16xi32>], vector<16xf32>,
        %parallel_loop3A_1613 = arith.constant 0 : i32
        %parallel_loop3A_1614 = vector.broadcast %parallel_loop3A_1613 : i32 to vector<16xi32>
        %parallel_loop3A_1615 = arith.addi %iota3A, %parallel_loop3A_1614 : vector<16xi32>
        %parallel_loop3A_1616 = arith.addi %parallel_loop3A_1584, %parallel_loop3A_1615 : vector<16xi32>
        tpu.vector_store_idx %arg11[%parallel_loop3A_1578, %parallel_loop3A_1616], %parallel_loop3A_1597 : memref<9x1024xf32, #tpu.memory_space<vmem>>[vector<16xi32>, vector<16xi32>], vector<16xf32>,
        %parallel_loop3A_1617 = arith.addi %parallel_loop3A_1596, %parallel_loop3A_1615 : vector<16xi32>
        tpu.vector_store_idx %arg11[%parallel_loop3A_1590, %parallel_loop3A_1617], %parallel_loop3A_1598 : memref<9x1024xf32, #tpu.memory_space<vmem>>[vector<16xi32>, vector<16xi32>], vector<16xf32>,
        %parallel_loop3A_1618 = arith.constant 16 : i32
        %parallel_loop3A_1619 = vector.broadcast %parallel_loop3A_1618 : i32 to vector<16xi32>
        %parallel_loop3A_1620 = arith.addi %iota3A, %parallel_loop3A_1619 : vector<16xi32>
        %parallel_loop3A_1621 = arith.addi %parallel_loop3A_1584, %parallel_loop3A_1620 : vector<16xi32>
        tpu.vector_store_idx %arg11[%parallel_loop3A_1578, %parallel_loop3A_1621], %parallel_loop3A_1599 : memref<9x1024xf32, #tpu.memory_space<vmem>>[vector<16xi32>, vector<16xi32>], vector<16xf32>,
        %parallel_loop3A_1622 = arith.addi %parallel_loop3A_1596, %parallel_loop3A_1620 : vector<16xi32>
        tpu.vector_store_idx %arg11[%parallel_loop3A_1590, %parallel_loop3A_1622], %parallel_loop3A_1600 : memref<9x1024xf32, #tpu.memory_space<vmem>>[vector<16xi32>, vector<16xi32>], vector<16xf32>,
        %parallel_loop3A_1623 = arith.constant 32 : i32
        %parallel_loop3A_1624 = vector.broadcast %parallel_loop3A_1623 : i32 to vector<16xi32>
        %parallel_loop3A_1625 = arith.addi %iota3A, %parallel_loop3A_1624 : vector<16xi32>
        %parallel_loop3A_1626 = arith.addi %parallel_loop3A_1584, %parallel_loop3A_1625 : vector<16xi32>
        tpu.vector_store_idx %arg11[%parallel_loop3A_1578, %parallel_loop3A_1626], %parallel_loop3A_1601 : memref<9x1024xf32, #tpu.memory_space<vmem>>[vector<16xi32>, vector<16xi32>], vector<16xf32>,
        %parallel_loop3A_1627 = arith.addi %parallel_loop3A_1596, %parallel_loop3A_1625 : vector<16xi32>
        tpu.vector_store_idx %arg11[%parallel_loop3A_1590, %parallel_loop3A_1627], %parallel_loop3A_1602 : memref<9x1024xf32, #tpu.memory_space<vmem>>[vector<16xi32>, vector<16xi32>], vector<16xf32>,
        %parallel_loop3A_1628 = arith.constant 48 : i32
        %parallel_loop3A_1629 = vector.broadcast %parallel_loop3A_1628 : i32 to vector<16xi32>
        %parallel_loop3A_1630 = arith.addi %iota3A, %parallel_loop3A_1629 : vector<16xi32>
        %parallel_loop3A_1631 = arith.addi %parallel_loop3A_1584, %parallel_loop3A_1630 : vector<16xi32>
        tpu.vector_store_idx %arg11[%parallel_loop3A_1578, %parallel_loop3A_1631], %parallel_loop3A_1603 : memref<9x1024xf32, #tpu.memory_space<vmem>>[vector<16xi32>, vector<16xi32>], vector<16xf32>,
        %parallel_loop3A_1632 = arith.addi %parallel_loop3A_1596, %parallel_loop3A_1630 : vector<16xi32>
        tpu.vector_store_idx %arg11[%parallel_loop3A_1590, %parallel_loop3A_1632], %parallel_loop3A_1604 : memref<9x1024xf32, #tpu.memory_space<vmem>>[vector<16xi32>, vector<16xi32>], vector<16xf32>,
        %parallel_loop3A_1633 = arith.constant 64 : i32
        %parallel_loop3A_1634 = vector.broadcast %parallel_loop3A_1633 : i32 to vector<16xi32>
        %parallel_loop3A_1635 = arith.addi %iota3A, %parallel_loop3A_1634 : vector<16xi32>
        %parallel_loop3A_1636 = arith.addi %parallel_loop3A_1584, %parallel_loop3A_1635 : vector<16xi32>
        tpu.vector_store_idx %arg11[%parallel_loop3A_1578, %parallel_loop3A_1636], %parallel_loop3A_1605 : memref<9x1024xf32, #tpu.memory_space<vmem>>[vector<16xi32>, vector<16xi32>], vector<16xf32>,
        %parallel_loop3A_1637 = arith.addi %parallel_loop3A_1596, %parallel_loop3A_1635 : vector<16xi32>
        tpu.vector_store_idx %arg11[%parallel_loop3A_1590, %parallel_loop3A_1637], %parallel_loop3A_1606 : memref<9x1024xf32, #tpu.memory_space<vmem>>[vector<16xi32>, vector<16xi32>], vector<16xf32>,
        %parallel_loop3A_1638 = arith.constant 80 : i32
        %parallel_loop3A_1639 = vector.broadcast %parallel_loop3A_1638 : i32 to vector<16xi32>
        %parallel_loop3A_1640 = arith.addi %iota3A, %parallel_loop3A_1639 : vector<16xi32>
        %parallel_loop3A_1641 = arith.addi %parallel_loop3A_1584, %parallel_loop3A_1640 : vector<16xi32>
        tpu.vector_store_idx %arg11[%parallel_loop3A_1578, %parallel_loop3A_1641], %parallel_loop3A_1607 : memref<9x1024xf32, #tpu.memory_space<vmem>>[vector<16xi32>, vector<16xi32>], vector<16xf32>,
        %parallel_loop3A_1642 = arith.addi %parallel_loop3A_1596, %parallel_loop3A_1640 : vector<16xi32>
        tpu.vector_store_idx %arg11[%parallel_loop3A_1590, %parallel_loop3A_1642], %parallel_loop3A_1608 : memref<9x1024xf32, #tpu.memory_space<vmem>>[vector<16xi32>, vector<16xi32>], vector<16xf32>,
        %parallel_loop3A_1643 = arith.constant 96 : i32
        %parallel_loop3A_1644 = vector.broadcast %parallel_loop3A_1643 : i32 to vector<16xi32>
        %parallel_loop3A_1645 = arith.addi %iota3A, %parallel_loop3A_1644 : vector<16xi32>
        %parallel_loop3A_1646 = arith.addi %parallel_loop3A_1584, %parallel_loop3A_1645 : vector<16xi32>
        tpu.vector_store_idx %arg11[%parallel_loop3A_1578, %parallel_loop3A_1646], %parallel_loop3A_1609 : memref<9x1024xf32, #tpu.memory_space<vmem>>[vector<16xi32>, vector<16xi32>], vector<16xf32>,
        %parallel_loop3A_1647 = arith.addi %parallel_loop3A_1596, %parallel_loop3A_1645 : vector<16xi32>
        tpu.vector_store_idx %arg11[%parallel_loop3A_1590, %parallel_loop3A_1647], %parallel_loop3A_1610 : memref<9x1024xf32, #tpu.memory_space<vmem>>[vector<16xi32>, vector<16xi32>], vector<16xf32>,
        %parallel_loop3A_1648 = arith.constant 112 : i32
        %parallel_loop3A_1649 = vector.broadcast %parallel_loop3A_1648 : i32 to vector<16xi32>
        %parallel_loop3A_1650 = arith.addi %iota3A, %parallel_loop3A_1649 : vector<16xi32>
        %parallel_loop3A_1651 = arith.addi %parallel_loop3A_1584, %parallel_loop3A_1650 : vector<16xi32>
        tpu.vector_store_idx %arg11[%parallel_loop3A_1578, %parallel_loop3A_1651], %parallel_loop3A_1611 : memref<9x1024xf32, #tpu.memory_space<vmem>>[vector<16xi32>, vector<16xi32>], vector<16xf32>,
        %parallel_loop3A_1652 = arith.addi %parallel_loop3A_1596, %parallel_loop3A_1650 : vector<16xi32>
        tpu.vector_store_idx %arg11[%parallel_loop3A_1590, %parallel_loop3A_1652], %parallel_loop3A_1612 : memref<9x1024xf32, #tpu.memory_space<vmem>>[vector<16xi32>, vector<16xi32>], vector<16xf32>,
      } {sc.loop_unroll_factor = 2 : i64, sc.parallel_access}
      %jit3A_1425 = arith.constant 128 : i32
      %div3A_1426 = arith.divsi %add3A_811, %jit3A_1425 : i32
      %sign3A_1427 = arith.constant 0 : i32
      %sign3A_1428 = arith.cmpi sgt, %add3A_811, %sign3A_1427 : i32
      %sign3A_1429 = arith.extui %sign3A_1428 : i1 to i32
      %sign3A_1430 = arith.constant 0 : i32
      %sign3A_1431 = arith.cmpi slt, %add3A_811, %sign3A_1430 : i32
      %sign3A_1432 = arith.extui %sign3A_1431 : i1 to i32
      %sign3A_1433 = arith.subi %sign3A_1429, %sign3A_1432 : i32
      %sign3A_1434 = arith.constant 0 : i32
      %sign3A_1435 = arith.cmpi sgt, %jit3A_1425, %sign3A_1434 : i32
      %sign3A_1436 = arith.extui %sign3A_1435 : i1 to i32
      %sign3A_1437 = arith.constant 0 : i32
      %sign3A_1438 = arith.cmpi slt, %jit3A_1425, %sign3A_1437 : i32
      %sign3A_1439 = arith.extui %sign3A_1438 : i1 to i32
      %sign3A_1440 = arith.subi %sign3A_1436, %sign3A_1439 : i32
      %ne3A_1441 = arith.cmpi ne, %sign3A_1433, %sign3A_1440 : i32
      %rem3A_1442 = arith.remsi %add3A_811, %jit3A_1425 : i32
      %ne3A_1443 = arith.constant 0 : i32
      %ne3A_1444 = arith.cmpi ne, %rem3A_1442, %ne3A_1443 : i32
      %and3A_1445 = arith.andi %ne3A_1441, %ne3A_1444 : i1
      %sub3A_1446 = arith.constant 1 : i32
      %sub3A_1447 = arith.subi %div3A_1426, %sub3A_1446 : i32
      %select_n3A_1448 = arith.select %and3A_1445, %sub3A_1447, %div3A_1426 : i32
      %jit3A_1449 = arith.constant 128 : i32
      %eq3A_1450 = arith.constant 0 : i32
      %eq3A_1451 = arith.cmpi eq, %jit3A_1449, %eq3A_1450 : i32
      %jit3A_1452 = arith.constant 1 : i32
      %select_n3A_1453 = arith.select %eq3A_1451, %jit3A_1452, %jit3A_1449 : i32
      %rem3A_1454 = arith.remsi %add3A_811, %select_n3A_1453 : i32
      %ne3A_1455 = arith.constant 0 : i32
      %ne3A_1456 = arith.cmpi ne, %rem3A_1454, %ne3A_1455 : i32
      %lt3A_1457 = arith.constant 0 : i32
      %lt3A_1458 = arith.cmpi slt, %rem3A_1454, %lt3A_1457 : i32
      %lt3A_1459 = arith.constant 0 : i32
      %lt3A_1460 = arith.cmpi slt, %select_n3A_1453, %lt3A_1459 : i32
      %ne3A_1461 = arith.xori %lt3A_1458, %lt3A_1460 : i1
      %and3A_1462 = arith.andi %ne3A_1461, %ne3A_1456 : i1
      %add3A_1463 = arith.addi %rem3A_1454, %select_n3A_1453 : i32
      %select_n3A_1464 = arith.select %and3A_1462, %add3A_1463, %rem3A_1454 : i32
      %dma_start3A_1465 = arith.constant 0 : i32
      %dma_start3A_1466 = arith.constant 0 : i32
      %dma_start3A_1467 = tpu.memref_slice %arg5[%select_n3A_1448, %dma_start3A_1465, %select_n3A_1464, %dma_start3A_1466] : memref<50x9x128x1024xf32, #tpu.memory_space<hbm>> -> memref<1x9x1x1024xf32, #tpu.memory_space<hbm>>
      %dma_start3A_1468 = tpu.memref_squeeze %dma_start3A_1467 : memref<1x9x1x1024xf32, #tpu.memory_space<hbm>> -> memref<9x1024xf32, #tpu.memory_space<hbm>>
      %dma_start3A_1469 = arith.constant 0 : i32
      %dma_start3A_1470 = arith.constant 0 : i32
      %dma_start3A_1471 = tpu.memref_slice %arg5[%select_n3A_1448, %dma_start3A_1469, %select_n3A_1464, %dma_start3A_1470] : memref<50x9x128x1024xf32, #tpu.memory_space<hbm>> -> memref<1x9x1x1024xf32, #tpu.memory_space<hbm>>
      %dma_start3A_1472 = tpu.memref_squeeze %dma_start3A_1471 : memref<1x9x1x1024xf32, #tpu.memory_space<hbm>> -> memref<9x1024xf32, #tpu.memory_space<hbm>>
      tpu.enqueue_dma source(%arg11 : memref<9x1024xf32, #tpu.memory_space<vmem>>) target(%dma_start3A_1472 : memref<9x1024xf32, #tpu.memory_space<hbm>>) target_semaphore(%arg15 : memref<!tpu.dma_semaphore, #tpu.memory_space<semaphore_mem>>)
      %mul3A_1473 = arith.constant 2 : i32
      %mul3A_1474 = arith.muli %scan3A_138, %mul3A_1473 : i32
      %add3A_1475 = arith.constant 1 : i32
      %add3A_1476 = arith.addi %mul3A_1474, %add3A_1475 : i32
      %add3A_1477 = arith.constant 2 : i32
      %add3A_1478 = arith.addi %add3A_1476, %add3A_1477 : i32
      %lt3A_1479 = arith.constant 200 : i32
      %lt3A_1480 = arith.cmpi slt, %add3A_1478, %lt3A_1479 : i32
      %convert_element_type3A_1481 = arith.extui %lt3A_1480 : i1 to i32
      %cond3A_1482 = arith.constant 0 : i32
      %cond3A_1483 = arith.cmpi ne, %convert_element_type3A_1481, %cond3A_1482 : i32
      scf.if %cond3A_1483 {
        %add3A_1484 = arith.constant 2 : i32
        %add3A_1485 = arith.addi %add3A_811, %add3A_1484 : i32
        %jit3A_1486 = arith.constant 128 : i32
        %div3A_1487 = arith.divsi %add3A_1485, %jit3A_1486 : i32
        %sign3A_1488 = arith.constant 0 : i32
        %sign3A_1489 = arith.cmpi sgt, %add3A_1485, %sign3A_1488 : i32
        %sign3A_1490 = arith.extui %sign3A_1489 : i1 to i32
        %sign3A_1491 = arith.constant 0 : i32
        %sign3A_1492 = arith.cmpi slt, %add3A_1485, %sign3A_1491 : i32
        %sign3A_1493 = arith.extui %sign3A_1492 : i1 to i32
        %sign3A_1494 = arith.subi %sign3A_1490, %sign3A_1493 : i32
        %sign3A_1495 = arith.constant 0 : i32
        %sign3A_1496 = arith.cmpi sgt, %jit3A_1486, %sign3A_1495 : i32
        %sign3A_1497 = arith.extui %sign3A_1496 : i1 to i32
        %sign3A_1498 = arith.constant 0 : i32
        %sign3A_1499 = arith.cmpi slt, %jit3A_1486, %sign3A_1498 : i32
        %sign3A_1500 = arith.extui %sign3A_1499 : i1 to i32
        %sign3A_1501 = arith.subi %sign3A_1497, %sign3A_1500 : i32
        %ne3A_1502 = arith.cmpi ne, %sign3A_1494, %sign3A_1501 : i32
        %rem3A_1503 = arith.remsi %add3A_1485, %jit3A_1486 : i32
        %ne3A_1504 = arith.constant 0 : i32
        %ne3A_1505 = arith.cmpi ne, %rem3A_1503, %ne3A_1504 : i32
        %and3A_1506 = arith.andi %ne3A_1502, %ne3A_1505 : i1
        %sub3A_1507 = arith.constant 1 : i32
        %sub3A_1508 = arith.subi %div3A_1487, %sub3A_1507 : i32
        %select_n3A_1509 = arith.select %and3A_1506, %sub3A_1508, %div3A_1487 : i32
        %jit3A_1510 = arith.constant 128 : i32
        %eq3A_1511 = arith.constant 0 : i32
        %eq3A_1512 = arith.cmpi eq, %jit3A_1510, %eq3A_1511 : i32
        %jit3A_1513 = arith.constant 1 : i32
        %select_n3A_1514 = arith.select %eq3A_1512, %jit3A_1513, %jit3A_1510 : i32
        %rem3A_1515 = arith.remsi %add3A_1485, %select_n3A_1514 : i32
        %ne3A_1516 = arith.constant 0 : i32
        %ne3A_1517 = arith.cmpi ne, %rem3A_1515, %ne3A_1516 : i32
        %lt3A_1518 = arith.constant 0 : i32
        %lt3A_1519 = arith.cmpi slt, %rem3A_1515, %lt3A_1518 : i32
        %lt3A_1520 = arith.constant 0 : i32
        %lt3A_1521 = arith.cmpi slt, %select_n3A_1514, %lt3A_1520 : i32
        %ne3A_1522 = arith.xori %lt3A_1519, %lt3A_1521 : i1
        %and3A_1523 = arith.andi %ne3A_1522, %ne3A_1517 : i1
        %add3A_1524 = arith.addi %rem3A_1515, %select_n3A_1514 : i32
        %select_n3A_1525 = arith.select %and3A_1523, %add3A_1524, %rem3A_1515 : i32
        %mul3A_1526 = arith.constant 128 : i32
        %mul3A_1527 = arith.muli %select_n3A_1525, %mul3A_1526 : i32
        %dma_start3A_1528 = arith.constant 0 : i32
        %dma_start3A_1529 = tpu.memref_slice %arg2[%dma_start3A_1528, %select_n3A_1509, %mul3A_1527] : memref<10x50x16384xf32, #tpu.memory_space<hbm>> -> memref<10x1x128xf32, #tpu.memory_space<hbm>>
        %dma_start3A_1530 = tpu.memref_squeeze %dma_start3A_1529 : memref<10x1x128xf32, #tpu.memory_space<hbm>> -> memref<10x128xf32, #tpu.memory_space<hbm>>
        %dma_start3A_1531 = arith.constant 0 : i32
        %dma_start3A_1532 = tpu.memref_slice %arg2[%dma_start3A_1531, %select_n3A_1509, %mul3A_1527] : memref<10x50x16384xf32, #tpu.memory_space<hbm>> -> memref<10x1x128xf32, #tpu.memory_space<hbm>>
        %dma_start3A_1533 = tpu.memref_squeeze %dma_start3A_1532 : memref<10x1x128xf32, #tpu.memory_space<hbm>> -> memref<10x128xf32, #tpu.memory_space<hbm>>
        tpu.enqueue_dma source(%dma_start3A_1533 : memref<10x128xf32, #tpu.memory_space<hbm>>) target(%arg9 : memref<10x128xf32, #tpu.memory_space<vmem>>) target_semaphore(%arg13 : memref<!tpu.dma_semaphore, #tpu.memory_space<semaphore_mem>>)
      } else {
      }
    }
    %scan3A_117 = arith.constant 100 : i32
    %dma_wait3A_118 = arith.constant 0 : i32
    %dma_wait3A_119 = arith.constant 0 : i32
    %dma_wait3A_120 = arith.constant 0 : i32
    %dma_wait3A_121 = arith.constant 0 : i32
    %dma_wait3A_122 = tpu.memref_slice %arg5[%dma_wait3A_118, %dma_wait3A_120, %dma_wait3A_119, %dma_wait3A_121] : memref<50x9x128x1024xf32, #tpu.memory_space<hbm>> -> memref<1x9x1x1024xf32, #tpu.memory_space<hbm>>
    %dma_wait3A_123 = tpu.memref_squeeze %dma_wait3A_122 : memref<1x9x1x1024xf32, #tpu.memory_space<hbm>> -> memref<9x1024xf32, #tpu.memory_space<hbm>>
    %dma_wait3A_124 = arith.constant 0 : i32
    %dma_wait3A_125 = arith.constant 0 : i32
    %dma_wait3A_126 = tpu.memref_slice %arg5[%dma_wait3A_118, %dma_wait3A_124, %dma_wait3A_119, %dma_wait3A_125] : memref<50x9x128x1024xf32, #tpu.memory_space<hbm>> -> memref<1x9x1x1024xf32, #tpu.memory_space<hbm>>
    %dma_wait3A_127 = tpu.memref_squeeze %dma_wait3A_126 : memref<1x9x1x1024xf32, #tpu.memory_space<hbm>> -> memref<9x1024xf32, #tpu.memory_space<hbm>>
    tpu.wait_dma2 semaphore(%arg14 : memref<!tpu.dma_semaphore, #tpu.memory_space<semaphore_mem>>) src(%dma_wait3A_127 : memref<9x1024xf32, #tpu.memory_space<hbm>>) dst(%arg10 : memref<9x1024xf32, #tpu.memory_space<vmem>>)
    %dma_wait3A_128 = arith.constant 0 : i32
    %dma_wait3A_129 = arith.constant 0 : i32
    %dma_wait3A_130 = arith.constant 0 : i32
    %dma_wait3A_131 = arith.constant 0 : i32
    %dma_wait3A_132 = tpu.memref_slice %arg5[%dma_wait3A_128, %dma_wait3A_130, %dma_wait3A_129, %dma_wait3A_131] : memref<50x9x128x1024xf32, #tpu.memory_space<hbm>> -> memref<1x9x1x1024xf32, #tpu.memory_space<hbm>>
    %dma_wait3A_133 = tpu.memref_squeeze %dma_wait3A_132 : memref<1x9x1x1024xf32, #tpu.memory_space<hbm>> -> memref<9x1024xf32, #tpu.memory_space<hbm>>
    %dma_wait3A_134 = arith.constant 0 : i32
    %dma_wait3A_135 = arith.constant 0 : i32
    %dma_wait3A_136 = tpu.memref_slice %arg5[%dma_wait3A_128, %dma_wait3A_134, %dma_wait3A_129, %dma_wait3A_135] : memref<50x9x128x1024xf32, #tpu.memory_space<hbm>> -> memref<1x9x1x1024xf32, #tpu.memory_space<hbm>>
    %dma_wait3A_137 = tpu.memref_squeeze %dma_wait3A_136 : memref<1x9x1x1024xf32, #tpu.memory_space<hbm>> -> memref<9x1024xf32, #tpu.memory_space<hbm>>
    tpu.wait_dma2 semaphore(%arg15 : memref<!tpu.dma_semaphore, #tpu.memory_space<semaphore_mem>>) src(%dma_wait3A_137 : memref<9x1024xf32, #tpu.memory_space<hbm>>) dst(%arg11 : memref<9x1024xf32, #tpu.memory_space<vmem>>)
    return
  }
}

</mosaic_0001>

<sc_bundles>
// kernel: _sc_embed.3.cloned.1.call-start
scs
__scs_entry_jumppad:
0x0: {  	(pc) =	sbr.rel $0x88, $3  }
0x1: {  	(tag) =	ssettag $0x0;
	lr =	simm.s32 $0x1  }
0x2: {  	[smem:$0x3F9E] =	sst lr;
	_ =	strace $0xD0000000  }
0x3: {  	_ = 	snop  }
0x4: {  	_ = 	snop  }
0x5: {  	_ = 	snop  }
0x6: {  	_ = 	snop  }
0x7: {  	_ = 	snop  }
__scs_overlays_trampoline_lowered:
0x8: {  	[smem:$0x3FAD] =	sst s0  }
0x9: {  	[smem:$0x3FAE] =	sst s1  }
0xa: {  	[smem:$0x3FAF] =	sst s2  }
0xb: {  	[smem:$0x3FB0] =	sst s3  }
0xc: {  	[smem:$0x3FB1] =	sst s4  }
0xd: {  	[smem:$0x3FB2] =	sst s5  }
0xe: {  	[smem:$0x3FB3] =	sst s6  }
0xf: {  	[smem:$0x3FB4] =	sst s7  }
0x10: {  	[smem:$0x3FB5] =	sst s8  }
0x11: {  	[smem:$0x3FB6] =	sst s9;
	s0 =	simm.s32 @!p0 $0x0  }
0x12: {  	s1 =	sld [smem:$0x3F9C];
	s0 =	simm.s32 @p0 $0x1  }
0x13: {  	[smem:$0x3FB7] =	sst s0;
	s0 =	simm.s32 @!p1 $0x0  }
0x14: {  	s2 =	sld [smem:$0x3F9B];
	s0 =	simm.s32 @p1 $0x1  }
0x15: {  	[smem:$0x3FB8] =	sst s0;
	s0 =	simm.s32 @!p2 $0x0  }
0x16: {  	s3 =	sld [smem:$0x3FDB];
	s0 =	simm.s32 @p2 $0x1  }
0x17: {  	s4 =	simm.s32 $0x1BF5;
	[smem:$0x3FBA] =	sst s0  }
0x18: {  	s0 =	sld [smem:$0x3F9D];
	_ =	swait.ge [sflag:s4], $0x0  }
0x19: {  	s7 =	sld [smem:$0x3F9E]  }
0x1a: {  	s8 =	sadd.s32 $0xFFFFE003, lr  }
0x1b: {  	s9 =	sadd.s32 $0xFFFFFEF7, lr;
	s5 =	simm.s32 $0xFFFFFFFF;
	p2 =	slt.u32 s8, $0xFFFFF086  }
0x1c: {  	p1 =	slt.u32 s9, $0xF7A;
	s5 =	simm.s32 @!p2 $0x0  }
0x1d: {  	s5 =	simm.s32 @p1 $0x1;
	p0 =	seq.s32 s7, s2  }
0x1e: {  	s7 =	smul.u32 @!p0 $0xF7A, s2;
	p2 =	seq.s32 @!p0 s5, $0x0  }
0x1f: {  	s9 =	smul.u32 $0xF7A, s1;
	s8 =	simm.s32 @!p0 $0x1BF5;
	p2 =	por !p2, p0  }
0x20: {  	[sflag:s8] =	ssyncset.s32 @!p0 $0xFFFFF086;
	s6 =	sadd.s32 @!p0 s3, s7;
	s7 =	simm.s32 @!p0 $0x108  }
0x21: {  	s3 =	sadd.s32 s3, s9;
	s6 =	sadd.s32 @!p0 $0x88, s6;
	s7 =	simm.s32 @p2 $0x1082  }
0x22: {  	[simem:s7], [sflag:s8] =	dma.local @!p0 [hbm:s6], $0xF7A  }
0x23: {  	s9 =	sor.u32 $0xD0000000, s2;
	s6 =	simm.s32 $0x108;
	_ =	swait.ge @!p0 [sflag:s8], $0x0  }
0x24: {  	s3 =	sadd.s32 $0x88, s3;
	s6 =	simm.s32 @!p1 $0x1082;
	[sflag:s4] =	ssyncset.s32 $0xFFFFF086  }
0x25: {  	[simem:s6], [sflag:s4] =	dma.local [hbm:s3], $0xF7A  }
0x26: {  	[smem:$0x3F9E] =	sst s1;
	(tag) =	ssettag s2;
	_ =	strace s9  }
0x27: {  	s1 =	sld [smem:$0x3FAE]  }
0x28: {  	s2 =	sld [smem:$0x3FAF]  }
0x29: {  	s4 =	sld [smem:$0x3FB1]  }
0x2a: {  	p0 =	seq.s32 s5, $0x0;
	s5 =	sld [smem:$0x3FB2]  }
0x2b: {  	s6 =	sld [smem:$0x3FB3]  }
0x2c: {  	s7 =	sld [smem:$0x3FB4]  }
0x2d: {  	s3 =	simm.s32 $0x108;
	s8 =	sld [smem:$0x3FB5]  }
0x2e: {  	s3 =	simm.s32 @!p0 $0x1082;
	s9 =	sld [smem:$0x3FB6]  }
0x2f: {  	lr =	sadd.s32 s0, s3;
	s0 =	sld [smem:$0x3FAD]  }
0x30: {  	s3 =	sld [smem:$0x3FB0]  }
0x31: {  	[smem:$0x3FB9] =	sst s10  }
0x32: {  	s10 =	sld [smem:$0x3FB7];
	_ =	sdelay $0x3  }
0x33: {  	p0 =	seq.s32 s10, $0x1;
	s10 =	sld [smem:$0x3FB9];
	_ =	sdelay $0x3  }
0x34: {  	[smem:$0x3FB9] =	sst s10  }
0x35: {  	s10 =	sld [smem:$0x3FB8];
	_ =	sdelay $0x3  }
0x36: {  	p1 =	seq.s32 s10, $0x1;
	s10 =	sld [smem:$0x3FB9];
	_ =	sdelay $0x3  }
0x37: {  	[smem:$0x3FB9] =	sst s10  }
0x38: {  	s10 =	sld [smem:$0x3FBA]  }
0x39: {  	_ = 	snop;
	(pc) =	sbr.ind lr, $3  }
0x3a: {  	_ = 	snop  }
0x3b: {  	_ = 	snop  }
0x3c: {  	p2 =	seq.s32 s10, $0x1;
	s10 =	sld [smem:$0x3FB9]  }
0x3d: {  	_ =	shalt  }
0x3e: {  	_ =	shalt  }
0x3f: {  	_ =	shalt  }
0x40: {  	_ =	shalt  }
0x41: {  	_ =	shalt  }
0x42: {  	_ =	shalt  }
0x43: {  	_ =	shalt  }
0x44: {  	_ =	shalt  }
0x45: {  	_ =	shalt  }
0x46: {  	_ =	shalt  }
0x47: {  	_ =	shalt  }
0x48: {  	_ =	shalt  }
0x49: {  	_ =	shalt  }
0x4a: {  	_ =	shalt  }
0x4b: {  	_ =	shalt  }
0x4c: {  	_ =	shalt  }
0x4d: {  	_ =	shalt  }
0x4e: {  	_ =	shalt  }
0x4f: {  	_ =	shalt  }
0x50: {  	_ =	shalt  }
0x51: {  	_ =	shalt  }
0x52: {  	_ =	shalt  }
0x53: {  	_ =	shalt  }
0x54: {  	_ =	shalt  }
0x55: {  	_ =	shalt  }
0x56: {  	_ =	shalt  }
0x57: {  	_ =	shalt  }
0x58: {  	_ =	shalt  }
0x59: {  	_ =	shalt  }
0x5a: {  	_ =	shalt  }
0x5b: {  	_ =	shalt  }
0x5c: {  	_ =	shalt  }
0x5d: {  	_ =	shalt  }
0x5e: {  	_ =	shalt  }
0x5f: {  	_ =	shalt  }
0x60: {  	_ =	shalt  }
0x61: {  	_ =	shalt  }
0x62: {  	_ =	shalt  }
0x63: {  	_ =	shalt  }
0x64: {  	_ =	shalt  }
0x65: {  	_ =	shalt  }
0x66: {  	_ =	shalt  }
0x67: {  	_ =	shalt  }
0x68: {  	_ =	shalt  }
0x69: {  	_ =	shalt  }
0x6a: {  	_ =	shalt  }
0x6b: {  	_ =	shalt  }
0x6c: {  	_ =	shalt  }
0x6d: {  	_ =	shalt  }
0x6e: {  	_ =	shalt  }
0x6f: {  	_ =	shalt  }
0x70: {  	_ =	shalt  }
0x71: {  	_ =	shalt  }
0x72: {  	_ =	shalt  }
0x73: {  	_ =	shalt  }
0x74: {  	_ =	shalt  }
0x75: {  	_ =	shalt  }
0x76: {  	_ =	shalt  }
0x77: {  	_ =	shalt  }
0x78: {  	_ =	shalt  }
0x79: {  	_ =	shalt  }
0x7a: {  	_ =	shalt  }
0x7b: {  	_ =	shalt  }
0x7c: {  	_ =	shalt  }
0x7d: {  	_ =	shalt  }
0x7e: {  	_ =	shalt  }
0x7f: {  	_ =	shalt  }
0x80: {  	_ =	shalt  }
0x81: {  	_ =	shalt  }
0x82: {  	_ =	shalt  }
0x83: {  	_ =	shalt  }
0x84: {  	_ =	shalt  }
0x85: {  	_ =	shalt  }
0x86: {  	_ =	shalt  }
0x87: {  	_ =	shalt  }
.Lfunc_end0:
.L_simem_size_0:
called_computation_lowered:
.L_overlay_start_0:
0x88: {  	s2 =	sld [smem:$0x3FD9]  }
0x89: {  	s3 =	sld [smem:$0x3FFE];
	_ =	sdelay $0x1  }
0x8a: {  	s1 =	srdreg.scid  }
0x8b: {  	s0 =	sand.u32 $0x1, s1  }
0x8c: {  	s17 =	sshll.u32 s0, $0xA;
	s2 =	sadd.s32 s3, s2  }
0x8d: {  	s2 =	sadd.s32 s2, s17  }
0x8e: {  	[smem:$0x3FC5] =	sst s2  }
0x8f: {  	_ = 	snop  }
0x90: {  	s2 =	sld [smem:$0x3FD0];
	(tm) =	ssettm $0x1  }
0x91: {  	s18 =	sld [smem:$0x3FFB];
	_ =	sdelay $0x3  }
0x92: {  	_ =	strace s18  }
0x93: {  	s3 =	sld [smem:$0x3FFC];
	_ =	sdelay $0x3  }
0x94: {  	_ =	strace s3  }
0x95: {  	s3 =	sld [smem:$0x3FFD];
	_ =	sdelay $0x3  }
0x96: {  	_ =	strace s3  }
0x97: {  	_ =	strace $0x8FFFFFFF  }
0x98: {  	s19 =	sld [smem:$0x3FDB];
	_ =	sdelay $0x1  }
0x99: {  	s4 =	simm.s32 $_scs_section_size  }
0x9a: {  	s5 =	simm.s32 $_size__tile_overlayer_lowered;
	s6 =	simm.s32 $_tile_overlayer_lowered  }
0x9b: {  	s22 =	simm.s32 $0x1BFF;
	s21 =	sshll.u32 s6, $0x1;
	s3 =	sadd.s32 s4, s19  }
0x9c: {  	s7 =	simm.s32 $0x0;
	s20 =	sshll.u32 s5, $0x1;
	s5 =	sadd.s32 s21, s3  }
0x9d: {  	[timem:s7], [sflag:s22] =	dma.local [hbm:s5], s20  }
0x9e: {  	_ =	swait.ge [sflag:s22], s20  }
0x9f: {  	s4 =	ssub.s32 $0x0, s20;
	[sflag:s22] =	ssyncset.done $0x0  }
0xa0: {  	[sflag:s22] =	ssyncadd.s32 s4;
	_ =	sdelay $0x1  }
0xa1: {  	s23 =	simm.s32 $0x1B8B  }
0xa2: {  	_ =	swait.ge [sflag:s23], $0x1  }
0xa3: {  	[sflag:s23] =	ssyncset.done $0x0  }
0xa4: {  	s25 =	simm.s32 $0x1B8E;
	s24 =	sld [smem:$0x3FFE];
	[sflag:s23] =	ssyncadd.s32 $0xFFFFFFFF  }
0xa5: {  	s26 =	simm.s32 $execute0_lowered;
	[smem:$0x3FD2] =	sst s25  }
0xa6: {  	s5 =	sshll.u32 s26, $0x1;
	_ =	strace $0x80000046;
	[dreg:$0x1] =	wrdreg $0xFFFFFFFF  }
0xa7: {  	s28 =	simm.s32 $_size_execute0_lowered;
	s3 =	sadd.s32 s3, s5;
	[dreg:$0x0] =	wrdreg $0x0  }
0xa8: {  	s5 =	sshll.u32 s28, $0x1;
	[dreg:$0x2] =	wrdreg s3  }
0xa9: {  	[dreg:$0x3] =	wrdreg s5  }
0xaa: {  	[dreg:$0x4] =	wrdreg $0xC0  }
0xab: {  	_ =	task [dreg:s7], $0x5FFFF  }
0xac: {  	[dreg:$0x1] =	wrdreg $0xFFFFFFFF  }
0xad: {  	[dreg:$0x0] =	wrdreg $0x60  }
0xae: {  	[dreg:$0x2] =	wrdreg s2  }
0xaf: {  	[dreg:$0x3] =	wrdreg s24  }
0xb0: {  	[dreg:$0x4] =	wrdreg $0x9  }
0xb1: {  	_ =	task.clear_ibuf [dreg:s7], $0x5FFFF;
	_ =	strace $0x90000046  }
0xb2: {  	s29 =	simm.s32 $0x9;
	_ =	strace $0x80000048  }
0xb3: {  	_ =	swait.ge [sflag:s29], $0x1  }
0xb4: {  	[sflag:s29] =	ssyncadd.s32 $0xFFFFFFFF  }
0xb5: {  	_ =	strace $0x90000048  }
0xb6: {  	_ =	sfence  }
0xb7: {  	s30 =	sld [smem:$0x0];
	_ =	sdelay $0x2  }
0xb8: {  	s31 =	sshll.u32 s1, $0xD;
	s1 =	sshrl.u32 s1, $0x2  }
0xb9: {  	s3 =	sand.u32 $0x4000, s31;
	s1 =	sadd.s32 s1, s30  }
0xba: {  	s0 =	sor.u32 s3, s0;
	s1 =	sshll.u32 s1, $0x11  }
0xbb: {  	s0 =	sor.u32 s1, s0  }
0xbc: {  	s0 =	sadd.s32 $0x8F2B, s0  }
0xbd: {  	[sflag:s0] =	ssyncadd.remote.s32 $0x1  }
0xbe: {  	_ =	sfence.sel $0xFFFF  }
0xbf: {  	[dreg:$0x0] =	wrdreg $0xFFFFFFFF;
	(pc) =	sbr.abs _section_cstart, $3  }
0xc0: {  	[dreg:$0x1] =	wrdreg $0xFFFFFFFF  }
0xc1: {  	_ =	task.clear_ibuf [dreg:s7], $0x2FFFF;
	_ =	strace $0x9FFFFFFF  }
0xc2: {  	(tm) =	ssettm $0x7FFFFFFF  }
0xc3: {  	_ =	shalt  }
tec
execute0_lowered:
.L_overlay_start_1:
0x0: {  	(tag) =	ssettag $0x1  }
0x1: {  	s1 =	srdreg.scid;
	s11 =	rddreg [dreg:$0x0]  }
0x2: {  	s0 =	stileid.u32;
	s5 =	rddreg [dreg:$0x1];
	s12 =	simm.s32 $0x5  }
0x3: {  	s13 =	simm.s32 $0x80;
	s14 =	simm.s32 $0xC8000;
	s16 =	simm.s32 $0x14D20  }
0x4: {  	s17 =	simm.s32 $0x1;
	s18 =	simm.s32 $0xFA0;
	s19 =	simm.s32 $0x15220  }
0x5: {  	s20 =	simm.s32 $0x400;
	s1 =	sand.u32 $0x1, s1;
	s2 =	sshll.u32 s0, $0x1  }
0x6: {  	v0 =	vlaneseq.u32;
	s21 =	simm.s32 $0x20000;
	s7 =	sor.u32 s1, s2;
	s2 =	simm.s32 $0x0  }
0x7: {  	s22 =	simm.s32 $0x2;
	v2 =	vor.u32 $0x10, v0;
	s3 =	smul.u32 $0x6400, s7;
	[smem:$0x7FF] =	sst s2  }
0x8: {  	s23 =	simm.s32 $0x17620;
	v3 =	vor.u32 $0x20, v0;
	s4 =	smul.u32 $0x2400, s7;
	_ =	strace $0x80000047;
	[tilespmem:$0x1FF80] =	vst v2  }
0x9: {  	s24 =	simm.s32 $0x3;
	s25 =	simm.s32 $0x4;
	s26 =	simm.s32 $0x0;
	v4 =	vor.u32 $0x30, v0;
	[tilespmem:$0x1FF90] =	vst v3  }
0xa: {  	s10 =	sadd.s32 $0x20, s11;
	v63 =	vor.u32 $0x40, v0;
	[tilespmem:$0x1FFA0] =	vst v4;
	s6 =	sand.u32 $0xFC000, s3;
	s4 =	sand.u32 $0x3C00, s4  }
.Ltmp0:
0xb: {  	v5 =	vor.u32 $0x50, v0;
	s1 =	ssub.s32 $0x2, s1;
	[tilespmem:$0x1FFB0] =	vst v63;
	s6 =	sor.u32 s4, s6;
	(pc) =	sbr.rel .LBB2_1-.Ltmp0, $4  }
0xc: {  	v6 =	vor.u32 $0x60, v0;
	s8 =	sshrl.u32 s1, $0x1;
	s7 =	smul.u32 $0xC8, s7;
	[tilespmem:$0x1FFC0] =	vst v5;
	s6 =	sshrl.u32 s6, $0x3  }
0xd: {  	v7 =	vor.u32 $0x70, v0;
	s1 =	ssub.s32 s1, s8;
	[tilespmem:$0x1FFD0] =	vst v6;
	s3 =	sadd.s32 $0x400, s5;
	s6 =	sadd.s32 s11, s6  }
0xe: {  	v1 =	vand.u32 $0x7, v0;
	[tilespmem:$0x1FFE0] =	vst v7;
	s9 =	smax.u32 s1, $0x1;
	s4 =	sadd.s32 $0x600, s5;
	s31 =	sadd.s32 $0x10, s6  }
0xf: {  	[tilespmem:$0x1FFF0] =	vst v1;
	s5 =	sadd.s32 $0x2600, s5;
	s11 =	sadd.s32 $0x30, s11;
	[dreg:$0x3] =	wrdreg s31  }
.LBB2_12:
0x10: {  	s26 =	sadd.s32 $0x1, s26  }
0x11: {  	_ =	swait.ge [sflag:s24], $0x2400;
	p0 =	sne.s32 s26, s9  }
.Ltmp1:
0x12: {  	[sflag:s24] =	ssyncset.done $0x0;
	(pc) =	sbr.rel @!p0 .LBB2_13-.Ltmp1, $4  }
0x13: {  	[sflag:s24] =	ssyncadd.s32 $0xFFFFDC00  }
0x14: {  	_ =	swait.ge [sflag:s25], $0x2400  }
0x15: {  	[sflag:s25] =	ssyncset.done $0x0  }
0x16: {  	v0 =	vlaneseq.u32;
	v2 =	vld [tilespmem:$0x1FF80];
	[sflag:s25] =	ssyncadd.s32 $0xFFFFDC00  }
.LBB2_1:
0x17: {  	s1 =	simm.s32 $0x4  }
0x18: {  	s30 =	sadd.s32 $0x0, s3;
	s28 =	simm.s32 $0x28;
	s29 =	simm.s32 $0x0  }
.LBB2_2:
0x19: {  	[tilespmem:s29], [sflag:$0x5] =	stream.linear.gather [hbm4b:s30+s2], $0x20, $0x38;
	[tilespmem:$0x19A20] =	vst v63  }
0x1a: {  	s30 =	smov.u32 s1;
	s29 =	smov.u32 s28;
	p0 =	sne.s32 s1, $0x18C  }
.Ltmp2:
0x1b: {  	s1 =	sadd.s32 $0x4, s1;
	(pc) =	sbr.rel @p0 .LBB2_2-.Ltmp2, $2  }
0x1c: {  	_ =	sdelay $0x2  }
0x1d: {  	s28 =	sadd.s32 $0x28, s28;
	s30 =	sadd.s32 s30, s3  }
0x1e: {  	[tilespmem:s29], [sflag:$0x5] =	stream.linear.gather [hbm4b:s30+s2], $0x20, $0x38;
	[tilespmem:$0x19A20] =	vst v63  }
0x1f: {  	_ =	swait.ge [sflag:s12], $0xC80  }
0x20: {  	s1 =	simm.s32 $0xFA0;
	s28 =	simm.s32 $0x4;
	[sflag:s12] =	ssyncset.done $0x0  }
0x21: {  	s30 =	sadd.s32 $0x0, s4;
	s29 =	simm.s32 $0xFC8;
	[sflag:s12] =	ssyncadd.s32 $0xFFFFF380  }
.LBB2_4:
0x22: {  	[tilespmem:s1], [sflag:$0x5] =	stream.linear.gather [hbm4b:s30+s2], $0x20, $0x38;
	[tilespmem:$0x19A20] =	vst v63  }
0x23: {  	s30 =	smov.u32 s28;
	s1 =	smov.u32 s29;
	p0 =	sne.s32 s28, $0x1F3C  }
.Ltmp3:
0x24: {  	s28 =	sadd.s32 $0x4, s28;
	(pc) =	sbr.rel @p0 .LBB2_4-.Ltmp3, $2  }
0x25: {  	_ =	sdelay $0x2  }
0x26: {  	s29 =	sadd.s32 $0x28, s29;
	s30 =	sadd.s32 s30, s4  }
0x27: {  	[tilespmem:s1], [sflag:$0x5] =	stream.linear.gather [hbm4b:s30+s2], $0x20, $0x38;
	[tilespmem:$0x19A20] =	vst v63  }
0x28: {  	_ =	swait.ge [sflag:s12], $0xFA00  }
0x29: {  	[sflag:s12] =	ssyncset.done $0x0  }
0x2a: {  	s0 =	simm.s32 $0x14820;
	[sflag:s12] =	ssyncadd.s32 $0xFFFF0600  }
0x2b: {  	[tilespmem:s0], [sflag:$0x1] =	stream.strided.gather [hbm4b:s6+s13], $0x500, s14, s13, $0x38;
	[tilespmem:$0x19A20] =	vst v63  }
0x2c: {  	s28 =	simm.s32 $0x0;
	s29 =	simm.s32 $0x0;
	s31 =	rddreg [dreg:$0x3]  }
0x2d: {  	[tilespmem:s16], [sflag:$0x2] =	stream.strided.gather [hbm4b:s31+s13], $0x500, s14, s13, $0x38;
	[tilespmem:$0x19A20] =	vst v63  }
.LBB2_6:
0x2e: {  	p0 =	seq.s32 s29, $0x0  }
0x2f: {  	s1 =	simm.s32 @!p0 $0x3  }
0x30: {  	_ =	swait.ge @!p0 [sflag:s1], $0x2400  }
0x31: {  	[sflag:s1] =	ssyncset.done @!p0 $0x0  }
0x32: {  	[sflag:s1] =	ssyncadd.s32 @!p0 $0xFFFFDC00  }
0x33: {  	_ =	swait.ge [sflag:s17], $0x500  }
0x34: {  	[sflag:s17] =	ssyncset.done $0x0  }
0x35: {  	[sflag:s17] =	ssyncadd.s32 $0xFFFFFB00  }
0x36: {  	v9 =	vld [tilespmem:$0x14820]  }
0x37: {  	v10 =	vld [tilespmem:$0x148A0]  }
0x38: {  	v11 =	vld [tilespmem:$0x14920]  }
0x39: {  	v12 =	vld [tilespmem:$0x149A0]  }
0x3a: {  	v13 =	vld [tilespmem:$0x14A20]  }
0x3b: {  	v14 =	vld [tilespmem:$0x14AA0]  }
0x3c: {  	v15 =	vld [tilespmem:$0x14B20]  }
0x3d: {  	v16 =	vld [tilespmem:$0x14BA0]  }
0x3e: {  	v17 =	vld [tilespmem:$0x14830]  }
0x3f: {  	v18 =	vld [tilespmem:$0x148B0]  }
0x40: {  	v19 =	vld [tilespmem:$0x14930]  }
0x41: {  	v20 =	vld [tilespmem:$0x149B0]  }
0x42: {  	v21 =	vld [tilespmem:$0x14A30]  }
0x43: {  	v22 =	vld [tilespmem:$0x14AB0]  }
0x44: {  	v23 =	vld [tilespmem:$0x14B30]  }
0x45: {  	v24 =	vld [tilespmem:$0x14BB0]  }
0x46: {  	v25 =	vld [tilespmem:$0x14840]  }
0x47: {  	v26 =	vld [tilespmem:$0x148C0]  }
0x48: {  	v27 =	vld [tilespmem:$0x14940]  }
0x49: {  	v28 =	vld [tilespmem:$0x149C0]  }
0x4a: {  	v29 =	vld [tilespmem:$0x14A40]  }
0x4b: {  	v53 =	vld [tilespmem:$0x14AC0];
	[tilespmem:$0x15220] =	vst v9  }
0x4c: {  	v54 =	vld [tilespmem:$0x14B40];
	[tilespmem:$0x152A0] =	vst v10  }
0x4d: {  	v55 =	vld [tilespmem:$0x14BC0];
	[tilespmem:$0x15320] =	vst v11  }
0x4e: {  	v56 =	vld [tilespmem:$0x14850];
	[tilespmem:$0x153A0] =	vst v12  }
0x4f: {  	v57 =	vld [tilespmem:$0x148D0];
	[tilespmem:$0x15420] =	vst v13  }
0x50: {  	v58 =	vld [tilespmem:$0x14950];
	[tilespmem:$0x154A0] =	vst v14  }
0x51: {  	v59 =	vld [tilespmem:$0x149D0];
	[tilespmem:$0x15520] =	vst v15  }
0x52: {  	v60 =	vld [tilespmem:$0x14A50];
	[tilespmem:$0x155A0] =	vst v16  }
0x53: {  	v61 =	vld [tilespmem:$0x14AD0];
	[tilespmem:$0x15230] =	vst v17  }
0x54: {  	v62 =	vld [tilespmem:$0x14B50];
	[tilespmem:$0x152B0] =	vst v18  }
0x55: {  	v1 =	vld [tilespmem:$0x14BD0];
	[tilespmem:$0x15330] =	vst v19  }
0x56: {  	v3 =	vld [tilespmem:$0x14860];
	[tilespmem:$0x153B0] =	vst v20  }
0x57: {  	v4 =	vld [tilespmem:$0x148E0];
	[tilespmem:$0x15430] =	vst v21  }
0x58: {  	v5 =	vld [tilespmem:$0x14960];
	[tilespmem:$0x154B0] =	vst v22  }
0x59: {  	v6 =	vld [tilespmem:$0x149E0];
	[tilespmem:$0x15530] =	vst v23  }
0x5a: {  	v7 =	vld [tilespmem:$0x14970];
	[tilespmem:$0x155B0] =	vst v24  }
0x5b: {  	v32 =	vld [tilespmem:$0x149F0];
	[tilespmem:$0x15240] =	vst v25  }
0x5c: {  	v33 =	vld [tilespmem:$0x14A70];
	[tilespmem:$0x152C0] =	vst v26  }
0x5d: {  	v34 =	vld [tilespmem:$0x14AF0];
	[tilespmem:$0x15340] =	vst v27  }
0x5e: {  	v35 =	vld [tilespmem:$0x14B70];
	[tilespmem:$0x153C0] =	vst v28  }
0x5f: {  	v36 =	vld [tilespmem:$0x14BF0];
	[tilespmem:$0x15440] =	vst v29  }
0x60: {  	v37 =	vld [tilespmem:$0x14880];
	[tilespmem:$0x154C0] =	vst v53  }
0x61: {  	v38 =	vld [tilespmem:$0x14900];
	[tilespmem:$0x15540] =	vst v54  }
0x62: {  	v39 =	vld [tilespmem:$0x14980];
	[tilespmem:$0x155C0] =	vst v55  }
0x63: {  	v40 =	vld [tilespmem:$0x14A00];
	[tilespmem:$0x15250] =	vst v56  }
0x64: {  	v41 =	vld [tilespmem:$0x14A80];
	[tilespmem:$0x152D0] =	vst v57  }
0x65: {  	v42 =	vld [tilespmem:$0x14B00];
	[tilespmem:$0x15350] =	vst v58  }
0x66: {  	v43 =	vld [tilespmem:$0x14C20];
	[tilespmem:$0x153D0] =	vst v59  }
0x67: {  	v44 =	vld [tilespmem:$0x14C30];
	[tilespmem:$0x15450] =	vst v60  }
0x68: {  	v45 =	vld [tilespmem:$0x14C40];
	[tilespmem:$0x154D0] =	vst v61  }
0x69: {  	v46 =	vld [tilespmem:$0x14CB0];
	[tilespmem:$0x15550] =	vst v62  }
0x6a: {  	v48 =	vld [tilespmem:$0x14CD0];
	[tilespmem:$0x155D0] =	vst v1  }
0x6b: {  	v51 =	vld [tilespmem:$0x14CF0];
	[tilespmem:$0x15260] =	vst v3  }
0x6c: {  	v24 =	vld [tilespmem:$0x14A60];
	[tilespmem:$0x152E0] =	vst v4  }
0x6d: {  	v25 =	vld [tilespmem:$0x14AE0];
	[tilespmem:$0x15360] =	vst v5  }
0x6e: {  	v26 =	vld [tilespmem:$0x14B60];
	[tilespmem:$0x153E0] =	vst v6  }
0x6f: {  	v27 =	vld [tilespmem:$0x14BE0];
	[tilespmem:$0x15370] =	vst v7  }
0x70: {  	v28 =	vld [tilespmem:$0x14870];
	[tilespmem:$0x153F0] =	vst v32  }
0x71: {  	v29 =	vld [tilespmem:$0x148F0];
	[tilespmem:$0x15470] =	vst v33  }
0x72: {  	[tilespmem:$0x154F0] =	vst v34;
	v53 =	vld [tilespmem:$0x14D00]  }
0x73: {  	[tilespmem:$0x15570] =	vst v35;
	v55 =	vld [tilespmem:$0x14D10]  }
0x74: {  	[tilespmem:$0x155F0] =	vst v36;
	v56 =	vld [tilespmem:$0x14B80]  }
0x75: {  	v21 =	vtrunc.f32 v43;
	v22 =	vtrunc.f32 v44;
	[tilespmem:$0x15280] =	vst v37;
	v58 =	vld [tilespmem:$0x14C00]  }
0x76: {  	v23 =	vtrunc.f32 v45;
	v9 =	vtrunc.f32 v46;
	[tilespmem:$0x15300] =	vst v38;
	v59 =	vld [tilespmem:$0x14890]  }
0x77: {  	v10 =	vtrunc.f32 v48;
	v11 =	vtrunc.f32 v51;
	[tilespmem:$0x15460] =	vst v24;
	v24 =	vld [tilespmem:$0x14C50]  }
0x78: {  	v21 =	vcvt.f32.s32 v21;
	v22 =	vcvt.f32.s32 v22;
	[tilespmem:$0x154E0] =	vst v25;
	v25 =	vld [tilespmem:$0x14C60]  }
0x79: {  	v37 =	vadd.s32 s28, v0;
	v23 =	vcvt.f32.s32 v23;
	v54 =	vcvt.f32.s32 v9;
	[tilespmem:$0x15560] =	vst v26;
	v26 =	vld [tilespmem:$0x14C70]  }
0x7a: {  	v32 =	vcvt.f32.s32 v11;
	v43 =	vand.u32 $0x8, v37;
	v3 =	vmul.u32 $0x28, v21;
	[tilespmem:$0x155E0] =	vst v27;
	v27 =	vld [tilespmem:$0x14C80]  }
0x7b: {  	v5 =	vmul.u32 $0x28, v22;
	v6 =	vmul.u32 $0x28, v54;
	v7 =	vmul.u32 $0x28, v23;
	[tilespmem:$0x15270] =	vst v28;
	v28 =	vld [tilespmem:$0x14C90]  }
0x7c: {  	v14 =	vmul.u32 $0x28, v32;
	[tilespmem:$0x152F0] =	vst v29;
	v29 =	vld [tilespmem:$0x14CA0];
	v45 =	vtrunc.f32 v53;
	v9 =	vtrunc.f32 v55  }
0x7d: {  	[tilespmem:$0x15380] =	vst v39;
	v61 =	vld [tilespmem:$0x14910];
	v51 =	vadd.s32 v5, v43;
	v34 =	vcvt.f32.s32 v45;
	v35 =	vcvt.f32.s32 v9  }
0x7e: {  	[tilespmem:$0x15400] =	vst v40;
	v62 =	vld [tilespmem:$0x14990];
	v53 =	vadd.s32 v7, v43;
	v24 =	vtrunc.f32 v24;
	v47 =	vtrunc.f32 v25  }
0x7f: {  	[tilespmem:$0x15480] =	vst v41;
	v39 =	vadd.s32 v14, v43;
	v25 =	vtrunc.f32 v26;
	v26 =	vld [tilespmem:$0x14CC0];
	v49 =	vtrunc.f32 v27  }
0x80: {  	[tilespmem:$0x15500] =	vst v42;
	v18 =	vmul.u32 $0x28, v35;
	v50 =	vtrunc.f32 v28;
	v31 =	vcvt.f32.s32 v25;
	v25 =	vld [tilespmem:$0x14CE0]  }
0x81: {  	v33 =	vld [tilespmem:$0x14A10];
	[tilespmem:$0x15580] =	vst v56;
	v35 =	vshll.u32 v37, $0x7;
	v52 =	vtrunc.f32 v29;
	v24 =	vcvt.f32.s32 v24  }
0x82: {  	v36 =	vld [tilespmem:$0x14A90];
	[tilespmem:$0x15600] =	vst v58;
	v44 =	vand.u32 $0x780, v35;
	v30 =	vcvt.f32.s32 v47;
	v12 =	vcvt.f32.s32 v52  }
0x83: {  	v46 =	vld [tilespmem:$0x14B10];
	[tilespmem:$0x15290] =	vst v59;
	v27 =	vcvt.f32.s32 v49;
	v28 =	vcvt.f32.s32 v50;
	v49 =	vadd.s32 v3, v43  }
0x84: {  	v48 =	vld [tilespmem:$0x14C10];
	[tilespmem:$0x15310] =	vst v61;
	v52 =	vadd.s32 v6, v43;
	v4 =	vmul.u32 $0x28, v12;
	v57 =	vtrunc.f32 v26  }
0x85: {  	[tilespmem:$0x15390] =	vst v62;
	v47 =	vld [tilespmem:$0x14B90];
	v26 =	vcvt.f32.s32 v10;
	v60 =	vtrunc.f32 v25;
	v25 =	vand.u32 $0x7, v37  }
0x86: {  	[tilespmem:$0x15410] =	vst v33;
	v9 =	vmul.u32 $0x28, v24;
	v50 =	vadd.s32 v4, v43;
	v24 =	vor.u32 v25, v49  }
0x87: {  	[tilespmem:$0x15490] =	vst v36;
	v1 =	vmul.u32 $0x28, v31;
	v10 =	vmul.u32 $0x28, v26;
	v26 =	vor.u32 v25, v50  }
0x88: {  	v13 =	vld [tilespmem:$0x1FFF0];
	[tilespmem:$0x15510] =	vst v46;
	v62 =	vor.u32 v2, v35;
	v11 =	vmul.u32 $0x28, v30;
	v30 =	vor.u32 v25, v52  }
0x89: {  	v19 =	vld [tilespmem:$0x1FF90];
	[tilespmem:$0x15610] =	vst v48;
	v15 =	vmul.u32 $0x28, v27;
	v38 =	vadd.s32 v1, v43;
	v27 =	vor.u32 v25, v53  }
0x8a: {  	v20 =	vld [tilespmem:$0x1FFA0];
	v45 =	vadd.s32 v18, v43;
	v17 =	vmul.u32 $0x28, v28;
	[tilespmem:$0x15590] =	vst v47;
	v38 =	vor.u32 v25, v38  }
0x8b: {  	v46 =	vadd.s32 $0x400, v44;
	v40 =	vadd.s32 v15, v43;
	v39 =	vor.u32 v25, v39;
	v31 =	vld.idx.msk [tilespmem:v24+s2+$0x0], $0xffff  }
0x8c: {  	v46 =	vand.u32 $0xC00, v46;
	v42 =	vadd.s32 v17, v43;
	v40 =	vor.u32 v25, v40;
	v26 =	vld.idx.msk [tilespmem:v26+s18+$0x0], $0xffff  }
0x8d: {  	v46 =	vor.u32 v13, v46;
	v16 =	vcvt.f32.s32 v57;
	v42 =	vor.u32 v25, v42;
	v30 =	vld.idx.msk [tilespmem:v30+s18+$0x0], $0xffff  }
0x8e: {  	v57 =	vadd.s32 v11, v43;
	v29 =	vcvt.f32.s32 v60;
	v59 =	vor.u32 v25, v45;
	v27 =	vld.idx.msk [tilespmem:v27+s2+$0x0], $0xffff  }
0x8f: {  	v8 =	vmul.u32 $0x28, v16;
	v16 =	vmul.u32 $0x28, v34;
	v34 =	vor.u32 v25, v57;
	v48 =	vld.idx.msk [tilespmem:v38+s2+$0x0], $0xffff  }
0x90: {  	v12 =	vmul.u32 $0x28, v29;
	v29 =	vor.u32 v25, v51;
	v56 =	vadd.s32 v10, v43;
	v50 =	vld.idx.msk [tilespmem:v39+s18+$0x0], $0xffff  }
0x91: {  	v37 =	vor.u32 v0, v35;
	v54 =	vadd.s32 v8, v43;
	v33 =	vor.u32 v25, v56;
	v45 =	vld.idx.msk [tilespmem:v40+s2+$0x0], $0xffff  }
0x92: {  	v47 =	vadd.s32 $0x1400, v44;
	v41 =	vadd.s32 v16, v43;
	v55 =	vor.u32 v25, v54;
	v61 =	vld.idx.msk [tilespmem:v42+s2+$0x0], $0xffff  }
0x93: {  	v37 =	vand.u32 $0x388, v37;
	v58 =	vadd.s32 v12, v43;
	v41 =	vor.u32 v25, v41;
	v56 =	vld.idx.msk [tilespmem:v59+s18+$0x0], $0xffff  }
0x94: {  	v47 =	vand.u32 $0x1C00, v47;
	v24 =	vadd.s32 v9, v43;
	v36 =	vor.u32 v25, v58;
	v34 =	vld.idx.msk [tilespmem:v34+s2+$0x0], $0xffff  }
0x95: {  	v49 =	vor.u32 v37, v46;
	v47 =	vor.u32 v13, v47;
	v28 =	vor.u32 v25, v24;
	v29 =	vld.idx.msk [tilespmem:v29+s2+$0x0], $0xffff  }
0x96: {  	v52 =	vand.u32 $0x398, v62;
	v0 =	vor.u32 v37, v47;
	v33 =	vld.idx.msk [tilespmem:v33+s18+$0x0], $0xffff  }
0x97: {  	v2 =	vor.u32 v52, v46;
	v32 =	vld.idx.msk [tilespmem:v55+s18+$0x0], $0xffff  }
0x98: {  	v60 =	vor.u32 v52, v47;
	v53 =	vld.idx.msk [tilespmem:v41+s18+$0x0], $0xffff  }
0x99: {  	v36 =	vld.idx.msk [tilespmem:v36+s18+$0x0], $0xffff  }
0x9a: {  	v28 =	vld.idx.msk [tilespmem:v28+s2+$0x0], $0xffff;
	[tilespmem:v49+s19+$0x0] =	vst.idx.msk $0xffff, v31  }
0x9b: {  	v51 =	vor.u32 v19, v35;
	[tilespmem:v0+s19+$0x0] =	vst.idx.msk $0xffff, v26  }
0x9c: {  	v54 =	vand.u32 $0x3A8, v51;
	[tilespmem:v2+s19+$0x0] =	vst.idx.msk $0xffff, v29  }
0x9d: {  	v21 =	vor.u32 v63, v35;
	v62 =	vor.u32 v54, v46;
	[tilespmem:v60+s19+$0x0] =	vst.idx.msk $0xffff, v30  }
0x9e: {  	v31 =	vor.u32 v54, v47;
	v2 =	vand.u32 $0x3C8, v21;
	v21 =	vld [tilespmem:$0x1FFC0];
	_ =	sdelay $0x3  }
0x9f: {  	v55 =	vor.u32 v20, v35;
	[tilespmem:v62+s19+$0x0] =	vst.idx.msk $0xffff, v27  }
0xa0: {  	v49 =	vand.u32 $0x3B8, v55;
	[tilespmem:v31+s19+$0x0] =	vst.idx.msk $0xffff, v32;
	v22 =	vor.u32 v21, v35  }
0xa1: {  	v26 =	vor.u32 v49, v46;
	v58 =	vand.u32 $0x3D8, v22;
	v22 =	vld [tilespmem:$0x1FFD0];
	_ =	sdelay $0x4  }
0xa2: {  	v29 =	vor.u32 v49, v47;
	[tilespmem:v26+s19+$0x0] =	vst.idx.msk $0xffff, v28;
	v23 =	vor.u32 v22, v35  }
0xa3: {  	v39 =	vand.u32 $0x3E8, v23;
	v23 =	vld [tilespmem:$0x1FFE0]  }
0xa4: {  	v30 =	vor.u32 v2, v46  }
0xa5: {  	v27 =	vor.u32 v2, v47  }
0xa6: {  	v31 =	vor.u32 v58, v46  }
0xa7: {  	v26 =	vor.u32 v58, v47;
	[tilespmem:v29+s19+$0x0] =	vst.idx.msk $0xffff, v33  }
0xa8: {  	[tilespmem:$0x1FE20] =	vst v39;
	v29 =	vor.u32 v39, v46;
	v28 =	vor.u32 v23, v35  }
0xa9: {  	[tilespmem:v30+s19+$0x0] =	vst.idx.msk $0xffff, v34;
	v30 =	vor.u32 v39, v47;
	v0 =	vand.u32 $0x3F8, v28  }
0xaa: {  	[tilespmem:v27+s19+$0x0] =	vst.idx.msk $0xffff, v36;
	v27 =	vor.u32 v0, v46  }
0xab: {  	[tilespmem:v31+s19+$0x0] =	vst.idx.msk $0xffff, v48  }
0xac: {  	[tilespmem:v26+s19+$0x0] =	vst.idx.msk $0xffff, v50  }
0xad: {  	v28 =	vor.u32 $0x10, v43;
	[tilespmem:v29+s19+$0x0] =	vst.idx.msk $0xffff, v45  }
0xae: {  	v31 =	vor.u32 v0, v47;
	v43 =	vadd.s32 v6, v28;
	[tilespmem:v30+s19+$0x0] =	vst.idx.msk $0xffff, v53  }
0xaf: {  	[tilespmem:v27+s19+$0x0] =	vst.idx.msk $0xffff, v61;
	v27 =	vor.u32 v25, v43;
	_ =	sdelay $0x1  }
0xb0: {  	v40 =	vadd.s32 v3, v28  }
0xb1: {  	v41 =	vadd.s32 v4, v28;
	v26 =	vor.u32 v25, v40  }
0xb2: {  	v42 =	vadd.s32 v5, v28;
	v29 =	vor.u32 v25, v41;
	[tilespmem:v31+s19+$0x0] =	vst.idx.msk $0xffff, v56  }
0xb3: {  	v45 =	vadd.s32 v7, v28;
	v30 =	vor.u32 v25, v42;
	v24 =	vld.idx.msk [tilespmem:v27+s18+$0x0], $0xffff  }
0xb4: {  	v31 =	vor.u32 v25, v45;
	_ =	sdelay $0x1  }
0xb5: {  	v34 =	vld.idx.msk [tilespmem:v26+s2+$0x0], $0xffff  }
0xb6: {  	v53 =	vld.idx.msk [tilespmem:v29+s18+$0x0], $0xffff  }
0xb7: {  	v56 =	vld.idx.msk [tilespmem:v30+s2+$0x0], $0xffff;
	[tilespmem:$0x1FDE0] =	vst v24  }
0xb8: {  	v46 =	vadd.s32 v8, v28;
	v24 =	vld.idx.msk [tilespmem:v31+s2+$0x0], $0xffff  }
0xb9: {  	v26 =	vor.u32 v25, v46;
	_ =	sdelay $0x3  }
0xba: {  	[tilespmem:$0x1FDF0] =	vst v24  }
0xbb: {  	v47 =	vadd.s32 v9, v28;
	v24 =	vld.idx.msk [tilespmem:v26+s18+$0x0], $0xffff  }
0xbc: {  	v29 =	vor.u32 v25, v47;
	_ =	sdelay $0x3  }
0xbd: {  	[tilespmem:$0x1FE00] =	vst v24  }
0xbe: {  	v48 =	vadd.s32 v10, v28;
	v24 =	vld.idx.msk [tilespmem:v29+s2+$0x0], $0xffff  }
0xbf: {  	v30 =	vor.u32 v25, v48;
	_ =	sdelay $0x3  }
0xc0: {  	[tilespmem:$0x1FE10] =	vst v24  }
0xc1: {  	v51 =	vadd.s32 v11, v28;
	v24 =	vld.idx.msk [tilespmem:v30+s18+$0x0], $0xffff  }
0xc2: {  	v27 =	vor.u32 v25, v51;
	_ =	sdelay $0x3  }
0xc3: {  	[tilespmem:$0x1FE90] =	vst v24  }
0xc4: {  	v43 =	vadd.s32 v12, v28;
	v24 =	vld.idx.msk [tilespmem:v27+s2+$0x0], $0xffff  }
0xc5: {  	v31 =	vor.u32 v25, v43;
	_ =	sdelay $0x3  }
0xc6: {  	[tilespmem:$0x1FEB0] =	vst v24  }
0xc7: {  	v61 =	vadd.s32 v1, v28;
	v24 =	vld.idx.msk [tilespmem:v31+s18+$0x0], $0xffff  }
0xc8: {  	v36 =	vor.u32 v25, v61;
	_ =	sdelay $0x3  }
0xc9: {  	[tilespmem:$0x1FED0] =	vst v24  }
0xca: {  	v62 =	vadd.s32 v14, v28;
	v24 =	vld.idx.msk [tilespmem:v36+s2+$0x0], $0xffff  }
0xcb: {  	v57 =	vor.u32 v25, v62;
	_ =	sdelay $0x2  }
0xcc: {  	s8 =	simm.s32 $0x1;
	v38 =	vlaneseq.u32;
	v60 =	vadd.s32 $0x1C00, v44  }
0xcd: {  	v50 =	vadd.s32 $0xC00, v44;
	v47 =	vand.u32 $0x3C00, v60;
	v60 =	vadd.s32 s8, v38;
	[tilespmem:$0x1FEF0] =	vst v24  }
0xce: {  	v63 =	vadd.s32 v15, v28;
	v42 =	vadd.s32 v16, v28;
	v44 =	vand.u32 $0x8, v60;
	v24 =	vld.idx.msk [tilespmem:v57+s18+$0x0], $0xffff  }
0xcf: {  	v55 =	vor.u32 v25, v63;
	v62 =	vadd.s32 v8, v44;
	v39 =	vadd.s32 v10, v44  }
0xd0: {  	v26 =	vadd.s32 v17, v28;
	v29 =	vand.u32 $0x1C00, v50;
	v30 =	vor.u32 v25, v42  }
0xd1: {  	v28 =	vadd.s32 v18, v28;
	v59 =	vor.u32 v25, v26;
	v51 =	vor.u32 v13, v29  }
0xd2: {  	v50 =	vor.u32 v13, v47;
	v29 =	vor.u32 v25, v28;
	v31 =	vor.u32 v37, v51  }
0xd3: {  	v26 =	vadd.s32 v3, v44;
	v40 =	vor.u32 v37, v50;
	v25 =	vand.u32 $0x7, v60;
	[tilespmem:$0x1FF10] =	vst v24  }
0xd4: {  	v43 =	vadd.s32 v9, v44;
	v41 =	vor.u32 v52, v51;
	v47 =	vor.u32 v25, v26;
	v24 =	vld.idx.msk [tilespmem:v55+s2+$0x0], $0xffff  }
0xd5: {  	v28 =	vadd.s32 v5, v44;
	v27 =	vadd.s32 v4, v44;
	v36 =	vadd.s32 v6, v44;
	v26 =	vld.idx.msk [tilespmem:v30+s18+$0x0], $0xffff  }
0xd6: {  	v61 =	vor.u32 v52, v50;
	v48 =	vor.u32 v25, v27;
	v37 =	vor.u32 v25, v36;
	v27 =	vld.idx.msk [tilespmem:v59+s2+$0x0], $0xffff  }
0xd7: {  	v46 =	vor.u32 v49, v51;
	v30 =	vor.u32 v25, v28;
	v29 =	vld.idx.msk [tilespmem:v29+s18+$0x0], $0xffff;
	[tilespmem:v31+s19+$0x0] =	vst.idx.msk $0xffff, v34  }
0xd8: {  	v34 =	vor.u32 v25, v39;
	v31 =	vadd.s32 v11, v44;
	[tilespmem:v40+s19+$0x0] =	vst.idx.msk $0xffff, v53  }
0xd9: {  	v60 =	vshll.u32 v60, $0x7;
	v63 =	vld.idx.msk [tilespmem:v47+s2+$0x0], $0xffff;
	v36 =	vor.u32 v25, v31;
	[tilespmem:v41+s19+$0x0] =	vst.idx.msk $0xffff, v56  }
0xda: {  	v32 =	vor.u32 v25, v62;
	v52 =	vand.u32 $0x780, v60;
	v47 =	vor.u32 v25, v43;
	v40 =	vld [tilespmem:$0x1FDE0]  }
0xdb: {  	v28 =	vmovc v49;
	v62 =	vld.idx.msk [tilespmem:v37+s18+$0x0], $0xffff;
	v43 =	vor.u32 v38, v60;
	v31 =	vadd.s32 v14, v44;
	v53 =	vadd.s32 $0x400, v52  }
0xdc: {  	v38 =	vor.u32 v25, v31;
	v31 =	vadd.s32 v18, v44;
	v49 =	vld.idx.msk [tilespmem:v30+s2+$0x0], $0xffff;
	v30 =	vadd.s32 v1, v44  }
0xdd: {  	v33 =	vand.u32 $0xC00, v53;
	v45 =	vld.idx.msk [tilespmem:v34+s18+$0x0], $0xffff;
	v37 =	vor.u32 v25, v30;
	v30 =	vadd.s32 v15, v44  }
0xde: {  	v53 =	vadd.s32 $0x1400, v52;
	v34 =	vor.u32 v25, v30;
	v30 =	vand.u32 $0x388, v43;
	v43 =	vld.idx.msk [tilespmem:v36+s2+$0x0], $0xffff  }
0xdf: {  	v56 =	vand.u32 $0x1C00, v53;
	v36 =	vor.u32 v25, v31;
	v31 =	vld [tilespmem:$0x1FF80];
	[tilespmem:v61+s19+$0x0] =	vst.idx.msk $0xffff, v40  }
0xe0: {  	v59 =	vor.u32 v54, v51;
	v41 =	vor.u32 v13, v33;
	v56 =	vor.u32 v13, v56;
	v13 =	vld [tilespmem:$0x1FDF0]  }
0xe1: {  	v42 =	vadd.s32 v7, v44  }
0xe2: {  	v57 =	vor.u32 v25, v42  }
0xe3: {  	v42 =	vadd.s32 v12, v44;
	v55 =	vld.idx.msk [tilespmem:v48+s18+$0x0], $0xffff  }
0xe4: {  	v39 =	vor.u32 v25, v42;
	v48 =	vld.idx.msk [tilespmem:v32+s18+$0x0], $0xffff;
	v32 =	vadd.s32 v16, v44  }
0xe5: {  	v32 =	vor.u32 v25, v32;
	[tilespmem:v59+s19+$0x0] =	vst.idx.msk $0xffff, v13  }
0xe6: {  	v54 =	vor.u32 v54, v50;
	v13 =	vld [tilespmem:$0x1FE00]  }
0xe7: {  	v57 =	vld.idx.msk [tilespmem:v57+s2+$0x0], $0xffff  }
0xe8: {  	v47 =	vld.idx.msk [tilespmem:v47+s2+$0x0], $0xffff  }
0xe9: {  	v42 =	vld.idx.msk [tilespmem:v39+s18+$0x0], $0xffff  }
0xea: {  	v35 =	vadd.s32 v17, v44;
	v39 =	vld.idx.msk [tilespmem:v32+s18+$0x0], $0xffff  }
0xeb: {  	v35 =	vor.u32 v25, v35;
	v38 =	vld.idx.msk [tilespmem:v38+s18+$0x0], $0xffff;
	v33 =	vor.u32 v30, v41;
	[tilespmem:v54+s19+$0x0] =	vst.idx.msk $0xffff, v13  }
0xec: {  	v13 =	vld [tilespmem:$0x1FE10]  }
0xed: {  	v53 =	vld.idx.msk [tilespmem:v37+s2+$0x0], $0xffff  }
0xee: {  	v61 =	vld.idx.msk [tilespmem:v34+s2+$0x0], $0xffff  }
0xef: {  	v40 =	vld.idx.msk [tilespmem:v36+s18+$0x0], $0xffff;
	v59 =	vor.u32 v19, v60  }
0xf0: {  	v32 =	vand.u32 $0x3A8, v59;
	v59 =	vld.idx.msk [tilespmem:v35+s2+$0x0], $0xffff;
	[tilespmem:v33+s19+$0x0] =	vst.idx.msk $0xffff, v63  }
0xf1: {  	v31 =	vor.u32 v31, v60;
	[tilespmem:v46+s19+$0x0] =	vst.idx.msk $0xffff, v13  }
0xf2: {  	v37 =	vor.u32 v30, v56;
	v31 =	vand.u32 $0x398, v31;
	v63 =	vld [tilespmem:$0x1FFB0]  }
0xf3: {  	v34 =	vor.u32 v31, v41  }
0xf4: {  	v19 =	vor.u32 v31, v56  }
0xf5: {  	v20 =	vor.u32 v20, v60;
	v35 =	vor.u32 v32, v41  }
0xf6: {  	v36 =	vor.u32 v32, v56;
	v33 =	vand.u32 $0x3B8, v20  }
0xf7: {  	[tilespmem:v37+s19+$0x0] =	vst.idx.msk $0xffff, v55;
	v37 =	vor.u32 v33, v41;
	v55 =	vor.u32 v63, v60  }
0xf8: {  	v13 =	vor.u32 v33, v56;
	[tilespmem:v34+s19+$0x0] =	vst.idx.msk $0xffff, v49;
	v34 =	vand.u32 $0x3C8, v55  }
0xf9: {  	[tilespmem:v19+s19+$0x0] =	vst.idx.msk $0xffff, v62;
	v19 =	vor.u32 v21, v60;
	v46 =	vor.u32 v34, v41  }
0xfa: {  	[tilespmem:v35+s19+$0x0] =	vst.idx.msk $0xffff, v57;
	v35 =	vand.u32 $0x3D8, v19;
	v20 =	vor.u32 v34, v56  }
0xfb: {  	v22 =	vor.u32 v22, v60;
	[tilespmem:v36+s19+$0x0] =	vst.idx.msk $0xffff, v48;
	v21 =	vor.u32 v35, v41  }
0xfc: {  	v54 =	vor.u32 v35, v56;
	v36 =	vand.u32 $0x3E8, v22;
	[tilespmem:v37+s19+$0x0] =	vst.idx.msk $0xffff, v47  }
0xfd: {  	v57 =	vor.u32 v36, v41;
	[tilespmem:v13+s19+$0x0] =	vst.idx.msk $0xffff, v45  }
0xfe: {  	v60 =	vor.u32 v23, v60;
	v62 =	vor.u32 v36, v56;
	[tilespmem:v46+s19+$0x0] =	vst.idx.msk $0xffff, v43  }
0xff: {  	v37 =	vand.u32 $0x3F8, v60;
	[tilespmem:v20+s19+$0x0] =	vst.idx.msk $0xffff, v42  }
0x100: {  	v41 =	vor.u32 v37, v41;
	[tilespmem:v21+s19+$0x0] =	vst.idx.msk $0xffff, v53  }
0x101: {  	[tilespmem:v54+s19+$0x0] =	vst.idx.msk $0xffff, v38  }
0x102: {  	[tilespmem:v57+s19+$0x0] =	vst.idx.msk $0xffff, v61  }
0x103: {  	v21 =	vor.u32 v37, v56;
	[tilespmem:v62+s19+$0x0] =	vst.idx.msk $0xffff, v39  }
0x104: {  	[tilespmem:$0x1FE30] =	vst v3  }
0x105: {  	v53 =	vld [tilespmem:$0x1FE20];
	[tilespmem:v41+s19+$0x0] =	vst.idx.msk $0xffff, v59  }
0x106: {  	[tilespmem:$0x1FE40] =	vst v4  }
0x107: {  	[tilespmem:$0x1FE50] =	vst v5  }
0x108: {  	v57 =	vor.u32 $0x10, v44;
	[tilespmem:v21+s19+$0x0] =	vst.idx.msk $0xffff, v40  }
0x109: {  	v13 =	vor.u32 v28, v50;
	v55 =	vadd.s32 v4, v57;
	v4 =	vld [tilespmem:$0x1FE90];
	_ =	sdelay $0x1  }
0x10a: {  	[tilespmem:$0x1FE60] =	vst v6  }
0x10b: {  	[tilespmem:$0x1FE70] =	vst v7  }
0x10c: {  	v19 =	vor.u32 v2, v51;
	v54 =	vadd.s32 v3, v57;
	[tilespmem:$0x1FE80] =	vst v8  }
0x10d: {  	v22 =	vor.u32 v58, v51;
	v39 =	vor.u32 v25, v54;
	[tilespmem:v13+s19+$0x0] =	vst.idx.msk $0xffff, v4  }
0x10e: {  	v38 =	vor.u32 v0, v50;
	v44 =	vor.u32 v53, v51;
	v51 =	vor.u32 v0, v51;
	v0 =	vld [tilespmem:$0x1FEB0];
	_ =	sdelay $0x3  }
0x10f: {  	v39 =	vld.idx.msk [tilespmem:v39+s2+$0x0], $0xffff;
	[tilespmem:$0x1FEA0] =	vst v9  }
0x110: {  	v41 =	vor.u32 v25, v55;
	[tilespmem:v19+s19+$0x0] =	vst.idx.msk $0xffff, v0  }
0x111: {  	v20 =	vor.u32 v2, v50;
	v0 =	vld [tilespmem:$0x1FED0];
	_ =	sdelay $0x3  }
0x112: {  	v56 =	vadd.s32 v5, v57;
	v40 =	vld.idx.msk [tilespmem:v41+s18+$0x0], $0xffff;
	[tilespmem:$0x1FEC0] =	vst v10  }
0x113: {  	v42 =	vor.u32 v25, v56;
	[tilespmem:v20+s19+$0x0] =	vst.idx.msk $0xffff, v0  }
0x114: {  	v0 =	vld [tilespmem:$0x1FEF0];
	_ =	sdelay $0x3  }
0x115: {  	v23 =	vor.u32 v58, v50;
	v58 =	vadd.s32 v6, v57;
	v41 =	vld.idx.msk [tilespmem:v42+s2+$0x0], $0xffff;
	[tilespmem:$0x1FEE0] =	vst v11  }
0x116: {  	v59 =	vor.u32 v25, v58;
	[tilespmem:v22+s19+$0x0] =	vst.idx.msk $0xffff, v0  }
0x117: {  	v60 =	vadd.s32 v7, v57;
	v0 =	vld [tilespmem:$0x1FF10]  }
0x118: {  	v62 =	vadd.s32 v8, v57;
	v61 =	vor.u32 v25, v60  }
0x119: {  	v5 =	vor.u32 v25, v62;
	v6 =	vadd.s32 v9, v57  }
0x11a: {  	v8 =	vadd.s32 v10, v57;
	v7 =	vor.u32 v25, v6  }
0x11b: {  	v9 =	vor.u32 v25, v8;
	v42 =	vld.idx.msk [tilespmem:v59+s18+$0x0], $0xffff;
	[tilespmem:$0x1FF00] =	vst v12  }
0x11c: {  	v58 =	vadd.s32 v17, v57;
	v10 =	vadd.s32 v11, v57;
	[tilespmem:v23+s19+$0x0] =	vst.idx.msk $0xffff, v0  }
0x11d: {  	v49 =	vor.u32 v53, v50;
	v11 =	vor.u32 v25, v10;
	v43 =	vld.idx.msk [tilespmem:v61+s2+$0x0], $0xffff;
	[tilespmem:$0x1FF20] =	vst v1  }
0x11e: {  	v13 =	vadd.s32 v12, v57;
	v19 =	vadd.s32 v1, v57;
	v45 =	vld.idx.msk [tilespmem:v5+s18+$0x0], $0xffff;
	[tilespmem:$0x1FF30] =	vst v14  }
0x11f: {  	v56 =	vadd.s32 $0x1C00, v52;
	v54 =	vor.u32 v25, v13;
	v53 =	vor.u32 v25, v19;
	v46 =	vld.idx.msk [tilespmem:v7+s2+$0x0], $0xffff;
	[tilespmem:$0x1FF40] =	vst v15  }
0x120: {  	v21 =	vadd.s32 $0xC00, v52;
	v20 =	vadd.s32 v14, v57;
	v22 =	vadd.s32 v15, v57;
	v47 =	vld.idx.msk [tilespmem:v9+s18+$0x0], $0xffff;
	[tilespmem:$0x1FF50] =	vst v16  }
0x121: {  	s15 =	sshll.u32 s29, $0x1;
	v50 =	vor.u32 v25, v20;
	v52 =	vor.u32 v25, v22;
	v23 =	vadd.s32 v16, v57;
	[tilespmem:$0x1FF60] =	vst v17  }
0x122: {  	s31 =	simm.s32 $0x2;
	s30 =	sadd.s32 s7, s15;
	v59 =	vand.u32 $0x1C00, v21;
	v57 =	vadd.s32 v18, v57;
	v55 =	vor.u32 v25, v23;
	v48 =	vld.idx.msk [tilespmem:v11+s2+$0x0], $0xffff;
	[tilespmem:$0x1FF70] =	vst v18  }
.LBB2_7:
0x123: {  	_ =	sdelay $0x1  }
0x124: {  	v54 =	vld.idx.msk [tilespmem:v54+s18+$0x0], $0xffff  }
0x125: {  	v14 =	vld [tilespmem:$0x1FFF0]  }
0x126: {  	v53 =	vld.idx.msk [tilespmem:v53+s2+$0x0], $0xffff  }
0x127: {  	[tilespmem:v44+s19+$0x0] =	vst.idx.msk $0xffff, v24;
	v44 =	vld.idx.msk [tilespmem:v50+s18+$0x0], $0xffff  }
0x128: {  	v28 =	vld.idx.msk [tilespmem:v55+s18+$0x0], $0xffff  }
0x129: {  	v2 =	vld [tilespmem:$0x1FE30]  }
0x12a: {  	v58 =	vor.u32 v25, v58;
	v6 =	vld [tilespmem:$0x1FE40]  }
0x12b: {  	v56 =	vand.u32 $0x3C00, v56;
	v25 =	vor.u32 v25, v57;
	v8 =	vld [tilespmem:$0x1FE60];
	v59 =	vor.u32 v14, v59  }
0x12c: {  	v9 =	vld [tilespmem:$0x1FE70];
	v56 =	vor.u32 v14, v56;
	v21 =	vor.u32 v30, v59  }
0x12d: {  	v20 =	vld [tilespmem:$0x1FE80];
	[tilespmem:v49+s19+$0x0] =	vst.idx.msk $0xffff, v26;
	v30 =	vor.u32 v30, v56  }
0x12e: {  	v3 =	vlaneseq.u32;
	v49 =	vld.idx.msk [tilespmem:v52+s2+$0x0], $0xffff;
	[tilespmem:v51+s19+$0x0] =	vst.idx.msk $0xffff, v27;
	v22 =	vor.u32 v31, v59  }
0x12f: {  	v23 =	vadd.s32 s31, v3;
	[tilespmem:v38+s19+$0x0] =	vst.idx.msk $0xffff, v29;
	v38 =	vld.idx.msk [tilespmem:v58+s2+$0x0], $0xffff;
	v31 =	vor.u32 v31, v56  }
0x130: {  	v27 =	vand.u32 $0x8, v23;
	v55 =	vld.idx.msk [tilespmem:v25+s18+$0x0], $0xffff;
	v29 =	vor.u32 v32, v59  }
0x131: {  	v58 =	vadd.s32 v2, v27;
	v25 =	vor.u32 v32, v56;
	[tilespmem:v21+s19+$0x0] =	vst.idx.msk $0xffff, v39;
	v21 =	vld [tilespmem:$0x1FEA0]  }
0x132: {  	v61 =	vadd.s32 v6, v27;
	[tilespmem:v30+s19+$0x0] =	vst.idx.msk $0xffff, v40;
	v30 =	vor.u32 v33, v59  }
0x133: {  	v0 =	vadd.s32 v8, v27;
	v60 =	vor.u32 v33, v56;
	[tilespmem:v22+s19+$0x0] =	vst.idx.msk $0xffff, v41  }
0x134: {  	v5 =	vld [tilespmem:$0x1FF80];
	v4 =	vadd.s32 v9, v27;
	[tilespmem:v31+s19+$0x0] =	vst.idx.msk $0xffff, v42;
	v31 =	vor.u32 v34, v59  }
0x135: {  	v7 =	vld [tilespmem:$0x1FE50];
	v26 =	vshll.u32 v23, $0x7;
	v18 =	vadd.s32 v20, v27;
	[tilespmem:v29+s19+$0x0] =	vst.idx.msk $0xffff, v43;
	v29 =	vor.u32 v34, v56  }
0x136: {  	v24 =	vld [tilespmem:$0x1FF00];
	v1 =	vor.u32 v35, v59;
	[tilespmem:v25+s19+$0x0] =	vst.idx.msk $0xffff, v45;
	v25 =	vand.u32 $0x7, v23;
	v23 =	vadd.s32 v21, v27  }
0x137: {  	v22 =	vld [tilespmem:$0x1FEC0];
	[tilespmem:v30+s19+$0x0] =	vst.idx.msk $0xffff, v46;
	v30 =	vor.u32 v35, v56;
	v10 =	vor.u32 v25, v58  }
0x138: {  	v12 =	vor.u32 v25, v61;
	v45 =	vor.u32 v25, v23;
	v23 =	vld [tilespmem:$0x1FEE0];
	[tilespmem:v60+s19+$0x0] =	vst.idx.msk $0xffff, v47  }
0x139: {  	v34 =	vor.u32 v25, v0;
	v19 =	vor.u32 v25, v18;
	v18 =	vld [tilespmem:$0x1FF50];
	[tilespmem:v31+s19+$0x0] =	vst.idx.msk $0xffff, v48  }
0x13a: {  	v17 =	vor.u32 v25, v4;
	v4 =	vld [tilespmem:$0x1FF90];
	[tilespmem:v29+s19+$0x0] =	vst.idx.msk $0xffff, v54  }
0x13b: {  	[tilespmem:v1+s19+$0x0] =	vst.idx.msk $0xffff, v53;
	v1 =	vld [tilespmem:$0x1FF20]  }
0x13c: {  	[tilespmem:v30+s19+$0x0] =	vst.idx.msk $0xffff, v44;
	v30 =	vld.idx.msk [tilespmem:v10+s2+$0x0], $0xffff  }
0x13d: {  	v33 =	vld.idx.msk [tilespmem:v12+s18+$0x0], $0xffff  }
0x13e: {  	v11 =	vor.u32 v36, v59;
	v34 =	vld.idx.msk [tilespmem:v34+s18+$0x0], $0xffff  }
0x13f: {  	v15 =	vor.u32 v37, v59;
	v16 =	vor.u32 v37, v56;
	v31 =	vor.u32 v36, v56;
	v37 =	vld.idx.msk [tilespmem:v17+s2+$0x0], $0xffff  }
0x140: {  	v35 =	vld.idx.msk [tilespmem:v19+s18+$0x0], $0xffff  }
0x141: {  	v62 =	vadd.s32 v7, v27;
	v29 =	vand.u32 $0x780, v26;
	v39 =	vld.idx.msk [tilespmem:v45+s2+$0x0], $0xffff  }
0x142: {  	v13 =	vor.u32 v25, v62;
	v59 =	vadd.s32 $0x1400, v29;
	v47 =	vadd.s32 v23, v27;
	v17 =	vld [tilespmem:$0x1FF60]  }
0x143: {  	v53 =	vadd.s32 v18, v27;
	v19 =	vld [tilespmem:$0x1FF70];
	v61 =	vand.u32 $0x1C00, v59;
	[tilespmem:v11+s19+$0x0] =	vst.idx.msk $0xffff, v49;
	v36 =	vor.u32 v25, v47  }
0x144: {  	v57 =	vor.u32 v25, v53;
	v44 =	vor.u32 v14, v61;
	v61 =	vld [tilespmem:$0x1FFC0];
	[tilespmem:v31+s19+$0x0] =	vst.idx.msk $0xffff, v28  }
0x145: {  	v46 =	vadd.s32 v22, v27;
	[tilespmem:v15+s19+$0x0] =	vst.idx.msk $0xffff, v38;
	v15 =	vld [tilespmem:$0x1FF30]  }
0x146: {  	v48 =	vadd.s32 v24, v27;
	v28 =	vor.u32 v25, v46;
	[tilespmem:v16+s19+$0x0] =	vst.idx.msk $0xffff, v55;
	v16 =	vld [tilespmem:$0x1FF40]  }
0x147: {  	v51 =	vor.u32 v3, v26;
	v31 =	vld.idx.msk [tilespmem:v13+s2+$0x0], $0xffff;
	v38 =	vor.u32 v25, v48;
	v49 =	vadd.s32 v1, v27  }
0x148: {  	v56 =	vadd.s32 $0x400, v29;
	v40 =	vor.u32 v25, v49;
	v54 =	vadd.s32 v17, v27;
	v48 =	vld.idx.msk [tilespmem:v36+s2+$0x0], $0xffff  }
0x149: {  	v58 =	vand.u32 $0xC00, v56;
	v55 =	vadd.s32 v19, v27;
	v60 =	vor.u32 v25, v54;
	v53 =	vld.idx.msk [tilespmem:v57+s18+$0x0], $0xffff  }
0x14a: {  	v43 =	vor.u32 v14, v58;
	v45 =	vor.u32 v25, v55;
	v57 =	vld [tilespmem:$0x1FFA0];
	v50 =	vadd.s32 v15, v27  }
0x14b: {  	v46 =	vld.idx.msk [tilespmem:v28+s18+$0x0], $0xffff;
	v28 =	vand.u32 $0x388, v51;
	v52 =	vadd.s32 v16, v27;
	v41 =	vor.u32 v25, v50  }
0x14c: {  	v32 =	vor.u32 v5, v26;
	v49 =	vld.idx.msk [tilespmem:v38+s18+$0x0], $0xffff;
	v62 =	vor.u32 v28, v43;
	v42 =	vor.u32 v25, v52  }
0x14d: {  	v32 =	vand.u32 $0x398, v32;
	v0 =	vor.u32 v28, v44;
	v40 =	vld.idx.msk [tilespmem:v40+s2+$0x0], $0xffff  }
0x14e: {  	v10 =	vor.u32 v32, v43;
	v54 =	vld.idx.msk [tilespmem:v60+s2+$0x0], $0xffff  }
0x14f: {  	v11 =	vor.u32 v4, v26;
	v12 =	vor.u32 v32, v44;
	v45 =	vld.idx.msk [tilespmem:v45+s18+$0x0], $0xffff  }
0x150: {  	v52 =	vand.u32 $0x3A8, v11;
	v41 =	vld.idx.msk [tilespmem:v41+s18+$0x0], $0xffff  }
0x151: {  	v13 =	vor.u32 v52, v43;
	v58 =	vor.u32 v57, v26;
	v42 =	vld.idx.msk [tilespmem:v42+s2+$0x0], $0xffff;
	[tilespmem:v62+s19+$0x0] =	vst.idx.msk $0xffff, v30  }
0x152: {  	v47 =	vand.u32 $0x3B8, v58;
	v30 =	vor.u32 v52, v44;
	[tilespmem:v0+s19+$0x0] =	vst.idx.msk $0xffff, v33;
	v0 =	vld [tilespmem:$0x1FFD0]  }
0x153: {  	v27 =	vor.u32 $0x10, v27;
	v60 =	vor.u32 v63, v26;
	v59 =	vor.u32 v47, v43;
	[tilespmem:v10+s19+$0x0] =	vst.idx.msk $0xffff, v31  }
0x154: {  	v56 =	vadd.s32 v9, v27;
	v51 =	vand.u32 $0x3C8, v60;
	v31 =	vor.u32 v47, v44;
	[tilespmem:v12+s19+$0x0] =	vst.idx.msk $0xffff, v34;
	v12 =	vld [tilespmem:$0x1FFE0]  }
0x155: {  	v58 =	vadd.s32 v21, v27;
	v50 =	vor.u32 v51, v43;
	v62 =	vor.u32 v61, v26  }
0x156: {  	v60 =	vadd.s32 v15, v27;
	v63 =	vor.u32 v51, v44;
	v34 =	vand.u32 $0x3D8, v62;
	[tilespmem:v13+s19+$0x0] =	vst.idx.msk $0xffff, v37  }
0x157: {  	[tilespmem:v30+s19+$0x0] =	vst.idx.msk $0xffff, v35;
	v30 =	vor.u32 v34, v43;
	v10 =	vor.u32 v0, v26  }
0x158: {  	v61 =	vadd.s32 v16, v27;
	v11 =	vor.u32 v34, v44;
	[tilespmem:v59+s19+$0x0] =	vst.idx.msk $0xffff, v39;
	v36 =	vand.u32 $0x3E8, v10  }
0x159: {  	[tilespmem:v31+s19+$0x0] =	vst.idx.msk $0xffff, v46;
	v26 =	vor.u32 v12, v26;
	v31 =	vor.u32 v36, v43  }
0x15a: {  	v13 =	vadd.s32 v2, v27;
	[tilespmem:v50+s19+$0x0] =	vst.idx.msk $0xffff, v48;
	v46 =	vor.u32 v36, v44;
	v38 =	vand.u32 $0x3F8, v26  }
0x15b: {  	v4 =	vmov v2;
	v2 =	vadd.s32 v22, v27;
	[tilespmem:v63+s19+$0x0] =	vst.idx.msk $0xffff, v49;
	v48 =	vor.u32 v38, v43  }
0x15c: {  	v55 =	vor.u32 v25, v13;
	[tilespmem:v30+s19+$0x0] =	vst.idx.msk $0xffff, v40;
	v30 =	vor.u32 v38, v44  }
0x15d: {  	v13 =	vadd.s32 v1, v27;
	v26 =	vadd.s32 v6, v27;
	[tilespmem:v11+s19+$0x0] =	vst.idx.msk $0xffff, v41  }
0x15e: {  	v49 =	vadd.s32 v7, v27;
	v26 =	vor.u32 v25, v26;
	[tilespmem:v31+s19+$0x0] =	vst.idx.msk $0xffff, v42  }
0x15f: {  	v50 =	vadd.s32 v8, v27;
	v57 =	vor.u32 v25, v49;
	[tilespmem:v46+s19+$0x0] =	vst.idx.msk $0xffff, v53  }
0x160: {  	v62 =	vor.u32 v25, v2;
	v59 =	vor.u32 v25, v50;
	[tilespmem:v48+s19+$0x0] =	vst.idx.msk $0xffff, v54  }
0x161: {  	v0 =	vadd.s32 v17, v27;
	v31 =	vadd.s32 v20, v27;
	[tilespmem:v30+s19+$0x0] =	vst.idx.msk $0xffff, v45  }
0x162: {  	v10 =	vadd.s32 $0xC00, v29;
	v29 =	vadd.s32 $0x1C00, v29;
	v31 =	vor.u32 v25, v31;
	v33 =	vld.idx.msk [tilespmem:v55+s2+$0x0], $0xffff  }
0x163: {  	v12 =	vadd.s32 v24, v27;
	v2 =	vand.u32 $0x1C00, v10;
	v10 =	vor.u32 v25, v13;
	v49 =	vld.idx.msk [tilespmem:v26+s18+$0x0], $0xffff  }
0x164: {  	v29 =	vand.u32 $0x3C00, v29;
	v11 =	vadd.s32 v23, v27;
	v30 =	vor.u32 v25, v56;
	v54 =	vld.idx.msk [tilespmem:v57+s2+$0x0], $0xffff  }
0x165: {  	v63 =	vadd.s32 v18, v27;
	v35 =	vor.u32 v25, v11;
	v27 =	vadd.s32 v19, v27;
	v55 =	vld.idx.msk [tilespmem:v59+s18+$0x0], $0xffff  }
0x166: {  	v13 =	vor.u32 v25, v0;
	v50 =	vor.u32 v14, v29;
	v29 =	vor.u32 v25, v27;
	v0 =	vld.idx.msk [tilespmem:v62+s18+$0x0], $0xffff  }
0x167: {  	s1 =	sadd.s32 $0x1, s31;
	v37 =	vor.u32 v14, v2;
	v44 =	vld.idx.msk [tilespmem:v31+s18+$0x0], $0xffff;
	v31 =	vor.u32 v25, v60  }
0x168: {  	v2 =	vor.u32 v47, v37;
	v26 =	vor.u32 v25, v58;
	v62 =	vadd.s32 s1, v3;
	v45 =	vld.idx.msk [tilespmem:v10+s2+$0x0], $0xffff  }
0x169: {  	v11 =	vor.u32 v25, v61;
	v53 =	vand.u32 $0x8, v62;
	v56 =	vld.idx.msk [tilespmem:v30+s2+$0x0], $0xffff;
	v30 =	vor.u32 v25, v12  }
0x16a: {  	v61 =	vor.u32 v28, v50;
	v41 =	vld.idx.msk [tilespmem:v35+s2+$0x0], $0xffff;
	v35 =	vor.u32 v32, v37;
	v27 =	vadd.s32 v6, v53  }
0x16b: {  	v29 =	vld.idx.msk [tilespmem:v29+s18+$0x0], $0xffff;
	v12 =	vor.u32 v25, v63;
	v63 =	vor.u32 v52, v37;
	v25 =	vand.u32 $0x7, v62;
	[tilespmem:$0x1FD90] =	vst v0  }
0x16c: {  	v0 =	vor.u32 v52, v50;
	v52 =	vadd.s32 v7, v53;
	v46 =	vld.idx.msk [tilespmem:v31+s18+$0x0], $0xffff;
	v31 =	vor.u32 v25, v27  }
0x16d: {  	v40 =	vmovc v7;
	v32 =	vor.u32 v32, v50;
	v59 =	vshll.u32 v62, $0x7;
	v58 =	vld.idx.msk [tilespmem:v26+s2+$0x0], $0xffff;
	v7 =	vor.u32 v25, v52  }
0x16e: {  	v60 =	vor.u32 v28, v37;
	v28 =	vmov v9;
	v10 =	vadd.s32 v22, v53;
	[tilespmem:$0x1FDC0] =	vst v45;
	v43 =	vld.idx.msk [tilespmem:v30+s18+$0x0], $0xffff  }
0x16f: {  	v26 =	vadd.s32 v4, v53;
	v45 =	vor.u32 v47, v50;
	v57 =	vor.u32 v25, v10;
	v27 =	vld.idx.msk [tilespmem:v13+s2+$0x0], $0xffff  }
0x170: {  	v47 =	vor.u32 v51, v50;
	v30 =	vor.u32 v25, v26;
	v26 =	vld.idx.msk [tilespmem:v12+s18+$0x0], $0xffff;
	v12 =	vadd.s32 v9, v53  }
0x171: {  	v9 =	vadd.s32 v21, v53;
	v13 =	vor.u32 v25, v12;
	v12 =	vadd.s32 v24, v53;
	v62 =	vld.idx.msk [tilespmem:v31+s18+$0x0], $0xffff  }
0x172: {  	v39 =	vmov v8;
	[tilespmem:$0x1FDD0] =	vst v46;
	v46 =	vor.u32 v51, v37;
	v31 =	vor.u32 v25, v9;
	v51 =	vld.idx.msk [tilespmem:v7+s2+$0x0], $0xffff  }
0x173: {  	v42 =	vmov v4;
	v7 =	vor.u32 v25, v12;
	[tilespmem:$0x1FDB0] =	vst v43;
	v43 =	vld.idx.msk [tilespmem:v11+s2+$0x0], $0xffff;
	v11 =	vadd.s32 v8, v53  }
0x174: {  	v3 =	vor.u32 v3, v59;
	v57 =	vld.idx.msk [tilespmem:v57+s18+$0x0], $0xffff;
	v8 =	vadd.s32 v20, v53;
	v52 =	vor.u32 v25, v11  }
0x175: {  	v9 =	vadd.s32 v15, v53;
	[tilespmem:v60+s19+$0x0] =	vst.idx.msk $0xffff, v33;
	v60 =	vld.idx.msk [tilespmem:v30+s2+$0x0], $0xffff;
	v30 =	vor.u32 v25, v8  }
0x176: {  	v5 =	vor.u32 v5, v59;
	[tilespmem:$0x1FDA0] =	vst v41;
	v41 =	vmov v6;
	v9 =	vor.u32 v25, v9;
	v8 =	vld.idx.msk [tilespmem:v13+s2+$0x0], $0xffff  }
0x177: {  	v11 =	vadd.s32 v23, v53;
	v13 =	vadd.s32 v1, v53;
	[tilespmem:v61+s19+$0x0] =	vst.idx.msk $0xffff, v49;
	v12 =	vld.idx.msk [tilespmem:v31+s2+$0x0], $0xffff  }
0x178: {  	v4 =	vor.u32 v25, v11;
	v33 =	vor.u32 v25, v13;
	v11 =	vadd.s32 v18, v53;
	v7 =	vld.idx.msk [tilespmem:v7+s18+$0x0], $0xffff  }
0x179: {  	v13 =	vadd.s32 v19, v53;
	[tilespmem:v35+s19+$0x0] =	vst.idx.msk $0xffff, v54;
	v31 =	vadd.s32 v17, v53;
	v6 =	vld.idx.msk [tilespmem:v52+s18+$0x0], $0xffff  }
0x17a: {  	[tilespmem:v32+s19+$0x0] =	vst.idx.msk $0xffff, v55;
	v52 =	vand.u32 $0x780, v59;
	v10 =	vld.idx.msk [tilespmem:v30+s18+$0x0], $0xffff;
	v30 =	vadd.s32 v16, v53  }
0x17b: {  	v11 =	vor.u32 v25, v11;
	[tilespmem:v63+s19+$0x0] =	vst.idx.msk $0xffff, v56;
	v56 =	vld [tilespmem:$0x1FF90];
	v49 =	vor.u32 v25, v30;
	v61 =	vadd.s32 $0x400, v52  }
0x17c: {  	v9 =	vld.idx.msk [tilespmem:v9+s18+$0x0], $0xffff;
	[tilespmem:v0+s19+$0x0] =	vst.idx.msk $0xffff, v44;
	v30 =	vand.u32 $0x388, v3;
	v3 =	vand.u32 $0xC00, v61;
	v61 =	vadd.s32 $0x1400, v52  }
0x17d: {  	v54 =	vor.u32 v25, v31;
	[tilespmem:v2+s19+$0x0] =	vst.idx.msk $0xffff, v58;
	v58 =	vld [tilespmem:$0x1FFA0];
	v3 =	vor.u32 v14, v3;
	v31 =	vand.u32 $0x1C00, v61  }
0x17e: {  	v13 =	vor.u32 v25, v13;
	v61 =	vld.idx.msk [tilespmem:v33+s2+$0x0], $0xffff;
	v33 =	vor.u32 v30, v3;
	v14 =	vor.u32 v14, v31  }
0x17f: {  	v4 =	vld.idx.msk [tilespmem:v4+s2+$0x0], $0xffff;
	v31 =	vand.u32 $0x398, v5;
	v35 =	vor.u32 v30, v14  }
0x180: {  	v32 =	vor.u32 v56, v59;
	v5 =	vld.idx.msk [tilespmem:v49+s2+$0x0], $0xffff;
	v49 =	vor.u32 v31, v3  }
0x181: {  	v0 =	vld.idx.msk [tilespmem:v11+s18+$0x0], $0xffff;
	v32 =	vand.u32 $0x3A8, v32;
	v11 =	vor.u32 v31, v14  }
0x182: {  	v2 =	vld.idx.msk [tilespmem:v54+s2+$0x0], $0xffff;
	v54 =	vor.u32 v32, v3;
	v44 =	vor.u32 v58, v59  }
0x183: {  	v13 =	vld.idx.msk [tilespmem:v13+s18+$0x0], $0xffff;
	v55 =	vor.u32 v32, v14;
	[tilespmem:v33+s19+$0x0] =	vst.idx.msk $0xffff, v60;
	v33 =	vand.u32 $0x3B8, v44  }
0x184: {  	v63 =	vld [tilespmem:$0x1FFB0];
	[tilespmem:v35+s19+$0x0] =	vst.idx.msk $0xffff, v62;
	v56 =	vor.u32 v33, v3  }
0x185: {  	[tilespmem:v49+s19+$0x0] =	vst.idx.msk $0xffff, v51;
	v51 =	vor.u32 v33, v14  }
0x186: {  	v60 =	vld [tilespmem:$0x1FFC0];
	[tilespmem:v11+s19+$0x0] =	vst.idx.msk $0xffff, v6  }
0x187: {  	[tilespmem:v54+s19+$0x0] =	vst.idx.msk $0xffff, v8  }
0x188: {  	[tilespmem:v55+s19+$0x0] =	vst.idx.msk $0xffff, v10;
	v55 =	vld [tilespmem:$0x1FFD0]  }
0x189: {  	v44 =	vor.u32 v63, v59;
	[tilespmem:v56+s19+$0x0] =	vst.idx.msk $0xffff, v12  }
0x18a: {  	v48 =	vor.u32 v34, v37;
	v58 =	vor.u32 v34, v50;
	v34 =	vand.u32 $0x3C8, v44;
	[tilespmem:v51+s19+$0x0] =	vst.idx.msk $0xffff, v57;
	v57 =	vld [tilespmem:$0x1FFE0]  }
0x18b: {  	v6 =	vor.u32 v34, v3;
	v11 =	vor.u32 v60, v59  }
0x18c: {  	v8 =	vor.u32 v34, v14;
	v35 =	vand.u32 $0x3D8, v11  }
0x18d: {  	v44 =	vor.u32 v36, v37;
	v62 =	vor.u32 v35, v3;
	v11 =	vor.u32 v55, v59  }
0x18e: {  	v49 =	vor.u32 v36, v50;
	v12 =	vor.u32 v35, v14;
	v36 =	vand.u32 $0x3E8, v11  }
0x18f: {  	v11 =	vor.u32 v36, v3;
	v59 =	vor.u32 v57, v59  }
0x190: {  	v51 =	vor.u32 v38, v37;
	[tilespmem:v6+s19+$0x0] =	vst.idx.msk $0xffff, v4;
	v60 =	vor.u32 v36, v14;
	v37 =	vand.u32 $0x3F8, v59  }
0x191: {  	v38 =	vor.u32 v38, v50;
	v6 =	vor.u32 $0x10, v53;
	[tilespmem:v8+s19+$0x0] =	vst.idx.msk $0xffff, v7;
	v3 =	vor.u32 v37, v3  }
0x192: {  	v53 =	vadd.s32 v40, v6;
	[tilespmem:v62+s19+$0x0] =	vst.idx.msk $0xffff, v61;
	v62 =	vor.u32 v37, v14  }
0x193: {  	v54 =	vor.u32 v25, v53;
	[tilespmem:v12+s19+$0x0] =	vst.idx.msk $0xffff, v9;
	v14 =	vadd.s32 v42, v6  }
0x194: {  	v42 =	vadd.s32 v41, v6;
	v8 =	vor.u32 v25, v14;
	v14 =	vld [tilespmem:$0x1FDB0];
	[tilespmem:v11+s19+$0x0] =	vst.idx.msk $0xffff, v5  }
0x195: {  	v57 =	vadd.s32 v28, v6;
	v50 =	vor.u32 v25, v42;
	[tilespmem:v60+s19+$0x0] =	vst.idx.msk $0xffff, v0;
	v60 =	vld [tilespmem:$0x1FD90]  }
0x196: {  	v55 =	vadd.s32 v39, v6;
	[tilespmem:v3+s19+$0x0] =	vst.idx.msk $0xffff, v2;
	v3 =	vor.u32 v25, v57;
	v57 =	vld [tilespmem:$0x1FDD0]  }
0x197: {  	v56 =	vor.u32 v25, v55;
	v59 =	vadd.s32 v20, v6;
	[tilespmem:v62+s19+$0x0] =	vst.idx.msk $0xffff, v13;
	v62 =	vld [tilespmem:$0x1FDA0]  }
0x198: {  	v4 =	vor.u32 v25, v59;
	v13 =	vadd.s32 v22, v6;
	v22 =	vld [tilespmem:$0x1FDC0]  }
0x199: {  	v61 =	vadd.s32 v21, v6;
	v21 =	vadd.s32 v23, v6;
	v39 =	vld.idx.msk [tilespmem:v8+s2+$0x0], $0xffff  }
0x19a: {  	v12 =	vor.u32 v25, v61;
	v23 =	vor.u32 v25, v21;
	v40 =	vld.idx.msk [tilespmem:v50+s18+$0x0], $0xffff  }
0x19b: {  	v61 =	vadd.s32 v16, v6;
	v59 =	vadd.s32 v15, v6;
	v41 =	vld.idx.msk [tilespmem:v54+s2+$0x0], $0xffff;
	v20 =	vor.u32 v25, v13  }
0x19c: {  	p0 =	slt.u32 s31, $0xE;
	v42 =	vld.idx.msk [tilespmem:v56+s18+$0x0], $0xffff;
	v56 =	vadd.s32 v24, v6;
	v24 =	vmov v43;
	[tilespmem:v45+s19+$0x0] =	vst.idx.msk $0xffff, v60  }
.Ltmp4:
0x19d: {  	v50 =	vor.u32 v25, v59;
	v54 =	vor.u32 v25, v56;
	v45 =	vld.idx.msk [tilespmem:v4+s18+$0x0], $0xffff;
	[tilespmem:v46+s19+$0x0] =	vst.idx.msk $0xffff, v62;
	(pc) =	sbr.rel @p0 .LBB2_7-.Ltmp4, $4  }
0x19e: {  	v56 =	vadd.s32 $0x1C00, v52;
	v60 =	vadd.s32 $0xC00, v52;
	v52 =	vor.u32 v25, v61;
	v43 =	vld.idx.msk [tilespmem:v3+s2+$0x0], $0xffff;
	[tilespmem:v47+s19+$0x0] =	vst.idx.msk $0xffff, v14  }
0x19f: {  	v59 =	vand.u32 $0x1C00, v60;
	v46 =	vld.idx.msk [tilespmem:v12+s2+$0x0], $0xffff;
	v62 =	vadd.s32 v18, v6;
	[tilespmem:v48+s19+$0x0] =	vst.idx.msk $0xffff, v22  }
0x1a0: {  	v47 =	vld.idx.msk [tilespmem:v20+s18+$0x0], $0xffff;
	v55 =	vor.u32 v25, v62;
	[tilespmem:v58+s19+$0x0] =	vst.idx.msk $0xffff, v57;
	v58 =	vadd.s32 v1, v6  }
0x1a1: {  	s31 =	sadd.s32 $0x2, s31;
	v48 =	vld.idx.msk [tilespmem:v23+s2+$0x0], $0xffff;
	v57 =	vadd.s32 v19, v6;
	v53 =	vor.u32 v25, v58;
	v58 =	vadd.s32 v17, v6  }
0x1a2: {  	v1 =	vld [tilespmem:$0x1FFF0];
	_ =	sdelay $0x4  }
0x1a3: {  	v0 =	vld.idx.msk [tilespmem:v54+s18+$0x0], $0xffff;
	v2 =	vor.u32 v25, v58;
	v4 =	vand.u32 $0x3C00, v56;
	v3 =	vor.u32 v1, v59  }
0x1a4: {  	v5 =	vld.idx.msk [tilespmem:v53+s2+$0x0], $0xffff;
	v6 =	vor.u32 v25, v57;
	v4 =	vor.u32 v1, v4;
	v7 =	vor.u32 v30, v3  }
0x1a5: {  	v8 =	vld.idx.msk [tilespmem:v50+s18+$0x0], $0xffff;
	[tilespmem:v44+s19+$0x0] =	vst.idx.msk $0xffff, v24;
	v9 =	vor.u32 v30, v4  }
0x1a6: {  	v10 =	vld.idx.msk [tilespmem:v52+s2+$0x0], $0xffff;
	[tilespmem:v49+s19+$0x0] =	vst.idx.msk $0xffff, v26;
	v11 =	vor.u32 v31, v3  }
0x1a7: {  	v12 =	vld.idx.msk [tilespmem:v55+s18+$0x0], $0xffff;
	[tilespmem:v51+s19+$0x0] =	vst.idx.msk $0xffff, v27;
	v13 =	vor.u32 v31, v4  }
0x1a8: {  	[tilespmem:v38+s19+$0x0] =	vst.idx.msk $0xffff, v29;
	v2 =	vld.idx.msk [tilespmem:v2+s2+$0x0], $0xffff;
	v14 =	vor.u32 v32, v3  }
0x1a9: {  	v6 =	vld.idx.msk [tilespmem:v6+s18+$0x0], $0xffff;
	[tilespmem:v7+s19+$0x0] =	vst.idx.msk $0xffff, v39;
	v39 =	vor.u32 v32, v4  }
0x1aa: {  	v44 =	vor.u32 v33, v3;
	[tilespmem:v9+s19+$0x0] =	vst.idx.msk $0xffff, v40  }
0x1ab: {  	v49 =	vor.u32 v33, v4;
	[tilespmem:v11+s19+$0x0] =	vst.idx.msk $0xffff, v41  }
0x1ac: {  	v50 =	vor.u32 v34, v3;
	[tilespmem:v13+s19+$0x0] =	vst.idx.msk $0xffff, v42  }
0x1ad: {  	v51 =	vor.u32 v34, v4;
	[tilespmem:v14+s19+$0x0] =	vst.idx.msk $0xffff, v43  }
0x1ae: {  	v52 =	vor.u32 v35, v3;
	[tilespmem:v39+s19+$0x0] =	vst.idx.msk $0xffff, v45  }
0x1af: {  	v53 =	vor.u32 v35, v4;
	[tilespmem:v44+s19+$0x0] =	vst.idx.msk $0xffff, v46  }
0x1b0: {  	v54 =	vor.u32 v36, v3;
	[tilespmem:v49+s19+$0x0] =	vst.idx.msk $0xffff, v47  }
0x1b1: {  	v55 =	vor.u32 v36, v4;
	[tilespmem:v50+s19+$0x0] =	vst.idx.msk $0xffff, v48  }
0x1b2: {  	v56 =	vor.u32 v37, v3;
	[tilespmem:v51+s19+$0x0] =	vst.idx.msk $0xffff, v0  }
0x1b3: {  	s1 =	sshrl.u32 s30, $0x7;
	v57 =	vor.u32 v37, v4;
	[tilespmem:v52+s19+$0x0] =	vst.idx.msk $0xffff, v5  }
0x1b4: {  	s31 =	sshll.u32 s30, $0xA;
	s1 =	smul.u32 $0x120000, s1;
	[tilespmem:v53+s19+$0x0] =	vst.idx.msk $0xffff, v8  }
0x1b5: {  	s31 =	sand.u32 $0x1F800, s31;
	[tilespmem:v54+s19+$0x0] =	vst.idx.msk $0xffff, v10  }
0x1b6: {  	s1 =	sor.u32 s31, s1;
	[tilespmem:v55+s19+$0x0] =	vst.idx.msk $0xffff, v12  }
0x1b7: {  	p0 =	seq.s32 s29, $0x63;
	s31 =	sshrl.u32 s1, $0x3;
	[tilespmem:v56+s19+$0x0] =	vst.idx.msk $0xffff, v2  }
0x1b8: {  	p1 =	seq.s32 @!p0 s29, $0x0;
	s1 =	sadd.s32 s5, s31;
	[tilespmem:v57+s19+$0x0] =	vst.idx.msk $0xffff, v6  }
0x1b9: {  	[hbm4b:s1+s20] =	stream.strided.scatter [tilespmem:s19], [sflag:$0x3], $0x2400, s21, s20, $0x38;
	[tilespmem:$0x19A20] =	vst v63  }
0x1ba: {  	s0 =	simm.s32 @!p0 $0x80;
	s15 =	simm.s32 @!p0 $0xC8000;
	s1 =	sshll.u32 @!p0 s30, $0x4  }
0x1bb: {  	s8 =	simm.s32 @!p0 $0x14820;
	p1 =	por p0, !p1;
	s1 =	sadd.s32 @!p0 s10, s1  }
0x1bc: {  	[tilespmem:s8], [sflag:$0x1] =	stream.strided.gather @!p0 [hbm4b:s1+s0], $0x500, s15, s0, $0x38;
	[tilespmem:$0x19A20] =	vst v63  }
0x1bd: {  	_ =	swait.ge @p1 [sflag:s25], $0x2400  }
0x1be: {  	[sflag:s25] =	ssyncset.done @p1 $0x0  }
0x1bf: {  	[sflag:s25] =	ssyncadd.s32 @p1 $0xFFFFDC00  }
0x1c0: {  	_ =	swait.ge [sflag:s22], $0x500  }
0x1c1: {  	[sflag:s22] =	ssyncset.done $0x0  }
0x1c2: {  	[sflag:s22] =	ssyncadd.s32 $0xFFFFFB00  }
0x1c3: {  	v58 =	vld [tilespmem:$0x14D20]  }
0x1c4: {  	v59 =	vld [tilespmem:$0x14DA0]  }
0x1c5: {  	v60 =	vld [tilespmem:$0x14E20]  }
0x1c6: {  	v61 =	vld [tilespmem:$0x14EA0]  }
0x1c7: {  	v62 =	vld [tilespmem:$0x14F20]  }
0x1c8: {  	v32 =	vld [tilespmem:$0x14FA0]  }
0x1c9: {  	v33 =	vld [tilespmem:$0x15020]  }
0x1ca: {  	v34 =	vld [tilespmem:$0x150A0]  }
0x1cb: {  	v35 =	vld [tilespmem:$0x14D30]  }
0x1cc: {  	v36 =	vld [tilespmem:$0x14DB0]  }
0x1cd: {  	v37 =	vld [tilespmem:$0x14E30]  }
0x1ce: {  	v38 =	vld [tilespmem:$0x14EB0]  }
0x1cf: {  	v39 =	vld [tilespmem:$0x14F30]  }
0x1d0: {  	v40 =	vld [tilespmem:$0x14FB0]  }
0x1d1: {  	v15 =	vld [tilespmem:$0x15030]  }
0x1d2: {  	v16 =	vld [tilespmem:$0x150B0]  }
0x1d3: {  	v17 =	vld [tilespmem:$0x14D40]  }
0x1d4: {  	v18 =	vld [tilespmem:$0x14DC0]  }
0x1d5: {  	v19 =	vld [tilespmem:$0x14E40]  }
0x1d6: {  	v20 =	vld [tilespmem:$0x14EC0]  }
0x1d7: {  	v21 =	vld [tilespmem:$0x14F40]  }
0x1d8: {  	v41 =	vld [tilespmem:$0x14FC0];
	[tilespmem:$0x17620] =	vst v58  }
0x1d9: {  	v42 =	vld [tilespmem:$0x15040];
	[tilespmem:$0x176A0] =	vst v59  }
0x1da: {  	v43 =	vld [tilespmem:$0x150C0];
	[tilespmem:$0x17720] =	vst v60  }
0x1db: {  	v44 =	vld [tilespmem:$0x14D50];
	[tilespmem:$0x177A0] =	vst v61  }
0x1dc: {  	v45 =	vld [tilespmem:$0x14DD0];
	[tilespmem:$0x17820] =	vst v62  }
0x1dd: {  	v46 =	vld [tilespmem:$0x14E50];
	[tilespmem:$0x178A0] =	vst v32  }
0x1de: {  	v47 =	vld [tilespmem:$0x14ED0];
	[tilespmem:$0x17920] =	vst v33  }
0x1df: {  	v48 =	vld [tilespmem:$0x14F50];
	[tilespmem:$0x179A0] =	vst v34  }
0x1e0: {  	v49 =	vld [tilespmem:$0x14FD0];
	[tilespmem:$0x17630] =	vst v35  }
0x1e1: {  	v50 =	vld [tilespmem:$0x15050];
	[tilespmem:$0x176B0] =	vst v36  }
0x1e2: {  	v51 =	vld [tilespmem:$0x150D0];
	[tilespmem:$0x17730] =	vst v37  }
0x1e3: {  	v52 =	vld [tilespmem:$0x14D60];
	[tilespmem:$0x177B0] =	vst v38  }
0x1e4: {  	v53 =	vld [tilespmem:$0x14DE0];
	[tilespmem:$0x17830] =	vst v39  }
0x1e5: {  	v54 =	vld [tilespmem:$0x14E60];
	[tilespmem:$0x178B0] =	vst v40  }
0x1e6: {  	v56 =	vld [tilespmem:$0x14EE0];
	[tilespmem:$0x17930] =	vst v15  }
0x1e7: {  	v57 =	vld [tilespmem:$0x14F60];
	[tilespmem:$0x179B0] =	vst v16  }
0x1e8: {  	v55 =	vmov v1;
	v1 =	vld [tilespmem:$0x151F0];
	[tilespmem:$0x17640] =	vst v17  }
0x1e9: {  	v22 =	vld [tilespmem:$0x14D90];
	[tilespmem:$0x176C0] =	vst v18  }
0x1ea: {  	v12 =	vld [tilespmem:$0x15110];
	[tilespmem:$0x17740] =	vst v19  }
0x1eb: {  	v58 =	vld [tilespmem:$0x14FE0];
	[tilespmem:$0x177C0] =	vst v20  }
0x1ec: {  	v59 =	vld [tilespmem:$0x15060];
	[tilespmem:$0x17840] =	vst v21  }
0x1ed: {  	v60 =	vld [tilespmem:$0x150E0];
	[tilespmem:$0x178C0] =	vst v41  }
0x1ee: {  	v61 =	vld [tilespmem:$0x14D70];
	[tilespmem:$0x17940] =	vst v42  }
0x1ef: {  	v62 =	vld [tilespmem:$0x14DF0];
	[tilespmem:$0x179C0] =	vst v43  }
0x1f0: {  	v32 =	vld [tilespmem:$0x14E70];
	[tilespmem:$0x17650] =	vst v44  }
0x1f1: {  	v33 =	vld [tilespmem:$0x14EF0];
	[tilespmem:$0x176D0] =	vst v45  }
0x1f2: {  	v34 =	vld [tilespmem:$0x14F70];
	[tilespmem:$0x17750] =	vst v46  }
0x1f3: {  	v35 =	vld [tilespmem:$0x14FF0];
	[tilespmem:$0x177D0] =	vst v47  }
0x1f4: {  	v36 =	vld [tilespmem:$0x15070];
	[tilespmem:$0x17850] =	vst v48  }
0x1f5: {  	v37 =	vld [tilespmem:$0x150F0];
	[tilespmem:$0x178D0] =	vst v49  }
0x1f6: {  	v38 =	vld [tilespmem:$0x14D80];
	[tilespmem:$0x17950] =	vst v50  }
0x1f7: {  	v39 =	vld [tilespmem:$0x14E00];
	[tilespmem:$0x179D0] =	vst v51  }
0x1f8: {  	[tilespmem:$0x17660] =	vst v52;
	v44 =	vld [tilespmem:$0x15120]  }
0x1f9: {  	[tilespmem:$0x176E0] =	vst v53;
	v45 =	vld [tilespmem:$0x15130]  }
0x1fa: {  	[tilespmem:$0x17760] =	vst v54;
	v46 =	vld [tilespmem:$0x15140]  }
0x1fb: {  	[tilespmem:$0x177E0] =	vst v56;
	v47 =	vld [tilespmem:$0x15150]  }
0x1fc: {  	[tilespmem:$0x17860] =	vst v57;
	v48 =	vld [tilespmem:$0x15160]  }
0x1fd: {  	v49 =	vld [tilespmem:$0x15170];
	[tilespmem:$0x17690] =	vst v22  }
0x1fe: {  	v50 =	vld [tilespmem:$0x15180];
	[tilespmem:$0x17A10] =	vst v12  }
0x1ff: {  	v51 =	vld [tilespmem:$0x15190];
	v19 =	vtrunc.f32 v1;
	[tilespmem:$0x178E0] =	vst v58  }
0x200: {  	v52 =	vld [tilespmem:$0x151A0];
	v24 =	vcvt.f32.s32 v19;
	[tilespmem:$0x17960] =	vst v59  }
0x201: {  	v40 =	vld [tilespmem:$0x14E80];
	[tilespmem:$0x179E0] =	vst v60;
	v13 =	vtrunc.f32 v44;
	v14 =	vtrunc.f32 v45  }
0x202: {  	v41 =	vld [tilespmem:$0x14F00];
	[tilespmem:$0x17670] =	vst v61;
	v15 =	vtrunc.f32 v46;
	v16 =	vtrunc.f32 v47  }
0x203: {  	v42 =	vld [tilespmem:$0x14F80];
	[tilespmem:$0x176F0] =	vst v62;
	v56 =	vtrunc.f32 v48;
	v57 =	vtrunc.f32 v49  }
0x204: {  	v54 =	vld [tilespmem:$0x151B0];
	[tilespmem:$0x17770] =	vst v32;
	v60 =	vtrunc.f32 v50;
	v61 =	vtrunc.f32 v51  }
0x205: {  	v43 =	vld [tilespmem:$0x15000];
	[tilespmem:$0x177F0] =	vst v33;
	v32 =	vtrunc.f32 v52;
	v13 =	vcvt.f32.s32 v13  }
0x206: {  	v58 =	vld [tilespmem:$0x151C0];
	[tilespmem:$0x17870] =	vst v34;
	v14 =	vcvt.f32.s32 v14;
	v53 =	vcvt.f32.s32 v15  }
0x207: {  	v59 =	vld [tilespmem:$0x151D0];
	[tilespmem:$0x178F0] =	vst v35;
	v15 =	vcvt.f32.s32 v16;
	v2 =	vcvt.f32.s32 v56  }
0x208: {  	v62 =	vld [tilespmem:$0x151E0];
	[tilespmem:$0x17970] =	vst v36;
	v3 =	vcvt.f32.s32 v57;
	v4 =	vcvt.f32.s32 v60  }
0x209: {  	v20 =	vmul.u32 $0x28, v24;
	[tilespmem:$0x179F0] =	vst v37;
	v33 =	vld [tilespmem:$0x15200];
	v16 =	vtrunc.f32 v54;
	v6 =	vcvt.f32.s32 v32  }
0x20a: {  	[tilespmem:$0x17680] =	vst v38;
	v35 =	vld [tilespmem:$0x15210];
	v5 =	vcvt.f32.s32 v61;
	v34 =	vcvt.f32.s32 v16;
	v13 =	vmul.u32 $0x28, v13  }
0x20b: {  	[tilespmem:$0x17700] =	vst v39;
	v36 =	vld [tilespmem:$0x15080];
	v16 =	vmul.u32 $0x28, v6;
	v46 =	vmul.u32 $0x28, v14;
	v47 =	vmul.u32 $0x28, v53  }
0x20c: {  	[tilespmem:$0x17780] =	vst v40;
	v37 =	vld [tilespmem:$0x15100];
	v15 =	vmul.u32 $0x28, v15;
	v19 =	vmul.u32 $0x28, v2;
	v50 =	vmul.u32 $0x28, v3  }
0x20d: {  	[tilespmem:$0x17800] =	vst v41;
	v39 =	vld [tilespmem:$0x14E10];
	v21 =	vmul.u32 $0x28, v4;
	v18 =	vtrunc.f32 v58;
	v17 =	vtrunc.f32 v59  }
0x20e: {  	[tilespmem:$0x17880] =	vst v42;
	v40 =	vld [tilespmem:$0x14E90];
	v48 =	vmul.u32 $0x28, v34;
	v38 =	vtrunc.f32 v62;
	v41 =	vtrunc.f32 v33  }
0x20f: {  	s8 =	simm.s32 $0x0;
	[tilespmem:$0x17900] =	vst v43;
	v43 =	vld [tilespmem:$0x14F10];
	v42 =	vtrunc.f32 v35;
	v58 =	vlaneseq.u32;
	v18 =	vcvt.f32.s32 v18  }
0x210: {  	v54 =	vld [tilespmem:$0x14F90];
	[tilespmem:$0x17980] =	vst v36;
	v17 =	vcvt.f32.s32 v17;
	v23 =	vcvt.f32.s32 v38;
	v61 =	vadd.s32 s8, v58  }
0x211: {  	v60 =	vld [tilespmem:$0x15010];
	[tilespmem:$0x17A00] =	vst v37;
	v26 =	vcvt.f32.s32 v41;
	v27 =	vcvt.f32.s32 v42;
	v28 =	vand.u32 $0x8, v61  }
0x212: {  	[tilespmem:$0x17710] =	vst v39;
	v62 =	vld [tilespmem:$0x15090];
	v25 =	vand.u32 $0x7, v61;
	v0 =	vshll.u32 v61, $0x7;
	v14 =	vadd.s32 v13, v28  }
0x213: {  	[tilespmem:$0x17790] =	vst v40;
	v51 =	vmul.u32 $0x28, v18;
	v32 =	vadd.s32 v16, v28;
	v33 =	vor.u32 v25, v14  }
0x214: {  	[tilespmem:$0x17810] =	vst v43;
	v17 =	vmul.u32 $0x28, v17;
	v34 =	vadd.s32 v46, v28;
	v2 =	vor.u32 v25, v32  }
0x215: {  	v9 =	vld [tilespmem:$0x1FFA0];
	[tilespmem:$0x17890] =	vst v54;
	v18 =	vmul.u32 $0x28, v23;
	v35 =	vadd.s32 v48, v28;
	v36 =	vor.u32 v25, v34  }
0x216: {  	v1 =	vld [tilespmem:$0x1FF90];
	[tilespmem:$0x17910] =	vst v60;
	v37 =	vadd.s32 v47, v28;
	v22 =	vmul.u32 $0x28, v26;
	v3 =	vor.u32 v25, v35  }
0x217: {  	v24 =	vadd.s32 v15, v28;
	v23 =	vmul.u32 $0x28, v5;
	v38 =	vor.u32 v25, v37;
	v14 =	vld [tilespmem:$0x1FF80];
	[tilespmem:$0x17990] =	vst v62  }
0x218: {  	v30 =	vor.u32 v58, v0;
	v31 =	vadd.s32 v50, v28;
	v40 =	vor.u32 v25, v24;
	v8 =	vld.idx.msk [tilespmem:v33+s2+$0x0], $0xffff  }
0x219: {  	v41 =	vadd.s32 v20, v28;
	v42 =	vadd.s32 v21, v28;
	v31 =	vor.u32 v25, v31;
	v2 =	vld.idx.msk [tilespmem:v2+s18+$0x0], $0xffff  }
0x21a: {  	v24 =	vmul.u32 $0x28, v27;
	v27 =	vadd.s32 v19, v28;
	v34 =	vor.u32 v25, v42;
	v6 =	vld.idx.msk [tilespmem:v36+s2+$0x0], $0xffff  }
0x21b: {  	v32 =	vand.u32 $0x780, v0;
	v39 =	vadd.s32 v51, v28;
	v27 =	vor.u32 v25, v27;
	v3 =	vld.idx.msk [tilespmem:v3+s18+$0x0], $0xffff  }
0x21c: {  	v30 =	vand.u32 $0x388, v30;
	v26 =	vadd.s32 v17, v28;
	v7 =	vor.u32 v25, v39;
	v4 =	vld.idx.msk [tilespmem:v38+s2+$0x0], $0xffff  }
0x21d: {  	v29 =	vadd.s32 v18, v28;
	v43 =	vadd.s32 v22, v28;
	v26 =	vor.u32 v25, v26;
	v5 =	vld.idx.msk [tilespmem:v40+s2+$0x0], $0xffff  }
0x21e: {  	v44 =	vadd.s32 v23, v28;
	v49 =	vadd.s32 $0x400, v32;
	v29 =	vor.u32 v25, v29;
	v31 =	vld.idx.msk [tilespmem:v31+s2+$0x0], $0xffff  }
0x21f: {  	v52 =	vadd.s32 $0x1400, v32;
	v45 =	vadd.s32 v24, v28;
	v35 =	vor.u32 v25, v43;
	v34 =	vld.idx.msk [tilespmem:v34+s2+$0x0], $0xffff  }
0x220: {  	v53 =	vand.u32 $0x1C00, v52;
	v37 =	vor.u32 v25, v45;
	v38 =	vand.u32 $0xC00, v49;
	v27 =	vld.idx.msk [tilespmem:v27+s2+$0x0], $0xffff  }
0x221: {  	v33 =	vor.u32 v25, v41;
	v36 =	vor.u32 v25, v44;
	v43 =	vor.u32 v55, v38;
	v7 =	vld.idx.msk [tilespmem:v7+s18+$0x0], $0xffff  }
0x222: {  	v54 =	vor.u32 v14, v0;
	v44 =	vor.u32 v55, v53;
	v26 =	vld.idx.msk [tilespmem:v26+s18+$0x0], $0xffff;
	v56 =	vor.u32 v30, v43  }
0x223: {  	v57 =	vor.u32 v30, v44;
	v49 =	vand.u32 $0x398, v54;
	v29 =	vld.idx.msk [tilespmem:v29+s18+$0x0], $0xffff  }
0x224: {  	v39 =	vor.u32 v49, v43;
	v35 =	vld.idx.msk [tilespmem:v35+s18+$0x0], $0xffff  }
0x225: {  	v59 =	vor.u32 v1, v0;
	v60 =	vor.u32 v49, v44;
	v37 =	vld.idx.msk [tilespmem:v37+s18+$0x0], $0xffff  }
0x226: {  	v52 =	vand.u32 $0x3A8, v59;
	v33 =	vld.idx.msk [tilespmem:v33+s18+$0x0], $0xffff  }
0x227: {  	v61 =	vor.u32 v52, v43;
	v36 =	vld.idx.msk [tilespmem:v36+s2+$0x0], $0xffff;
	[tilespmem:v56+s23+$0x0] =	vst.idx.msk $0xffff, v8  }
0x228: {  	v12 =	vor.u32 v52, v44;
	[tilespmem:v57+s23+$0x0] =	vst.idx.msk $0xffff, v2  }
0x229: {  	v62 =	vor.u32 v9, v0;
	[tilespmem:v39+s23+$0x0] =	vst.idx.msk $0xffff, v6  }
0x22a: {  	v38 =	vand.u32 $0x3B8, v62;
	[tilespmem:v60+s23+$0x0] =	vst.idx.msk $0xffff, v3  }
0x22b: {  	v53 =	vor.u32 v38, v43;
	v10 =	vld [tilespmem:$0x1FFC0]  }
0x22c: {  	[tilespmem:v61+s23+$0x0] =	vst.idx.msk $0xffff, v4  }
0x22d: {  	[tilespmem:v12+s23+$0x0] =	vst.idx.msk $0xffff, v7  }
0x22e: {  	v54 =	vor.u32 v63, v0;
	v11 =	vld [tilespmem:$0x1FFD0]  }
0x22f: {  	v40 =	vand.u32 $0x3C8, v54;
	v56 =	vor.u32 v38, v44  }
0x230: {  	v57 =	vor.u32 v40, v43;
	[tilespmem:v53+s23+$0x0] =	vst.idx.msk $0xffff, v5;
	v59 =	vor.u32 v10, v0  }
0x231: {  	v60 =	vor.u32 v40, v44;
	v12 =	vld [tilespmem:$0x1FFE0];
	v42 =	vand.u32 $0x3D8, v59  }
0x232: {  	v61 =	vor.u32 v42, v43  }
0x233: {  	v62 =	vor.u32 v11, v0;
	v63 =	vor.u32 v42, v44  }
0x234: {  	[tilespmem:v56+s23+$0x0] =	vst.idx.msk $0xffff, v26;
	v41 =	vand.u32 $0x3E8, v62  }
0x235: {  	[tilespmem:v57+s23+$0x0] =	vst.idx.msk $0xffff, v27;
	v45 =	vor.u32 v41, v43  }
0x236: {  	[tilespmem:v60+s23+$0x0] =	vst.idx.msk $0xffff, v29;
	v0 =	vor.u32 v12, v0;
	v56 =	vor.u32 v41, v44  }
0x237: {  	v39 =	vand.u32 $0x3F8, v0;
	[tilespmem:v61+s23+$0x0] =	vst.idx.msk $0xffff, v31  }
0x238: {  	v57 =	vor.u32 v39, v43;
	[tilespmem:v63+s23+$0x0] =	vst.idx.msk $0xffff, v33  }
0x239: {  	v0 =	vor.u32 $0x10, v28;
	[tilespmem:$0x1FC60] =	vst v46  }
0x23a: {  	v59 =	vadd.s32 v13, v0;
	v60 =	vor.u32 v39, v44;
	[tilespmem:v45+s23+$0x0] =	vst.idx.msk $0xffff, v34  }
0x23b: {  	v62 =	vor.u32 v25, v59;
	v61 =	vadd.s32 v16, v0;
	[tilespmem:v56+s23+$0x0] =	vst.idx.msk $0xffff, v35  }
0x23c: {  	v63 =	vadd.s32 v46, v0;
	v33 =	vor.u32 v25, v61;
	[tilespmem:$0x1FC80] =	vst v47  }
0x23d: {  	v43 =	vor.u32 v25, v63;
	v34 =	vadd.s32 v48, v0;
	[tilespmem:v57+s23+$0x0] =	vst.idx.msk $0xffff, v36  }
0x23e: {  	v26 =	vadd.s32 v17, v0;
	v45 =	vor.u32 v25, v34;
	[tilespmem:$0x1FC90] =	vst v51  }
0x23f: {  	v26 =	vor.u32 v25, v26;
	[tilespmem:v60+s23+$0x0] =	vst.idx.msk $0xffff, v37  }
0x240: {  	v2 =	vld.idx.msk [tilespmem:v62+s2+$0x0], $0xffff  }
0x241: {  	v54 =	vmov v47;
	v53 =	vmov v46;
	v44 =	vadd.s32 v47, v0;
	v5 =	vld.idx.msk [tilespmem:v33+s18+$0x0], $0xffff  }
0x242: {  	v6 =	vor.u32 v25, v44;
	v46 =	vadd.s32 v51, v0;
	v47 =	vadd.s32 v15, v0;
	v43 =	vld.idx.msk [tilespmem:v43+s2+$0x0], $0xffff  }
0x243: {  	v8 =	vor.u32 v25, v46;
	v7 =	vor.u32 v25, v47;
	v47 =	vld.idx.msk [tilespmem:v45+s18+$0x0], $0xffff;
	[tilespmem:$0x1FD30] =	vst v50  }
0x244: {  	v28 =	vadd.s32 v19, v0;
	v62 =	vld.idx.msk [tilespmem:v26+s18+$0x0], $0xffff  }
0x245: {  	v28 =	vor.u32 v25, v28;
	_ =	sdelay $0x1  }
0x246: {  	v46 =	vld.idx.msk [tilespmem:v6+s2+$0x0], $0xffff  }
0x247: {  	v8 =	vld.idx.msk [tilespmem:v8+s18+$0x0], $0xffff  }
0x248: {  	v45 =	vld.idx.msk [tilespmem:v7+s2+$0x0], $0xffff;
	[tilespmem:$0x1FCA0] =	vst v62  }
0x249: {  	v31 =	vadd.s32 v18, v0;
	v3 =	vld.idx.msk [tilespmem:v28+s2+$0x0], $0xffff  }
0x24a: {  	v31 =	vor.u32 v25, v31;
	_ =	sdelay $0x3  }
0x24b: {  	[tilespmem:$0x1FCC0] =	vst v3  }
0x24c: {  	v56 =	vmov v51;
	v51 =	vadd.s32 v50, v0;
	v3 =	vld.idx.msk [tilespmem:v31+s18+$0x0], $0xffff  }
0x24d: {  	v27 =	vadd.s32 $0xC00, v32;
	v29 =	vadd.s32 $0x1C00, v32;
	v32 =	vor.u32 v25, v51;
	_ =	sdelay $0x3  }
0x24e: {  	[tilespmem:$0x1FCE0] =	vst v3  }
0x24f: {  	v57 =	vadd.s32 v20, v0;
	v3 =	vld.idx.msk [tilespmem:v32+s2+$0x0], $0xffff  }
0x250: {  	v33 =	vor.u32 v25, v57;
	_ =	sdelay $0x3  }
0x251: {  	[tilespmem:$0x1FD00] =	vst v3  }
0x252: {  	v59 =	vadd.s32 v21, v0;
	v3 =	vld.idx.msk [tilespmem:v33+s18+$0x0], $0xffff  }
0x253: {  	v34 =	vor.u32 v25, v59;
	_ =	sdelay $0x2  }
0x254: {  	v27 =	vand.u32 $0x1C00, v27;
	v29 =	vand.u32 $0x3C00, v29;
	v61 =	vadd.s32 v23, v0  }
0x255: {  	s15 =	simm.s32 $0x1;
	v36 =	vor.u32 v25, v61;
	v60 =	vadd.s32 v22, v0;
	v0 =	vadd.s32 v24, v0;
	[tilespmem:$0x1FD20] =	vst v3  }
0x256: {  	v37 =	vadd.s32 s15, v58;
	v51 =	vor.u32 v55, v27;
	v35 =	vor.u32 v25, v60;
	v3 =	vld.idx.msk [tilespmem:v34+s2+$0x0], $0xffff  }
0x257: {  	v4 =	vmovc v50;
	v50 =	vor.u32 v55, v29;
	v44 =	vand.u32 $0x8, v37;
	v0 =	vor.u32 v25, v0  }
0x258: {  	v25 =	vand.u32 $0x7, v37;
	v37 =	vshll.u32 v37, $0x7;
	v26 =	vadd.s32 v13, v44  }
0x259: {  	v27 =	vadd.s32 v16, v44;
	v29 =	vadd.s32 v48, v44;
	v59 =	vadd.s32 v54, v44  }
0x25a: {  	v54 =	vor.u32 v52, v51;
	v52 =	vor.u32 v52, v50;
	v63 =	vor.u32 v25, v26  }
0x25b: {  	v61 =	vadd.s32 v17, v44;
	v6 =	vor.u32 v25, v27;
	v31 =	vor.u32 v30, v51;
	[tilespmem:$0x1FC30] =	vst v3  }
0x25c: {  	v58 =	vor.u32 v58, v37;
	v60 =	vor.u32 v25, v59;
	v28 =	vadd.s32 v53, v44;
	v27 =	vld.idx.msk [tilespmem:v35+s18+$0x0], $0xffff  }
0x25d: {  	v62 =	vadd.s32 v56, v44;
	v56 =	vor.u32 v38, v51;
	v7 =	vor.u32 v25, v28;
	v28 =	vld.idx.msk [tilespmem:v36+s2+$0x0], $0xffff  }
0x25e: {  	v26 =	vmovc v55;
	v53 =	vand.u32 $0x780, v37;
	v32 =	vor.u32 v25, v62;
	v36 =	vor.u32 v25, v29;
	v29 =	vld.idx.msk [tilespmem:v0+s18+$0x0], $0xffff  }
0x25f: {  	v30 =	vor.u32 v30, v50;
	v62 =	vadd.s32 v19, v44;
	v34 =	vor.u32 v49, v51;
	v55 =	vld.idx.msk [tilespmem:v63+s2+$0x0], $0xffff  }
0x260: {  	v49 =	vor.u32 v49, v50;
	v57 =	vld.idx.msk [tilespmem:v6+s18+$0x0], $0xffff;
	[tilespmem:v31+s23+$0x0] =	vst.idx.msk $0xffff, v2;
	v31 =	vor.u32 v25, v61  }
0x261: {  	v63 =	vadd.s32 v15, v44;
	v35 =	vor.u32 v25, v62;
	v6 =	vld.idx.msk [tilespmem:v60+s2+$0x0], $0xffff;
	v60 =	vadd.s32 v4, v44  }
0x262: {  	v61 =	vadd.s32 v20, v44;
	v0 =	vadd.s32 $0x400, v53;
	v3 =	vor.u32 v25, v63  }
0x263: {  	v62 =	vld.idx.msk [tilespmem:v32+s18+$0x0], $0xffff;
	v63 =	vadd.s32 v18, v44;
	v32 =	vor.u32 v25, v60;
	v60 =	vadd.s32 v21, v44  }
0x264: {  	v7 =	vld.idx.msk [tilespmem:v7+s2+$0x0], $0xffff;
	v33 =	vor.u32 v25, v61;
	v61 =	vadd.s32 v23, v44;
	v59 =	vor.u32 v25, v63  }
0x265: {  	[tilespmem:v30+s23+$0x0] =	vst.idx.msk $0xffff, v5;
	v63 =	vadd.s32 v22, v44;
	v4 =	vld.idx.msk [tilespmem:v31+s18+$0x0], $0xffff;
	v31 =	vadd.s32 v24, v44  }
0x266: {  	v30 =	vand.u32 $0x388, v58;
	v58 =	vld.idx.msk [tilespmem:v35+s2+$0x0], $0xffff;
	v35 =	vor.u32 v25, v63;
	v63 =	vor.u32 v25, v31  }
0x267: {  	v2 =	vadd.s32 $0x1400, v53;
	v5 =	vand.u32 $0xC00, v0;
	v60 =	vor.u32 v25, v60;
	[tilespmem:v34+s23+$0x0] =	vst.idx.msk $0xffff, v43;
	v36 =	vld.idx.msk [tilespmem:v36+s18+$0x0], $0xffff  }
0x268: {  	v5 =	vor.u32 v26, v5;
	v34 =	vand.u32 $0x1C00, v2;
	[tilespmem:v49+s23+$0x0] =	vst.idx.msk $0xffff, v47;
	v3 =	vld.idx.msk [tilespmem:v3+s2+$0x0], $0xffff  }
0x269: {  	v0 =	vor.u32 v26, v34;
	[tilespmem:v54+s23+$0x0] =	vst.idx.msk $0xffff, v46;
	v54 =	vor.u32 v1, v37;
	v43 =	vld.idx.msk [tilespmem:v59+s18+$0x0], $0xffff  }
0x26a: {  	[tilespmem:v52+s23+$0x0] =	vst.idx.msk $0xffff, v8;
	v31 =	vor.u32 v14, v37;
	v59 =	vor.u32 v25, v61;
	v61 =	vld.idx.msk [tilespmem:v32+s2+$0x0], $0xffff  }
0x26b: {  	v14 =	vor.u32 v30, v5;
	[tilespmem:v56+s23+$0x0] =	vst.idx.msk $0xffff, v45;
	v32 =	vand.u32 $0x3A8, v54;
	v54 =	vld.idx.msk [tilespmem:v63+s18+$0x0], $0xffff  }
0x26c: {  	v34 =	vor.u32 v30, v0;
	v31 =	vand.u32 $0x398, v31;
	v63 =	vld [tilespmem:$0x1FFB0]  }
0x26d: {  	v2 =	vld.idx.msk [tilespmem:v33+s18+$0x0], $0xffff;
	v46 =	vor.u32 v31, v5  }
0x26e: {  	v8 =	vor.u32 v31, v0;
	v49 =	vld.idx.msk [tilespmem:v35+s18+$0x0], $0xffff  }
0x26f: {  	v35 =	vor.u32 v32, v5;
	v52 =	vld.idx.msk [tilespmem:v59+s2+$0x0], $0xffff;
	v59 =	vor.u32 v9, v37  }
0x270: {  	v47 =	vld.idx.msk [tilespmem:v60+s2+$0x0], $0xffff;
	v1 =	vor.u32 v32, v0;
	[tilespmem:v14+s23+$0x0] =	vst.idx.msk $0xffff, v55;
	v33 =	vand.u32 $0x3B8, v59  }
0x271: {  	[tilespmem:v34+s23+$0x0] =	vst.idx.msk $0xffff, v57;
	v45 =	vor.u32 v33, v5;
	v14 =	vor.u32 v63, v37  }
0x272: {  	[tilespmem:v46+s23+$0x0] =	vst.idx.msk $0xffff, v7;
	v56 =	vor.u32 v33, v0;
	v34 =	vand.u32 $0x3C8, v14  }
0x273: {  	v59 =	vor.u32 v10, v37;
	[tilespmem:v8+s23+$0x0] =	vst.idx.msk $0xffff, v36;
	v57 =	vor.u32 v34, v5  }
0x274: {  	[tilespmem:v35+s23+$0x0] =	vst.idx.msk $0xffff, v6;
	v35 =	vand.u32 $0x3D8, v59;
	v60 =	vor.u32 v34, v0  }
0x275: {  	v9 =	vor.u32 v11, v37;
	[tilespmem:v1+s23+$0x0] =	vst.idx.msk $0xffff, v62;
	v62 =	vor.u32 v35, v5  }
0x276: {  	v36 =	vand.u32 $0x3E8, v9;
	v10 =	vor.u32 v35, v0;
	[tilespmem:v45+s23+$0x0] =	vst.idx.msk $0xffff, v3  }
0x277: {  	v3 =	vor.u32 v36, v5;
	[tilespmem:v56+s23+$0x0] =	vst.idx.msk $0xffff, v4  }
0x278: {  	v11 =	vor.u32 v12, v37;
	v12 =	vor.u32 v36, v0;
	[tilespmem:v57+s23+$0x0] =	vst.idx.msk $0xffff, v58  }
0x279: {  	v37 =	vand.u32 $0x3F8, v11;
	[tilespmem:v60+s23+$0x0] =	vst.idx.msk $0xffff, v43  }
0x27a: {  	v4 =	vor.u32 v37, v5;
	[tilespmem:v62+s23+$0x0] =	vst.idx.msk $0xffff, v61  }
0x27b: {  	[tilespmem:v10+s23+$0x0] =	vst.idx.msk $0xffff, v2  }
0x27c: {  	v0 =	vor.u32 v37, v0;
	[tilespmem:v3+s23+$0x0] =	vst.idx.msk $0xffff, v47  }
0x27d: {  	[tilespmem:v12+s23+$0x0] =	vst.idx.msk $0xffff, v49  }
0x27e: {  	[tilespmem:$0x1FC40] =	vst v13  }
0x27f: {  	[tilespmem:v4+s23+$0x0] =	vst.idx.msk $0xffff, v52  }
0x280: {  	[tilespmem:$0x1FC50] =	vst v16  }
0x281: {  	v58 =	vld [tilespmem:$0x1FC60];
	[tilespmem:v0+s23+$0x0] =	vst.idx.msk $0xffff, v54  }
0x282: {  	v62 =	vld [tilespmem:$0x1FC80]  }
0x283: {  	v14 =	vor.u32 v38, v50;
	v12 =	vld [tilespmem:$0x1FCA0];
	_ =	sdelay $0x2  }
0x284: {  	v57 =	vor.u32 $0x10, v44  }
0x285: {  	v55 =	vadd.s32 v13, v57;
	[tilespmem:$0x1FC70] =	vst v48  }
0x286: {  	v6 =	vor.u32 v25, v55;
	v10 =	vld [tilespmem:$0x1FC90];
	v1 =	vadd.s32 v62, v57;
	[tilespmem:v14+s23+$0x0] =	vst.idx.msk $0xffff, v12  }
0x287: {  	v5 =	vor.u32 v40, v51;
	v9 =	vor.u32 v25, v1;
	v1 =	vld [tilespmem:$0x1FCC0];
	_ =	sdelay $0x2  }
0x288: {  	v38 =	vor.u32 v39, v50  }
0x289: {  	v56 =	vadd.s32 v16, v57;
	v52 =	vor.u32 v39, v51;
	v39 =	vld.idx.msk [tilespmem:v6+s2+$0x0], $0xffff;
	[tilespmem:$0x1FCB0] =	vst v15  }
0x28a: {  	v4 =	vor.u32 v25, v56;
	[tilespmem:v5+s23+$0x0] =	vst.idx.msk $0xffff, v1  }
0x28b: {  	v7 =	vor.u32 v40, v50;
	v1 =	vld [tilespmem:$0x1FCE0];
	_ =	sdelay $0x3  }
0x28c: {  	v59 =	vadd.s32 v58, v57;
	v40 =	vld.idx.msk [tilespmem:v4+s18+$0x0], $0xffff;
	[tilespmem:$0x1FCD0] =	vst v17  }
0x28d: {  	v60 =	vor.u32 v25, v59;
	[tilespmem:v7+s23+$0x0] =	vst.idx.msk $0xffff, v1  }
0x28e: {  	v3 =	vor.u32 v42, v51;
	v1 =	vld [tilespmem:$0x1FD00];
	_ =	sdelay $0x2  }
0x28f: {  	v44 =	vor.u32 v41, v51  }
0x290: {  	v61 =	vadd.s32 v48, v57;
	v49 =	vor.u32 v41, v50;
	v41 =	vld.idx.msk [tilespmem:v60+s2+$0x0], $0xffff;
	[tilespmem:$0x1FCF0] =	vst v19  }
0x291: {  	v0 =	vor.u32 v25, v61;
	[tilespmem:v3+s23+$0x0] =	vst.idx.msk $0xffff, v1  }
0x292: {  	v8 =	vor.u32 v42, v50;
	v1 =	vld [tilespmem:$0x1FD20]  }
0x293: {  	v11 =	vadd.s32 v10, v57  }
0x294: {  	v14 =	vadd.s32 v15, v57;
	v13 =	vor.u32 v25, v11  }
0x295: {  	v16 =	vadd.s32 v17, v57;
	v15 =	vor.u32 v25, v14  }
0x296: {  	v5 =	vor.u32 v25, v16;
	v42 =	vld.idx.msk [tilespmem:v0+s18+$0x0], $0xffff;
	[tilespmem:$0x1FD10] =	vst v18  }
0x297: {  	v17 =	vadd.s32 v19, v57;
	v43 =	vld.idx.msk [tilespmem:v9+s2+$0x0], $0xffff;
	[tilespmem:v8+s23+$0x0] =	vst.idx.msk $0xffff, v1  }
0x298: {  	v19 =	vor.u32 v25, v17;
	v1 =	vld [tilespmem:$0x1FD30]  }
0x299: {  	v56 =	vadd.s32 v18, v57;
	v45 =	vld.idx.msk [tilespmem:v13+s18+$0x0], $0xffff;
	[tilespmem:$0x1FD40] =	vst v20  }
0x29a: {  	v55 =	vor.u32 v25, v56;
	v61 =	vadd.s32 v21, v57;
	v46 =	vld.idx.msk [tilespmem:v15+s2+$0x0], $0xffff;
	[tilespmem:$0x1FD50] =	vst v21  }
0x29b: {  	v56 =	vadd.s32 $0x1C00, v53;
	v51 =	vor.u32 v25, v61;
	v59 =	vadd.s32 v20, v57;
	v47 =	vld.idx.msk [tilespmem:v5+s18+$0x0], $0xffff;
	[tilespmem:$0x1FD60] =	vst v22  }
0x29c: {  	v50 =	vor.u32 v25, v59;
	v62 =	vadd.s32 v22, v57;
	v60 =	vadd.s32 $0xC00, v53;
	[tilespmem:$0x1FD70] =	vst v23  }
0x29d: {  	v53 =	vor.u32 v25, v62;
	v59 =	vand.u32 $0x1C00, v60;
	v48 =	vld.idx.msk [tilespmem:v19+s2+$0x0], $0xffff;
	v58 =	vadd.s32 v1, v57  }
0x29e: {  	s1 =	simm.s32 $0x2;
	[tilespmem:$0x1FD80] =	vst v24;
	v54 =	vor.u32 v25, v58;
	v58 =	vadd.s32 v23, v57;
	v57 =	vadd.s32 v24, v57  }
.LBB2_9:
0x29f: {  	_ =	sdelay $0x2  }
0x2a0: {  	v0 =	vld.idx.msk [tilespmem:v55+s18+$0x0], $0xffff  }
0x2a1: {  	v1 =	vld [tilespmem:$0x1FFF0]  }
0x2a2: {  	v5 =	vld.idx.msk [tilespmem:v54+s2+$0x0], $0xffff  }
0x2a3: {  	v8 =	vld [tilespmem:$0x1FC30]  }
0x2a4: {  	v10 =	vld [tilespmem:$0x1FF80]  }
0x2a5: {  	v2 =	vor.u32 v25, v58;
	v12 =	vld [tilespmem:$0x1FC40]  }
0x2a6: {  	v6 =	vor.u32 v25, v57;
	v13 =	vld [tilespmem:$0x1FC50]  }
0x2a7: {  	v14 =	vld [tilespmem:$0x1FC60]  }
0x2a8: {  	v24 =	vld [tilespmem:$0x1FD10]  }
0x2a9: {  	[tilespmem:v44+s23+$0x0] =	vst.idx.msk $0xffff, v8;
	v8 =	vld.idx.msk [tilespmem:v50+s18+$0x0], $0xffff  }
0x2aa: {  	v4 =	vand.u32 $0x3C00, v56;
	v9 =	vlaneseq.u32;
	v3 =	vor.u32 v1, v59;
	v2 =	vld.idx.msk [tilespmem:v2+s2+$0x0], $0xffff  }
0x2ab: {  	v19 =	vadd.s32 s1, v9;
	v4 =	vor.u32 v1, v4;
	v6 =	vld.idx.msk [tilespmem:v6+s18+$0x0], $0xffff;
	v7 =	vor.u32 v30, v3  }
0x2ac: {  	v26 =	vshll.u32 v19, $0x7;
	v50 =	vld [tilespmem:$0x1FC70];
	v25 =	vor.u32 v30, v4;
	[tilespmem:v49+s23+$0x0] =	vst.idx.msk $0xffff, v27;
	v18 =	vor.u32 v31, v3  }
0x2ad: {  	v31 =	vor.u32 v31, v4;
	v20 =	vor.u32 v32, v4;
	v21 =	vor.u32 v33, v3;
	v49 =	vld [tilespmem:$0x1FD60]  }
0x2ae: {  	v30 =	vld.idx.msk [tilespmem:v51+s2+$0x0], $0xffff;
	v23 =	vor.u32 v33, v4;
	v55 =	vor.u32 v35, v3;
	[tilespmem:v52+s23+$0x0] =	vst.idx.msk $0xffff, v28  }
0x2af: {  	v58 =	vld [tilespmem:$0x1FC80];
	v27 =	vand.u32 $0x8, v19;
	v57 =	vor.u32 v35, v4;
	[tilespmem:v38+s23+$0x0] =	vst.idx.msk $0xffff, v29;
	v29 =	vor.u32 v32, v3  }
0x2b0: {  	v60 =	vor.u32 v36, v3;
	v15 =	vor.u32 v37, v3;
	v28 =	vld.idx.msk [tilespmem:v53+s18+$0x0], $0xffff;
	[tilespmem:v7+s23+$0x0] =	vst.idx.msk $0xffff, v39  }
0x2b1: {  	v22 =	vadd.s32 v12, v27;
	v44 =	vadd.s32 v24, v27;
	[tilespmem:v25+s23+$0x0] =	vst.idx.msk $0xffff, v40;
	v25 =	vand.u32 $0x7, v19;
	v19 =	vld [tilespmem:$0x1FD30]  }
0x2b2: {  	v51 =	vadd.s32 v49, v27;
	[tilespmem:v18+s23+$0x0] =	vst.idx.msk $0xffff, v41;
	v59 =	vor.u32 v25, v22;
	v22 =	vld [tilespmem:$0x1FCD0]  }
0x2b3: {  	v54 =	vadd.s32 v50, v27;
	v18 =	vld [tilespmem:$0x1FD70];
	v35 =	vor.u32 v25, v51;
	[tilespmem:v31+s23+$0x0] =	vst.idx.msk $0xffff, v42  }
0x2b4: {  	v51 =	vld [tilespmem:$0x1FFA0];
	v31 =	vor.u32 v34, v3;
	v3 =	vor.u32 v25, v44;
	[tilespmem:v29+s23+$0x0] =	vst.idx.msk $0xffff, v43  }
0x2b5: {  	v16 =	vor.u32 v25, v54;
	v29 =	vor.u32 v34, v4;
	[tilespmem:v20+s23+$0x0] =	vst.idx.msk $0xffff, v45;
	v20 =	vld [tilespmem:$0x1FC90]  }
0x2b6: {  	[tilespmem:v21+s23+$0x0] =	vst.idx.msk $0xffff, v46;
	v21 =	vld [tilespmem:$0x1FCB0]  }
0x2b7: {  	[tilespmem:v23+s23+$0x0] =	vst.idx.msk $0xffff, v47;
	v23 =	vld [tilespmem:$0x1FCF0]  }
0x2b8: {  	v52 =	vadd.s32 v13, v27;
	v56 =	vadd.s32 v58, v27;
	v35 =	vld.idx.msk [tilespmem:v35+s18+$0x0], $0xffff  }
0x2b9: {  	v61 =	vor.u32 v25, v52;
	[tilespmem:v31+s23+$0x0] =	vst.idx.msk $0xffff, v48;
	v31 =	vor.u32 v36, v4;
	v3 =	vld.idx.msk [tilespmem:v3+s18+$0x0], $0xffff  }
0x2ba: {  	v17 =	vor.u32 v25, v56;
	[tilespmem:v29+s23+$0x0] =	vst.idx.msk $0xffff, v0;
	v0 =	vld.idx.msk [tilespmem:v16+s18+$0x0], $0xffff  }
0x2bb: {  	v45 =	vadd.s32 v19, v27;
	v4 =	vor.u32 v37, v4;
	v16 =	vld [tilespmem:$0x1FD50];
	[tilespmem:v55+s23+$0x0] =	vst.idx.msk $0xffff, v5  }
0x2bc: {  	v5 =	vor.u32 v25, v45;
	v45 =	vld [tilespmem:$0x1FFC0];
	[tilespmem:v57+s23+$0x0] =	vst.idx.msk $0xffff, v8  }
0x2bd: {  	v53 =	vadd.s32 v14, v27;
	v38 =	vor.u32 v9, v26;
	v8 =	vld.idx.msk [tilespmem:v59+s2+$0x0], $0xffff;
	[tilespmem:v60+s23+$0x0] =	vst.idx.msk $0xffff, v30  }
0x2be: {  	v32 =	vor.u32 v10, v26;
	v62 =	vor.u32 v25, v53;
	v30 =	vld.idx.msk [tilespmem:v61+s18+$0x0], $0xffff;
	[tilespmem:v31+s23+$0x0] =	vst.idx.msk $0xffff, v28  }
0x2bf: {  	v41 =	vadd.s32 v22, v27;
	v52 =	vadd.s32 v18, v27;
	[tilespmem:v15+s23+$0x0] =	vst.idx.msk $0xffff, v2;
	v15 =	vld [tilespmem:$0x1FD80]  }
0x2c0: {  	v37 =	vadd.s32 v20, v27;
	v28 =	vor.u32 v25, v41;
	[tilespmem:v4+s23+$0x0] =	vst.idx.msk $0xffff, v6;
	v4 =	vld.idx.msk [tilespmem:v17+s2+$0x0], $0xffff  }
0x2c1: {  	v36 =	vor.u32 v25, v52;
	v7 =	vor.u32 v25, v37;
	v39 =	vadd.s32 v21, v27;
	v17 =	vld [tilespmem:$0x1FD40]  }
0x2c2: {  	v29 =	vand.u32 $0x780, v26;
	v40 =	vor.u32 v25, v39;
	v42 =	vadd.s32 v23, v27;
	v60 =	vld [tilespmem:$0x1FF90]  }
0x2c3: {  	v55 =	vadd.s32 $0x1400, v29;
	v31 =	vld.idx.msk [tilespmem:v62+s2+$0x0], $0xffff;
	v43 =	vor.u32 v25, v42;
	v47 =	vadd.s32 v16, v27  }
0x2c4: {  	v54 =	vadd.s32 $0x400, v29;
	v56 =	vand.u32 $0x1C00, v55;
	v34 =	vor.u32 v25, v47;
	v5 =	vld.idx.msk [tilespmem:v5+s2+$0x0], $0xffff  }
0x2c5: {  	v39 =	vld.idx.msk [tilespmem:v28+s18+$0x0], $0xffff;
	v28 =	vand.u32 $0x388, v38;
	v38 =	vand.u32 $0xC00, v54;
	v53 =	vadd.s32 v15, v27  }
0x2c6: {  	v7 =	vld.idx.msk [tilespmem:v7+s18+$0x0], $0xffff;
	v41 =	vor.u32 v1, v38;
	v46 =	vadd.s32 v17, v27;
	v37 =	vor.u32 v25, v53  }
0x2c7: {  	v42 =	vor.u32 v1, v56;
	v33 =	vld.idx.msk [tilespmem:v40+s2+$0x0], $0xffff;
	v57 =	vor.u32 v28, v41;
	v6 =	vor.u32 v25, v46  }
0x2c8: {  	v32 =	vand.u32 $0x398, v32;
	v2 =	vld.idx.msk [tilespmem:v43+s2+$0x0], $0xffff;
	v38 =	vor.u32 v28, v42  }
0x2c9: {  	v43 =	vld.idx.msk [tilespmem:v34+s2+$0x0], $0xffff;
	v59 =	vor.u32 v32, v41  }
0x2ca: {  	v46 =	vld.idx.msk [tilespmem:v36+s2+$0x0], $0xffff  }
0x2cb: {  	v44 =	vor.u32 v60, v26;
	v37 =	vld.idx.msk [tilespmem:v37+s18+$0x0], $0xffff  }
0x2cc: {  	v61 =	vor.u32 v32, v42;
	v44 =	vand.u32 $0x3A8, v44;
	v6 =	vld.idx.msk [tilespmem:v6+s18+$0x0], $0xffff;
	[tilespmem:v57+s23+$0x0] =	vst.idx.msk $0xffff, v8  }
0x2cd: {  	v47 =	vor.u32 v51, v26;
	v62 =	vor.u32 v44, v41;
	[tilespmem:v38+s23+$0x0] =	vst.idx.msk $0xffff, v30  }
0x2ce: {  	v47 =	vand.u32 $0x3B8, v47;
	v52 =	vor.u32 v44, v42;
	[tilespmem:v59+s23+$0x0] =	vst.idx.msk $0xffff, v31;
	v59 =	vld [tilespmem:$0x1FFD0]  }
0x2cf: {  	v53 =	vor.u32 v63, v26;
	v30 =	vor.u32 v47, v41  }
0x2d0: {  	v60 =	vld [tilespmem:$0x1FFE0];
	v48 =	vand.u32 $0x3C8, v53;
	v31 =	vor.u32 v47, v42  }
0x2d1: {  	v55 =	vor.u32 v45, v26;
	v54 =	vor.u32 v48, v41;
	[tilespmem:v61+s23+$0x0] =	vst.idx.msk $0xffff, v0  }
0x2d2: {  	v34 =	vand.u32 $0x3D8, v55;
	v56 =	vor.u32 v48, v42;
	[tilespmem:v62+s23+$0x0] =	vst.idx.msk $0xffff, v4  }
0x2d3: {  	v57 =	vor.u32 v34, v41;
	[tilespmem:v52+s23+$0x0] =	vst.idx.msk $0xffff, v7;
	v8 =	vor.u32 v59, v26  }
0x2d4: {  	[tilespmem:v30+s23+$0x0] =	vst.idx.msk $0xffff, v33;
	v30 =	vor.u32 v34, v42;
	v36 =	vand.u32 $0x3E8, v8  }
0x2d5: {  	[tilespmem:v31+s23+$0x0] =	vst.idx.msk $0xffff, v39;
	v8 =	vor.u32 v60, v26;
	v26 =	vor.u32 v36, v41  }
0x2d6: {  	v27 =	vor.u32 $0x10, v27;
	[tilespmem:v54+s23+$0x0] =	vst.idx.msk $0xffff, v2;
	v61 =	vor.u32 v36, v42;
	v38 =	vand.u32 $0x3F8, v8  }
0x2d7: {  	v40 =	vadd.s32 v50, v27;
	[tilespmem:v56+s23+$0x0] =	vst.idx.msk $0xffff, v3;
	v63 =	vor.u32 v38, v41  }
0x2d8: {  	v31 =	vadd.s32 v12, v27;
	[tilespmem:v57+s23+$0x0] =	vst.idx.msk $0xffff, v5;
	v39 =	vor.u32 v38, v42  }
0x2d9: {  	v62 =	vadd.s32 v13, v27;
	v41 =	vor.u32 v25, v31;
	[tilespmem:v30+s23+$0x0] =	vst.idx.msk $0xffff, v6  }
0x2da: {  	v55 =	vadd.s32 v19, v27;
	v2 =	vor.u32 v25, v62;
	[tilespmem:v26+s23+$0x0] =	vst.idx.msk $0xffff, v43  }
0x2db: {  	v51 =	vor.u32 v25, v40;
	v42 =	vadd.s32 v58, v27;
	[tilespmem:v61+s23+$0x0] =	vst.idx.msk $0xffff, v35  }
0x2dc: {  	v57 =	vmov v50;
	v50 =	vadd.s32 v21, v27;
	v53 =	vor.u32 v25, v42;
	[tilespmem:v63+s23+$0x0] =	vst.idx.msk $0xffff, v46  }
0x2dd: {  	v52 =	vadd.s32 v22, v27;
	v4 =	vor.u32 v25, v50;
	[tilespmem:v39+s23+$0x0] =	vst.idx.msk $0xffff, v37  }
0x2de: {  	v33 =	vadd.s32 v14, v27;
	v7 =	vor.u32 v25, v52;
	v54 =	vadd.s32 v23, v27;
	v6 =	vld.idx.msk [tilespmem:v41+s2+$0x0], $0xffff  }
0x2df: {  	v59 =	vadd.s32 v16, v27;
	v8 =	vor.u32 v25, v54;
	v31 =	vadd.s32 v24, v27;
	v2 =	vld.idx.msk [tilespmem:v2+s18+$0x0], $0xffff  }
0x2e0: {  	v60 =	vadd.s32 v49, v27;
	v62 =	vor.u32 v25, v59;
	v31 =	vor.u32 v25, v31;
	v3 =	vld.idx.msk [tilespmem:v51+s18+$0x0], $0xffff  }
0x2e1: {  	v30 =	vadd.s32 $0xC00, v29;
	v29 =	vadd.s32 $0x1C00, v29;
	v43 =	vor.u32 v25, v33;
	v5 =	vld.idx.msk [tilespmem:v53+s2+$0x0], $0xffff  }
0x2e2: {  	v56 =	vadd.s32 v17, v27;
	v29 =	vand.u32 $0x3C00, v29;
	v33 =	vor.u32 v25, v55;
	v4 =	vld.idx.msk [tilespmem:v4+s2+$0x0], $0xffff  }
0x2e3: {  	v30 =	vand.u32 $0x1C00, v30;
	v50 =	vor.u32 v1, v29;
	v26 =	vadd.s32 v20, v27;
	v7 =	vld.idx.msk [tilespmem:v7+s18+$0x0], $0xffff  }
0x2e4: {  	s0 =	sadd.s32 $0x1, s1;
	v54 =	vor.u32 v28, v50;
	v26 =	vor.u32 v25, v26;
	v61 =	vadd.s32 v18, v27;
	v8 =	vld.idx.msk [tilespmem:v8+s2+$0x0], $0xffff  }
0x2e5: {  	v55 =	vadd.s32 s0, v9;
	v27 =	vadd.s32 v15, v27;
	v63 =	vor.u32 v25, v61;
	v11 =	vld.idx.msk [tilespmem:v31+s18+$0x0], $0xffff  }
0x2e6: {  	v40 =	vmovc v14;
	v37 =	vor.u32 v1, v30;
	v51 =	vor.u32 v25, v60;
	v53 =	vand.u32 $0x8, v55;
	v0 =	vld.idx.msk [tilespmem:v43+s2+$0x0], $0xffff  }
0x2e7: {  	v30 =	vor.u32 v28, v37;
	v43 =	vld.idx.msk [tilespmem:v33+s2+$0x0], $0xffff;
	v28 =	vadd.s32 v14, v53;
	v14 =	vor.u32 v34, v37  }
0x2e8: {  	v42 =	vmov v12;
	v60 =	vld.idx.msk [tilespmem:v62+s2+$0x0], $0xffff;
	v61 =	vor.u32 v48, v37;
	v33 =	vor.u32 v47, v37;
	[tilespmem:$0x1FC10] =	vst v14  }
0x2e9: {  	v46 =	vmov v17;
	v29 =	vadd.s32 v57, v53;
	v17 =	vld.idx.msk [tilespmem:v26+s18+$0x0], $0xffff;
	v26 =	vor.u32 v25, v56;
	[tilespmem:$0x1FBB0] =	vst v7  }
0x2ea: {  	v56 =	vor.u32 v44, v37;
	v14 =	vadd.s32 v19, v53;
	v7 =	vor.u32 v25, v27;
	[tilespmem:$0x1FBC0] =	vst v8  }
0x2eb: {  	v41 =	vmovc v13;
	v8 =	vor.u32 v32, v37;
	[tilespmem:$0x1FBE0] =	vst v11;
	v25 =	vand.u32 $0x7, v55;
	v27 =	vadd.s32 v12, v53  }
0x2ec: {  	v32 =	vor.u32 v32, v50;
	[tilespmem:$0x1FC00] =	vst v43;
	v43 =	vor.u32 v47, v50;
	v31 =	vor.u32 v25, v27  }
0x2ed: {  	v27 =	vadd.s32 v13, v53;
	v13 =	vor.u32 v25, v28;
	v28 =	vld.idx.msk [tilespmem:v63+s2+$0x0], $0xffff;
	v47 =	vor.u32 v25, v29  }
0x2ee: {  	v39 =	vmov v57;
	[tilespmem:$0x1FC30] =	vst v60;
	v12 =	vor.u32 v48, v50;
	v59 =	vld.idx.msk [tilespmem:v26+s18+$0x0], $0xffff;
	v62 =	vor.u32 v25, v27  }
0x2ef: {  	v55 =	vshll.u32 v55, $0x7;
	[tilespmem:$0x1FBF0] =	vst v12;
	v63 =	vadd.s32 v58, v53;
	v12 =	vadd.s32 v20, v53;
	v27 =	vld.idx.msk [tilespmem:v51+s18+$0x0], $0xffff  }
0x2f0: {  	v60 =	vor.u32 v10, v55;
	v10 =	vadd.s32 v16, v53;
	v11 =	vor.u32 v25, v63;
	v29 =	vld.idx.msk [tilespmem:v7+s18+$0x0], $0xffff  }
0x2f1: {  	[tilespmem:$0x1FBD0] =	vst v61;
	v26 =	vmov v58;
	v58 =	vor.u32 v9, v55;
	v9 =	vadd.s32 v46, v53;
	v57 =	vld.idx.msk [tilespmem:v31+s2+$0x0], $0xffff  }
0x2f2: {  	v63 =	vor.u32 v25, v14;
	v10 =	vor.u32 v25, v10;
	v9 =	vor.u32 v25, v9;
	v52 =	vld.idx.msk [tilespmem:v47+s18+$0x0], $0xffff  }
0x2f3: {  	[tilespmem:v30+s23+$0x0] =	vst.idx.msk $0xffff, v6;
	v7 =	vor.u32 v25, v12;
	v30 =	vadd.s32 v21, v53;
	v35 =	vld.idx.msk [tilespmem:v62+s18+$0x0], $0xffff  }
0x2f4: {  	v48 =	vmov v49;
	v30 =	vor.u32 v25, v30;
	v31 =	vadd.s32 v22, v53;
	[tilespmem:$0x1FC20] =	vst v59;
	v59 =	vld.idx.msk [tilespmem:v13+s2+$0x0], $0xffff  }
0x2f5: {  	v47 =	vadd.s32 v49, v53;
	v49 =	vadd.s32 v15, v53;
	[tilespmem:v54+s23+$0x0] =	vst.idx.msk $0xffff, v2;
	v6 =	vld.idx.msk [tilespmem:v11+s2+$0x0], $0xffff  }
0x2f6: {  	v31 =	vor.u32 v25, v31;
	[tilespmem:v8+s23+$0x0] =	vst.idx.msk $0xffff, v0;
	v14 =	vor.u32 v25, v49;
	v49 =	vld [tilespmem:$0x1FF90]  }
0x2f7: {  	v13 =	vadd.s32 v23, v53;
	[tilespmem:v32+s23+$0x0] =	vst.idx.msk $0xffff, v3;
	v3 =	vld.idx.msk [tilespmem:v9+s18+$0x0], $0xffff  }
0x2f8: {  	v62 =	vadd.s32 v24, v53;
	v61 =	vor.u32 v25, v13;
	[tilespmem:v56+s23+$0x0] =	vst.idx.msk $0xffff, v5;
	v5 =	vld.idx.msk [tilespmem:v10+s2+$0x0], $0xffff  }
0x2f9: {  	v62 =	vor.u32 v25, v62;
	v7 =	vld.idx.msk [tilespmem:v7+s18+$0x0], $0xffff  }
0x2fa: {  	v44 =	vor.u32 v44, v50;
	v51 =	vand.u32 $0x780, v55;
	v12 =	vld.idx.msk [tilespmem:v30+s2+$0x0], $0xffff  }
0x2fb: {  	v8 =	vor.u32 v25, v47;
	v13 =	vadd.s32 v18, v53;
	v2 =	vld.idx.msk [tilespmem:v31+s18+$0x0], $0xffff;
	v31 =	vadd.s32 $0x400, v51  }
0x2fc: {  	v30 =	vand.u32 $0x388, v58;
	v58 =	vld.idx.msk [tilespmem:v63+s2+$0x0], $0xffff;
	v47 =	vand.u32 $0xC00, v31;
	v31 =	vadd.s32 $0x1400, v51  }
0x2fd: {  	v13 =	vor.u32 v25, v13;
	v0 =	vld.idx.msk [tilespmem:v61+s2+$0x0], $0xffff;
	v11 =	vor.u32 v1, v47;
	v31 =	vand.u32 $0x1C00, v31  }
0x2fe: {  	v54 =	vld.idx.msk [tilespmem:v62+s18+$0x0], $0xffff;
	v61 =	vor.u32 v30, v11;
	v62 =	vor.u32 v1, v31  }
0x2ff: {  	v63 =	vld [tilespmem:$0x1FFB0];
	v31 =	vand.u32 $0x398, v60;
	v9 =	vor.u32 v30, v62  }
0x300: {  	v56 =	vor.u32 v49, v55;
	v8 =	vld.idx.msk [tilespmem:v8+s18+$0x0], $0xffff;
	v10 =	vor.u32 v31, v11  }
0x301: {  	[tilespmem:v44+s23+$0x0] =	vst.idx.msk $0xffff, v17;
	v32 =	vand.u32 $0x3A8, v56;
	v60 =	vld [tilespmem:$0x1FFA0];
	v44 =	vor.u32 v31, v62  }
0x302: {  	[tilespmem:v33+s23+$0x0] =	vst.idx.msk $0xffff, v4;
	v4 =	vld.idx.msk [tilespmem:v13+s2+$0x0], $0xffff;
	v13 =	vor.u32 v32, v11  }
0x303: {  	v14 =	vld.idx.msk [tilespmem:v14+s18+$0x0], $0xffff;
	[tilespmem:v61+s23+$0x0] =	vst.idx.msk $0xffff, v57  }
0x304: {  	[tilespmem:v9+s23+$0x0] =	vst.idx.msk $0xffff, v35  }
0x305: {  	[tilespmem:v10+s23+$0x0] =	vst.idx.msk $0xffff, v59  }
0x306: {  	v1 =	vor.u32 v60, v55;
	[tilespmem:v44+s23+$0x0] =	vst.idx.msk $0xffff, v52  }
0x307: {  	v17 =	vor.u32 v32, v62;
	v33 =	vand.u32 $0x3B8, v1;
	[tilespmem:v13+s23+$0x0] =	vst.idx.msk $0xffff, v6;
	v13 =	vld [tilespmem:$0x1FFD0]  }
0x308: {  	v56 =	vor.u32 v34, v50;
	v47 =	vor.u32 v63, v55;
	v9 =	vor.u32 v33, v11  }
0x309: {  	v34 =	vand.u32 $0x3C8, v47;
	v1 =	vor.u32 v45, v55;
	v60 =	vor.u32 v33, v62;
	v59 =	vld [tilespmem:$0x1FFE0]  }
0x30a: {  	v49 =	vor.u32 v36, v50;
	v61 =	vor.u32 v34, v11;
	v35 =	vand.u32 $0x3D8, v1  }
0x30b: {  	v44 =	vor.u32 v36, v37;
	v45 =	vor.u32 v35, v62;
	v6 =	vor.u32 v34, v62  }
0x30c: {  	[tilespmem:v17+s23+$0x0] =	vst.idx.msk $0xffff, v7;
	v7 =	vor.u32 v35, v11;
	v17 =	vor.u32 v13, v55  }
0x30d: {  	v52 =	vor.u32 v38, v37;
	v38 =	vor.u32 v38, v50;
	[tilespmem:v9+s23+$0x0] =	vst.idx.msk $0xffff, v12;
	v36 =	vand.u32 $0x3E8, v17  }
0x30e: {  	v10 =	vor.u32 $0x10, v53;
	[tilespmem:v60+s23+$0x0] =	vst.idx.msk $0xffff, v2;
	v60 =	vor.u32 v59, v55;
	v47 =	vor.u32 v36, v11  }
0x30f: {  	v50 =	vadd.s32 v40, v10;
	[tilespmem:v61+s23+$0x0] =	vst.idx.msk $0xffff, v0;
	v37 =	vand.u32 $0x3F8, v60;
	v61 =	vor.u32 v36, v62  }
0x310: {  	v57 =	vadd.s32 v26, v10;
	v9 =	vld [tilespmem:$0x1FBD0];
	[tilespmem:v6+s23+$0x0] =	vst.idx.msk $0xffff, v54;
	v12 =	vor.u32 v37, v11  }
0x311: {  	v53 =	vor.u32 v25, v50;
	v59 =	vld [tilespmem:$0x1FBB0];
	v13 =	vor.u32 v37, v62;
	[tilespmem:v7+s23+$0x0] =	vst.idx.msk $0xffff, v58  }
0x312: {  	v17 =	vadd.s32 v42, v10;
	v54 =	vadd.s32 v39, v10;
	v62 =	vld [tilespmem:$0x1FBC0];
	[tilespmem:v45+s23+$0x0] =	vst.idx.msk $0xffff, v3  }
0x313: {  	v42 =	vor.u32 v25, v17;
	[tilespmem:v47+s23+$0x0] =	vst.idx.msk $0xffff, v5;
	v5 =	vor.u32 v25, v57;
	v57 =	vld [tilespmem:$0x1FC20]  }
0x314: {  	v55 =	vor.u32 v25, v54;
	[tilespmem:v61+s23+$0x0] =	vst.idx.msk $0xffff, v8;
	v61 =	vadd.s32 v21, v10;
	v21 =	vld [tilespmem:$0x1FC00]  }
0x315: {  	v58 =	vadd.s32 v20, v10;
	[tilespmem:v12+s23+$0x0] =	vst.idx.msk $0xffff, v4;
	v12 =	vadd.s32 v22, v10;
	v22 =	vld [tilespmem:$0x1FC10]  }
0x316: {  	v20 =	vadd.s32 v23, v10;
	v60 =	vor.u32 v25, v58;
	[tilespmem:v13+s23+$0x0] =	vst.idx.msk $0xffff, v14;
	v13 =	vld [tilespmem:$0x1FBE0]  }
0x317: {  	v45 =	vadd.s32 v41, v10;
	v23 =	vor.u32 v25, v20;
	v14 =	vld [tilespmem:$0x1FBF0]  }
0x318: {  	v47 =	vor.u32 v25, v45;
	v39 =	vld.idx.msk [tilespmem:v42+s2+$0x0], $0xffff  }
0x319: {  	v41 =	vld.idx.msk [tilespmem:v53+s2+$0x0], $0xffff  }
0x31a: {  	v11 =	vor.u32 v25, v61;
	v42 =	vld.idx.msk [tilespmem:v55+s18+$0x0], $0xffff  }
0x31b: {  	[tilespmem:v43+s23+$0x0] =	vst.idx.msk $0xffff, v59;
	v17 =	vor.u32 v25, v12;
	v45 =	vld.idx.msk [tilespmem:v60+s18+$0x0], $0xffff  }
0x31c: {  	p1 =	slt.u32 s1, $0xE;
	v58 =	vadd.s32 v19, v10;
	[tilespmem:v9+s23+$0x0] =	vst.idx.msk $0xffff, v62;
	v62 =	vadd.s32 v48, v10;
	v48 =	vld.idx.msk [tilespmem:v23+s2+$0x0], $0xffff  }
.Ltmp5:
0x31d: {  	v54 =	vor.u32 v25, v58;
	v59 =	vadd.s32 v46, v10;
	v58 =	vadd.s32 v18, v10;
	v40 =	vld.idx.msk [tilespmem:v47+s18+$0x0], $0xffff;
	(pc) =	sbr.rel @p1 .LBB2_9-.Ltmp5, $4  }
0x31e: {  	v50 =	vor.u32 v25, v59;
	v61 =	vadd.s32 v16, v10;
	v55 =	vadd.s32 v24, v10;
	v43 =	vld.idx.msk [tilespmem:v5+s2+$0x0], $0xffff  }
0x31f: {  	v60 =	vadd.s32 $0xC00, v51;
	v53 =	vor.u32 v25, v62;
	v46 =	vld.idx.msk [tilespmem:v11+s2+$0x0], $0xffff;
	[tilespmem:v14+s23+$0x0] =	vst.idx.msk $0xffff, v13  }
0x320: {  	v55 =	vor.u32 v25, v55;
	v59 =	vand.u32 $0x1C00, v60;
	v47 =	vld.idx.msk [tilespmem:v17+s18+$0x0], $0xffff;
	[tilespmem:v22+s23+$0x0] =	vst.idx.msk $0xffff, v21  }
0x321: {  	s1 =	sadd.s32 $0x2, s1;
	[tilespmem:v56+s23+$0x0] =	vst.idx.msk $0xffff, v57;
	v56 =	vadd.s32 $0x1C00, v51;
	v51 =	vor.u32 v25, v61;
	v57 =	vadd.s32 v15, v10  }
0x322: {  	v1 =	vld [tilespmem:$0x1FFF0];
	_ =	sdelay $0x1  }
0x323: {  	v9 =	vld [tilespmem:$0x1FC30];
	_ =	sdelay $0x2  }
0x324: {  	v0 =	vld.idx.msk [tilespmem:v55+s18+$0x0], $0xffff;
	v2 =	vor.u32 v25, v58;
	v4 =	vand.u32 $0x3C00, v56;
	v3 =	vor.u32 v1, v59  }
0x325: {  	v5 =	vld.idx.msk [tilespmem:v54+s2+$0x0], $0xffff;
	v6 =	vor.u32 v25, v57;
	v4 =	vor.u32 v1, v4;
	v7 =	vor.u32 v30, v3  }
0x326: {  	v8 =	vld.idx.msk [tilespmem:v50+s18+$0x0], $0xffff;
	[tilespmem:v44+s23+$0x0] =	vst.idx.msk $0xffff, v9;
	v50 =	vor.u32 v30, v4  }
0x327: {  	v10 =	vld.idx.msk [tilespmem:v51+s2+$0x0], $0xffff;
	[tilespmem:v49+s23+$0x0] =	vst.idx.msk $0xffff, v27;
	v11 =	vor.u32 v31, v3  }
0x328: {  	v12 =	vld.idx.msk [tilespmem:v53+s18+$0x0], $0xffff;
	v13 =	vor.u32 v31, v4;
	[tilespmem:v52+s23+$0x0] =	vst.idx.msk $0xffff, v28  }
0x329: {  	v2 =	vld.idx.msk [tilespmem:v2+s2+$0x0], $0xffff;
	v14 =	vor.u32 v32, v3;
	[tilespmem:v38+s23+$0x0] =	vst.idx.msk $0xffff, v29  }
0x32a: {  	v6 =	vld.idx.msk [tilespmem:v6+s18+$0x0], $0xffff;
	v52 =	vor.u32 v32, v4;
	[tilespmem:v7+s23+$0x0] =	vst.idx.msk $0xffff, v39  }
0x32b: {  	v53 =	vor.u32 v33, v3;
	[tilespmem:v50+s23+$0x0] =	vst.idx.msk $0xffff, v40  }
0x32c: {  	v54 =	vor.u32 v33, v4;
	[tilespmem:v11+s23+$0x0] =	vst.idx.msk $0xffff, v41  }
0x32d: {  	v55 =	vor.u32 v34, v3;
	[tilespmem:v13+s23+$0x0] =	vst.idx.msk $0xffff, v42  }
0x32e: {  	v56 =	vor.u32 v34, v4;
	[tilespmem:v14+s23+$0x0] =	vst.idx.msk $0xffff, v43  }
0x32f: {  	v57 =	vor.u32 v35, v3;
	[tilespmem:v52+s23+$0x0] =	vst.idx.msk $0xffff, v45  }
0x330: {  	v58 =	vor.u32 v35, v4;
	[tilespmem:v53+s23+$0x0] =	vst.idx.msk $0xffff, v46  }
0x331: {  	v59 =	vor.u32 v36, v3;
	[tilespmem:v54+s23+$0x0] =	vst.idx.msk $0xffff, v47  }
0x332: {  	v60 =	vor.u32 v36, v4;
	[tilespmem:v55+s23+$0x0] =	vst.idx.msk $0xffff, v48  }
0x333: {  	v61 =	vor.u32 v37, v3;
	[tilespmem:v56+s23+$0x0] =	vst.idx.msk $0xffff, v0  }
0x334: {  	v62 =	vor.u32 v37, v4;
	[tilespmem:v57+s23+$0x0] =	vst.idx.msk $0xffff, v5  }
0x335: {  	[tilespmem:v58+s23+$0x0] =	vst.idx.msk $0xffff, v8  }
.Ltmp6:
0x336: {  	[tilespmem:v59+s23+$0x0] =	vst.idx.msk $0xffff, v10;
	(pc) =	sbr.rel @p0 .LBB2_12-.Ltmp6, $4  }
0x337: {  	[tilespmem:v60+s23+$0x0] =	vst.idx.msk $0xffff, v12  }
0x338: {  	s0 =	sadd.s32 s31, s5;
	[tilespmem:v61+s23+$0x0] =	vst.idx.msk $0xffff, v2  }
0x339: {  	s0 =	sadd.s32 $0x80, s0;
	[tilespmem:v62+s23+$0x0] =	vst.idx.msk $0xffff, v6  }
0x33a: {  	[hbm4b:s0+s20] =	stream.strided.scatter [tilespmem:s23], [sflag:$0x4], $0x2400, s21, s20, $0x38;
	[tilespmem:$0x19A20] =	vst v63  }
.Ltmp7:
0x33b: {  	(pc) =	sbr.rel .LBB2_6-.Ltmp7, $4  }
0x33c: {  	_ = 	snop  }
0x33d: {  	s0 =	sshll.u32 s30, $0x4  }
0x33e: {  	s29 =	sadd.s32 $0x1, s29;
	s0 =	sadd.s32 s11, s0  }
0x33f: {  	v0 =	vlaneseq.u32;
	v2 =	vld [tilespmem:$0x1FF80];
	[tilespmem:s16], [sflag:$0x2] =	stream.strided.gather [hbm4b:s0+s13], $0x500, s14, s13, $0x38  }
.LBB2_13:
0x340: {  	_ =	sfence.sel $0x180000  }
0x341: {  	[bflag:$0x0] =	sbarrier.arrive $0xFFFF  }
0x342: {  	_ =	strace $0x90000047  }
0x343: {  	s0 =	stileid.u32;
	[bflag:$0x2] =	sbarrier.arrive $0xFFFF  }
0x344: {  	p0 =	sne.s32 s0, $0x0;
	s0 =	rddreg [dreg:$0x2]  }
0x345: {  	s0 =	sadd.s32 @!p0 $0x100000, s0  }
0x346: {  	[sflag:s0] =	ssyncadd.tile.s32 @!p0 $0x1;
	_ =	shalt  }
.Lfunc_end2:
_tile_overlayer_lowered:
.L_overlay_start_2:
0x347: {  	(tag) =	ssettag $0x2  }
0x348: {  	s0 =	rddreg [dreg:$0x0];
	s2 =	stileid.u32  }
0x349: {  	s1 =	rddreg [dreg:$0x1];
	p0 =	sne.s32 s2, $0x0  }
0x34a: {  	s3 =	rddreg [dreg:$0x2];
	[bflag:$0x3] =	sbarrier.arrive $0xFFFF;
	s2 =	simm.s32 @!p0 $0x1C06  }
0x34b: {  	[timem:s3], [sflag:s2] =	dma.local @!p0 [hbm:s0], s1  }
0x34c: {  	s0 =	simm.s32 @!p0 $0x6  }
0x34d: {  	_ =	swait.ge @!p0 [sflag:s0], s1  }
0x34e: {  	s1 =	ssub.s32 @!p0 $0x0, s1;
	[sflag:s0] =	ssyncset.done @!p0 $0x0  }
0x34f: {  	[sflag:s0] =	ssyncadd.s32 @!p0 s1  }
0x350: {  	[bflag:$0x3] =	sbarrier.arrive $0xFFFF  }
0x351: {  	_ =	shalt  }

</sc_bundles>
